<compile_context>
chip_gen: v7x
topology: tpu7x:2x2x1
jax: 0.10.2.dev20260603
libtpu: 0.0.44.dev20260713+nightly
codegen_flags: <defaults>
</compile_context>

<pallas_src>
import functools

import jax
import jax.numpy as jnp
from jax import lax
from jax.experimental import pallas as pl
from jax.experimental.pallas import tpu as pltpu
from jax.experimental.pallas import tpu_sc as plsc

N = 10000
E = 320000
D = 128

NC = 2
NS = 16
NW = NC * NS

CHUNK = 32
G = 8
QP = 8
NPAIR = 20
NCHUNK = NPAIR * 2 * QP
PAIRC = 2 * QP
EDGES_PT = NCHUNK * CHUNK
E_PAD = EDGES_PT * NW

ROWS_PT = -(-(N + 8) // (NS * 8)) * 8
AGG_ROWS = ROWS_PT * NS

_mesh = plsc.VectorSubcoreMesh(core_axis_name="c", subcore_axis_name="s")


@functools.partial(
    pl.kernel,
    out_type=jax.ShapeDtypeStruct((NC, AGG_ROWS, D), jnp.float32),
    mesh=_mesh,
    scratch_types=[
        [pltpu.VMEM((QP, CHUNK), jnp.int32) for _ in range(2)],
        [pltpu.VMEM((QP, CHUNK), jnp.int32) for _ in range(2)],
        [pltpu.VMEM((CHUNK, D), jnp.float32) for _ in range(G)],
        [pltpu.SemaphoreType.DMA for _ in range(G)],
        [pltpu.SemaphoreType.DMA for _ in range(G)],
        [pltpu.SemaphoreType.DMA for _ in range(2)],
        pltpu.VMEM_SHARED((AGG_ROWS, D), jnp.float32),
    ],
)
def _sc_scatter(x_hbm, row_hbm, col_hbm, out_hbm,
                rowv, colv, gath, gsem, ssem, isem, agg):
    cid = lax.axis_index("c")
    sid = lax.axis_index("s")
    wid = cid * NS + sid

    def zrow(j, carry):
        for k in range(D // 16):
            gath[0][j, pl.ds(k * 16, 16)] = jnp.zeros((16,), jnp.float32)
        return carry

    lax.fori_loop(0, CHUNK, zrow, 0)
    base_row = sid * ROWS_PT
    for c in range(ROWS_PT // CHUNK):
        pltpu.sync_copy(gath[0], agg.at[pl.ds(base_row + c * CHUNK, CHUNK)])
    _rem = ROWS_PT % CHUNK
    if _rem:
        pltpu.sync_copy(gath[0].at[pl.ds(0, _rem)],
                        agg.at[pl.ds(base_row + (ROWS_PT // CHUNK) * CHUNK,
                                     _rem)])
    plsc.subcore_barrier()

    def idx_load(pair, half, buf):
        off = jnp.minimum((pair * 2 + half) * QP, NCHUNK - QP)
        pltpu.async_copy(row_hbm.at[wid, pl.ds(off, QP)], rowv[buf], isem[buf])
        pltpu.async_copy(col_hbm.at[wid, pl.ds(off, QP)], colv[buf], isem[buf])

    def idx_wait(buf):
        pltpu.make_async_copy(row_hbm.at[wid, pl.ds(0, QP)], rowv[buf],
                              isem[buf]).wait()
        pltpu.make_async_copy(col_hbm.at[wid, pl.ds(0, QP)], colv[buf],
                              isem[buf]).wait()

    def cv(i):
        return colv[(i // QP) % 2].at[i % QP]

    def rv(i):
        return rowv[(i // QP) % 2].at[i % QP]

    idx_load(0, 0, 0)
    idx_load(0, 1, 1)
    idx_wait(0)
    for b in range(G):
        pltpu.async_copy(x_hbm.at[cv(b)], gath[b], gsem[b])

    def gwait(b):
        pltpu.make_async_copy(x_hbm.at[pl.ds(0, CHUNK)], gath[b],
                              gsem[b]).wait()

    def pair_body(pair, carry):
        for i in range(PAIRC):
            b = i % G
            gwait(b)
            pltpu.async_copy(gath[b], agg.at[rv(i)], ssem[b], add=True).wait()
            nxt = i + G
            if nxt == QP:
                idx_wait(1)
            if i == QP - 1:
                idx_load(pair + 1, 0, 0)
            if i == PAIRC - 1:
                idx_load(pair + 1, 1, 1)
            if nxt >= PAIRC:
                if nxt == PAIRC:
                    idx_wait(0)
                pltpu.async_copy(x_hbm.at[cv(nxt - PAIRC)], gath[b], gsem[b])
            else:
                pltpu.async_copy(x_hbm.at[cv(nxt)], gath[b], gsem[b])
        return carry

    lax.fori_loop(0, NPAIR, pair_body, 0)

    for b in range(G):
        gwait(b)
    idx_wait(1)

    plsc.subcore_barrier()
    pltpu.sync_copy(agg.at[pl.ds(base_row, ROWS_PT)],
                    out_hbm.at[cid, pl.ds(base_row, ROWS_PT)])


_ROWS_BLK = 1000


def _mlp_body(x_ref, p_ref, w1_ref, b1_ref, w2_ref, b2_ref, o_ref):
    acc = x_ref[...] + p_ref[0] + p_ref[1]
    h = jnp.maximum(
        jnp.dot(acc, w1_ref[...], preferred_element_type=jnp.float32)
        + b1_ref[...], 0.0)
    o_ref[...] = (jnp.dot(h, w2_ref[...], preferred_element_type=jnp.float32)
                  + b2_ref[...])


_mlp = pl.pallas_call(
    _mlp_body,
    out_shape=jax.ShapeDtypeStruct((N, D), jnp.float32),
    grid=(N // _ROWS_BLK,),
    in_specs=[
        pl.BlockSpec((_ROWS_BLK, D), lambda i: (i, 0)),
        pl.BlockSpec((NC, _ROWS_BLK, D), lambda i: (0, i, 0)),
        pl.BlockSpec((D, D), lambda i: (0, 0)),
        pl.BlockSpec((1, D), lambda i: (0, 0)),
        pl.BlockSpec((D, D), lambda i: (0, 0)),
        pl.BlockSpec((1, D), lambda i: (0, 0)),
    ],
    out_specs=pl.BlockSpec((_ROWS_BLK, D), lambda i: (i, 0)),
)


def kernel(x, edge_index, W1, b1, W2, b2):
    row = edge_index[0].astype(jnp.int32)
    col = edge_index[1].astype(jnp.int32)
    npad = E_PAD - E
    pad_iota = jnp.arange(npad, dtype=jnp.int32)
    row_p = jnp.concatenate([row, N + pad_iota % (AGG_ROWS - N)])
    col_p = jnp.concatenate([col, pad_iota % N])
    row_p = row_p.reshape(NW, NCHUNK, CHUNK)
    col_p = col_p.reshape(NW, NCHUNK, CHUNK)
    partials = _sc_scatter(x, row_p, col_p)
    return _mlp(x, partials, W1, b1.reshape(1, D), W2, b2.reshape(1, D))

# --- scband reference (transcript-rebuilt; emitter-appended) ---
"""Pipeline reference for scband-ginconv-50105088475247 (READ-ONLY COPY).

The authoritative reference and input builder live on the scoring server;
editing this copy changes nothing except your own understanding.
"""

import jax, jax.numpy as jnp
import numpy as np

N = 10000
E = 320000
D = 128

def setup_inputs(seed: int = 0) -> dict:
    key = jax.random.key(seed)
    k1, k2, k3, k4 = jax.random.split(key, 4)
    x = jax.random.normal(k1, (N, D), dtype=jnp.float32)
    edge_index = jax.random.randint(k2, (2, E), 0, N, dtype=jnp.int64)
    # MLP params (Sequential(Linear(128,128), ReLU, Linear(128,128))) with Kaiming-uniform-like init
    bound1 = 1.0 / np.sqrt(D)
    W1 = jax.random.uniform(k3, (D, D), dtype=jnp.float32, minval=-bound1, maxval=bound1)
    b1 = jax.random.uniform(jax.random.fold_in(k3, 1), (D,), dtype=jnp.float32, minval=-bound1, maxval=bound1)
    W2 = jax.random.uniform(k4, (D, D), dtype=jnp.float32, minval=-bound1, maxval=bound1)
    b2 = jax.random.uniform(jax.random.fold_in(k4, 1), (D,), dtype=jnp.float32, minval=-bound1, maxval=bound1)
    return {"x": x, "edge_index": edge_index, "W1": W1, "b1": b1, "W2": W2, "b2": b2}

def reference(x, edge_index, W1, b1, W2, b2):
    row = edge_index[0]
    col = edge_index[1]
    # scatter_add(x[col], row, dim=0, dim_size=N)
    agg = jnp.zeros((x.shape[0], x.shape[1]), dtype=x.dtype).at[row].add(x[col])
    out = agg + x
    # self.nn: Linear -> ReLU -> Linear
    h = jnp.maximum(out @ W1 + b1, 0.0)
    out = h @ W2 + b2
    return out

if __name__ == "__main__":
    import jax
    _d = setup_inputs()
    print(jax.jit(kernel)(*tuple(_d.values())))

</pallas_src>

<mosaic_0001>
#map = affine_map<(d0, d1) -> (0, 0)>
#map1 = affine_map<(d0, d1) -> (0, 0, 0)>
module attributes {stable_mosaic.version = 14 : i64} {
  func.func @_sc_scatter(%arg0: i32, %arg1: i32, %arg2: memref<10000x128xf32, #tpu.memory_space<hbm>>, %arg3: memref<32x320x32xi32, #tpu.memory_space<hbm>>, %arg4: memref<32x320x32xi32, #tpu.memory_space<hbm>>, %arg5: memref<2x10112x128xf32, #tpu.memory_space<hbm>>, %arg6: memref<8x32xi32, #tpu.memory_space<vmem>>, %arg7: memref<8x32xi32, #tpu.memory_space<vmem>>, %arg8: memref<8x32xi32, #tpu.memory_space<vmem>>, %arg9: memref<8x32xi32, #tpu.memory_space<vmem>>, %arg10: memref<32x128xf32, #tpu.memory_space<vmem>>, %arg11: memref<32x128xf32, #tpu.memory_space<vmem>>, %arg12: memref<32x128xf32, #tpu.memory_space<vmem>>, %arg13: memref<32x128xf32, #tpu.memory_space<vmem>>, %arg14: memref<32x128xf32, #tpu.memory_space<vmem>>, %arg15: memref<32x128xf32, #tpu.memory_space<vmem>>, %arg16: memref<32x128xf32, #tpu.memory_space<vmem>>, %arg17: memref<32x128xf32, #tpu.memory_space<vmem>>, %arg18: memref<!tpu.dma_semaphore, #tpu.memory_space<semaphore_mem>>, %arg19: memref<!tpu.dma_semaphore, #tpu.memory_space<semaphore_mem>>, %arg20: memref<!tpu.dma_semaphore, #tpu.memory_space<semaphore_mem>>, %arg21: memref<!tpu.dma_semaphore, #tpu.memory_space<semaphore_mem>>, %arg22: memref<!tpu.dma_semaphore, #tpu.memory_space<semaphore_mem>>, %arg23: memref<!tpu.dma_semaphore, #tpu.memory_space<semaphore_mem>>, %arg24: memref<!tpu.dma_semaphore, #tpu.memory_space<semaphore_mem>>, %arg25: memref<!tpu.dma_semaphore, #tpu.memory_space<semaphore_mem>>, %arg26: memref<!tpu.dma_semaphore, #tpu.memory_space<semaphore_mem>>, %arg27: memref<!tpu.dma_semaphore, #tpu.memory_space<semaphore_mem>>, %arg28: memref<!tpu.dma_semaphore, #tpu.memory_space<semaphore_mem>>, %arg29: memref<!tpu.dma_semaphore, #tpu.memory_space<semaphore_mem>>, %arg30: memref<!tpu.dma_semaphore, #tpu.memory_space<semaphore_mem>>, %arg31: memref<!tpu.dma_semaphore, #tpu.memory_space<semaphore_mem>>, %arg32: memref<!tpu.dma_semaphore, #tpu.memory_space<semaphore_mem>>, %arg33: memref<!tpu.dma_semaphore, #tpu.memory_space<semaphore_mem>>, %arg34: memref<!tpu.dma_semaphore, #tpu.memory_space<semaphore_mem>>, %arg35: memref<!tpu.dma_semaphore, #tpu.memory_space<semaphore_mem>>, %arg36: memref<10112x128xf32, #tpu.memory_space<vmem_shared>>) attributes {dimension_semantics = [#tpu.dimension_semantics<core_parallel>, #tpu.dimension_semantics<subcore_parallel>], iteration_bounds = array<i64: 2, 16>, scalar_prefetch = 0 : i64, scratch_operands = 31 : i64, tpu.core_type = #tpu.core_type<sc_vector_subcore>, window_params = [{transform_indices = #map}, {transform_indices = #map1}, {transform_indices = #map1}, {transform_indices = #map1}]} {
    %mul3A = arith.constant 16 : i32
    %mul3A_0 = arith.muli %arg0, %mul3A : i32
    %add3A = arith.addi %mul3A_0, %arg1 : i32
    %scan3A = arith.constant 0 : i32
    %scan3A_1 = arith.constant 0 : i32
    %scan3A_2 = arith.constant 32 : i32
    %scan3A_3 = arith.addi %scan3A_1, %scan3A_2 : i32
    %scan3A_4 = arith.constant 1 : i32
    scf.for %scan3A_218 = %scan3A_1 to %scan3A_3 step %scan3A_4  : i32 {
      %broadcast_in_dim3A = arith.constant 0.000000e+00 : f32
      %broadcast_in_dim3A_219 = vector.broadcast %broadcast_in_dim3A : f32 to vector<16xf32>
      %swap3A = arith.index_cast %scan3A_218 : i32 to index
      %swap3A_220 = arith.constant 0 : index
      %swap3A_221 = tpu.vector_load %arg10[%swap3A, %swap3A_220] {strides = array<i32>} : memref<32x128xf32, #tpu.memory_space<vmem>>, vector<1x16xf32>,
      %swap3A_222 = vector.shape_cast %swap3A_221 : vector<1x16xf32> to vector<16xf32>
      %swap3A_223 = vector.shape_cast %broadcast_in_dim3A_219 : vector<16xf32> to vector<1x16xf32>
      tpu.vector_store %arg10[%swap3A, %swap3A_220], %swap3A_223 {strides = array<i32>} : memref<32x128xf32, #tpu.memory_space<vmem>>, vector<1x16xf32>,
      %broadcast_in_dim3A_224 = arith.constant 0.000000e+00 : f32
      %broadcast_in_dim3A_225 = vector.broadcast %broadcast_in_dim3A_224 : f32 to vector<16xf32>
      %swap3A_226 = arith.index_cast %scan3A_218 : i32 to index
      %swap3A_227 = arith.constant 16 : index
      %swap3A_228 = tpu.vector_load %arg10[%swap3A_226, %swap3A_227] {strides = array<i32>} : memref<32x128xf32, #tpu.memory_space<vmem>>, vector<1x16xf32>,
      %swap3A_229 = vector.shape_cast %swap3A_228 : vector<1x16xf32> to vector<16xf32>
      %swap3A_230 = vector.shape_cast %broadcast_in_dim3A_225 : vector<16xf32> to vector<1x16xf32>
      tpu.vector_store %arg10[%swap3A_226, %swap3A_227], %swap3A_230 {strides = array<i32>} : memref<32x128xf32, #tpu.memory_space<vmem>>, vector<1x16xf32>,
      %broadcast_in_dim3A_231 = arith.constant 0.000000e+00 : f32
      %broadcast_in_dim3A_232 = vector.broadcast %broadcast_in_dim3A_231 : f32 to vector<16xf32>
      %swap3A_233 = arith.index_cast %scan3A_218 : i32 to index
      %swap3A_234 = arith.constant 32 : index
      %swap3A_235 = tpu.vector_load %arg10[%swap3A_233, %swap3A_234] {strides = array<i32>} : memref<32x128xf32, #tpu.memory_space<vmem>>, vector<1x16xf32>,
      %swap3A_236 = vector.shape_cast %swap3A_235 : vector<1x16xf32> to vector<16xf32>
      %swap3A_237 = vector.shape_cast %broadcast_in_dim3A_232 : vector<16xf32> to vector<1x16xf32>
      tpu.vector_store %arg10[%swap3A_233, %swap3A_234], %swap3A_237 {strides = array<i32>} : memref<32x128xf32, #tpu.memory_space<vmem>>, vector<1x16xf32>,
      %broadcast_in_dim3A_238 = arith.constant 0.000000e+00 : f32
      %broadcast_in_dim3A_239 = vector.broadcast %broadcast_in_dim3A_238 : f32 to vector<16xf32>
      %swap3A_240 = arith.index_cast %scan3A_218 : i32 to index
      %swap3A_241 = arith.constant 48 : index
      %swap3A_242 = tpu.vector_load %arg10[%swap3A_240, %swap3A_241] {strides = array<i32>} : memref<32x128xf32, #tpu.memory_space<vmem>>, vector<1x16xf32>,
      %swap3A_243 = vector.shape_cast %swap3A_242 : vector<1x16xf32> to vector<16xf32>
      %swap3A_244 = vector.shape_cast %broadcast_in_dim3A_239 : vector<16xf32> to vector<1x16xf32>
      tpu.vector_store %arg10[%swap3A_240, %swap3A_241], %swap3A_244 {strides = array<i32>} : memref<32x128xf32, #tpu.memory_space<vmem>>, vector<1x16xf32>,
      %broadcast_in_dim3A_245 = arith.constant 0.000000e+00 : f32
      %broadcast_in_dim3A_246 = vector.broadcast %broadcast_in_dim3A_245 : f32 to vector<16xf32>
      %swap3A_247 = arith.index_cast %scan3A_218 : i32 to index
      %swap3A_248 = arith.constant 64 : index
      %swap3A_249 = tpu.vector_load %arg10[%swap3A_247, %swap3A_248] {strides = array<i32>} : memref<32x128xf32, #tpu.memory_space<vmem>>, vector<1x16xf32>,
      %swap3A_250 = vector.shape_cast %swap3A_249 : vector<1x16xf32> to vector<16xf32>
      %swap3A_251 = vector.shape_cast %broadcast_in_dim3A_246 : vector<16xf32> to vector<1x16xf32>
      tpu.vector_store %arg10[%swap3A_247, %swap3A_248], %swap3A_251 {strides = array<i32>} : memref<32x128xf32, #tpu.memory_space<vmem>>, vector<1x16xf32>,
      %broadcast_in_dim3A_252 = arith.constant 0.000000e+00 : f32
      %broadcast_in_dim3A_253 = vector.broadcast %broadcast_in_dim3A_252 : f32 to vector<16xf32>
      %swap3A_254 = arith.index_cast %scan3A_218 : i32 to index
      %swap3A_255 = arith.constant 80 : index
      %swap3A_256 = tpu.vector_load %arg10[%swap3A_254, %swap3A_255] {strides = array<i32>} : memref<32x128xf32, #tpu.memory_space<vmem>>, vector<1x16xf32>,
      %swap3A_257 = vector.shape_cast %swap3A_256 : vector<1x16xf32> to vector<16xf32>
      %swap3A_258 = vector.shape_cast %broadcast_in_dim3A_253 : vector<16xf32> to vector<1x16xf32>
      tpu.vector_store %arg10[%swap3A_254, %swap3A_255], %swap3A_258 {strides = array<i32>} : memref<32x128xf32, #tpu.memory_space<vmem>>, vector<1x16xf32>,
      %broadcast_in_dim3A_259 = arith.constant 0.000000e+00 : f32
      %broadcast_in_dim3A_260 = vector.broadcast %broadcast_in_dim3A_259 : f32 to vector<16xf32>
      %swap3A_261 = arith.index_cast %scan3A_218 : i32 to index
      %swap3A_262 = arith.constant 96 : index
      %swap3A_263 = tpu.vector_load %arg10[%swap3A_261, %swap3A_262] {strides = array<i32>} : memref<32x128xf32, #tpu.memory_space<vmem>>, vector<1x16xf32>,
      %swap3A_264 = vector.shape_cast %swap3A_263 : vector<1x16xf32> to vector<16xf32>
      %swap3A_265 = vector.shape_cast %broadcast_in_dim3A_260 : vector<16xf32> to vector<1x16xf32>
      tpu.vector_store %arg10[%swap3A_261, %swap3A_262], %swap3A_265 {strides = array<i32>} : memref<32x128xf32, #tpu.memory_space<vmem>>, vector<1x16xf32>,
      %broadcast_in_dim3A_266 = arith.constant 0.000000e+00 : f32
      %broadcast_in_dim3A_267 = vector.broadcast %broadcast_in_dim3A_266 : f32 to vector<16xf32>
      %swap3A_268 = arith.index_cast %scan3A_218 : i32 to index
      %swap3A_269 = arith.constant 112 : index
      %swap3A_270 = tpu.vector_load %arg10[%swap3A_268, %swap3A_269] {strides = array<i32>} : memref<32x128xf32, #tpu.memory_space<vmem>>, vector<1x16xf32>,
      %swap3A_271 = vector.shape_cast %swap3A_270 : vector<1x16xf32> to vector<16xf32>
      %swap3A_272 = vector.shape_cast %broadcast_in_dim3A_267 : vector<16xf32> to vector<1x16xf32>
      tpu.vector_store %arg10[%swap3A_268, %swap3A_269], %swap3A_272 {strides = array<i32>} : memref<32x128xf32, #tpu.memory_space<vmem>>, vector<1x16xf32>,
    }
    %scan3A_5 = arith.constant 32 : i32
    %mul3A_6 = arith.constant 632 : i32
    %mul3A_7 = arith.muli %arg1, %mul3A_6 : i32
    %add3A_8 = arith.constant 0 : i32
    %add3A_9 = arith.addi %mul3A_7, %add3A_8 : i32
    "tpu.region"() ({
      %run_scoped3A = tpu.sem_alloc : memref<!tpu.dma_semaphore, #tpu.memory_space<semaphore_mem>>
      %dma_start3A_218 = arith.constant 0 : i32
      %dma_start3A_219 = tpu.memref_slice %arg36[%add3A_9, %dma_start3A_218] : memref<10112x128xf32, #tpu.memory_space<vmem_shared>> -> memref<32x128xf32, #tpu.memory_space<vmem_shared>>
      %dma_start3A_220 = arith.constant 0 : i32
      %dma_start3A_221 = tpu.memref_slice %arg36[%add3A_9, %dma_start3A_220] : memref<10112x128xf32, #tpu.memory_space<vmem_shared>> -> memref<32x128xf32, #tpu.memory_space<vmem_shared>>
      tpu.enqueue_dma source(%arg10 : memref<32x128xf32, #tpu.memory_space<vmem>>) target(%dma_start3A_221 : memref<32x128xf32, #tpu.memory_space<vmem_shared>>) target_semaphore(%run_scoped3A : memref<!tpu.dma_semaphore, #tpu.memory_space<semaphore_mem>>)
      %dma_wait3A_222 = arith.constant 0 : i32
      %dma_wait3A_223 = tpu.memref_slice %arg36[%add3A_9, %dma_wait3A_222] : memref<10112x128xf32, #tpu.memory_space<vmem_shared>> -> memref<32x128xf32, #tpu.memory_space<vmem_shared>>
      %dma_wait3A_224 = arith.constant 0 : i32
      %dma_wait3A_225 = tpu.memref_slice %arg36[%add3A_9, %dma_wait3A_224] : memref<10112x128xf32, #tpu.memory_space<vmem_shared>> -> memref<32x128xf32, #tpu.memory_space<vmem_shared>>
      tpu.wait_dma2 semaphore(%run_scoped3A : memref<!tpu.dma_semaphore, #tpu.memory_space<semaphore_mem>>) src(%arg10 : memref<32x128xf32, #tpu.memory_space<vmem>>) dst(%dma_wait3A_225 : memref<32x128xf32, #tpu.memory_space<vmem_shared>>)
      tpu.yield
    }) : () -> ()
    %add3A_10 = arith.constant 32 : i32
    %add3A_11 = arith.addi %mul3A_7, %add3A_10 : i32
    "tpu.region"() ({
      %run_scoped3A = tpu.sem_alloc : memref<!tpu.dma_semaphore, #tpu.memory_space<semaphore_mem>>
      %dma_start3A_218 = arith.constant 0 : i32
      %dma_start3A_219 = tpu.memref_slice %arg36[%add3A_11, %dma_start3A_218] : memref<10112x128xf32, #tpu.memory_space<vmem_shared>> -> memref<32x128xf32, #tpu.memory_space<vmem_shared>>
      %dma_start3A_220 = arith.constant 0 : i32
      %dma_start3A_221 = tpu.memref_slice %arg36[%add3A_11, %dma_start3A_220] : memref<10112x128xf32, #tpu.memory_space<vmem_shared>> -> memref<32x128xf32, #tpu.memory_space<vmem_shared>>
      tpu.enqueue_dma source(%arg10 : memref<32x128xf32, #tpu.memory_space<vmem>>) target(%dma_start3A_221 : memref<32x128xf32, #tpu.memory_space<vmem_shared>>) target_semaphore(%run_scoped3A : memref<!tpu.dma_semaphore, #tpu.memory_space<semaphore_mem>>)
      %dma_wait3A_222 = arith.constant 0 : i32
      %dma_wait3A_223 = tpu.memref_slice %arg36[%add3A_11, %dma_wait3A_222] : memref<10112x128xf32, #tpu.memory_space<vmem_shared>> -> memref<32x128xf32, #tpu.memory_space<vmem_shared>>
      %dma_wait3A_224 = arith.constant 0 : i32
      %dma_wait3A_225 = tpu.memref_slice %arg36[%add3A_11, %dma_wait3A_224] : memref<10112x128xf32, #tpu.memory_space<vmem_shared>> -> memref<32x128xf32, #tpu.memory_space<vmem_shared>>
      tpu.wait_dma2 semaphore(%run_scoped3A : memref<!tpu.dma_semaphore, #tpu.memory_space<semaphore_mem>>) src(%arg10 : memref<32x128xf32, #tpu.memory_space<vmem>>) dst(%dma_wait3A_225 : memref<32x128xf32, #tpu.memory_space<vmem_shared>>)
      tpu.yield
    }) : () -> ()
    %add3A_12 = arith.constant 64 : i32
    %add3A_13 = arith.addi %mul3A_7, %add3A_12 : i32
    "tpu.region"() ({
      %run_scoped3A = tpu.sem_alloc : memref<!tpu.dma_semaphore, #tpu.memory_space<semaphore_mem>>
      %dma_start3A_218 = arith.constant 0 : i32
      %dma_start3A_219 = tpu.memref_slice %arg36[%add3A_13, %dma_start3A_218] : memref<10112x128xf32, #tpu.memory_space<vmem_shared>> -> memref<32x128xf32, #tpu.memory_space<vmem_shared>>
      %dma_start3A_220 = arith.constant 0 : i32
      %dma_start3A_221 = tpu.memref_slice %arg36[%add3A_13, %dma_start3A_220] : memref<10112x128xf32, #tpu.memory_space<vmem_shared>> -> memref<32x128xf32, #tpu.memory_space<vmem_shared>>
      tpu.enqueue_dma source(%arg10 : memref<32x128xf32, #tpu.memory_space<vmem>>) target(%dma_start3A_221 : memref<32x128xf32, #tpu.memory_space<vmem_shared>>) target_semaphore(%run_scoped3A : memref<!tpu.dma_semaphore, #tpu.memory_space<semaphore_mem>>)
      %dma_wait3A_222 = arith.constant 0 : i32
      %dma_wait3A_223 = tpu.memref_slice %arg36[%add3A_13, %dma_wait3A_222] : memref<10112x128xf32, #tpu.memory_space<vmem_shared>> -> memref<32x128xf32, #tpu.memory_space<vmem_shared>>
      %dma_wait3A_224 = arith.constant 0 : i32
      %dma_wait3A_225 = tpu.memref_slice %arg36[%add3A_13, %dma_wait3A_224] : memref<10112x128xf32, #tpu.memory_space<vmem_shared>> -> memref<32x128xf32, #tpu.memory_space<vmem_shared>>
      tpu.wait_dma2 semaphore(%run_scoped3A : memref<!tpu.dma_semaphore, #tpu.memory_space<semaphore_mem>>) src(%arg10 : memref<32x128xf32, #tpu.memory_space<vmem>>) dst(%dma_wait3A_225 : memref<32x128xf32, #tpu.memory_space<vmem_shared>>)
      tpu.yield
    }) : () -> ()
    %add3A_14 = arith.constant 96 : i32
    %add3A_15 = arith.addi %mul3A_7, %add3A_14 : i32
    "tpu.region"() ({
      %run_scoped3A = tpu.sem_alloc : memref<!tpu.dma_semaphore, #tpu.memory_space<semaphore_mem>>
      %dma_start3A_218 = arith.constant 0 : i32
      %dma_start3A_219 = tpu.memref_slice %arg36[%add3A_15, %dma_start3A_218] : memref<10112x128xf32, #tpu.memory_space<vmem_shared>> -> memref<32x128xf32, #tpu.memory_space<vmem_shared>>
      %dma_start3A_220 = arith.constant 0 : i32
      %dma_start3A_221 = tpu.memref_slice %arg36[%add3A_15, %dma_start3A_220] : memref<10112x128xf32, #tpu.memory_space<vmem_shared>> -> memref<32x128xf32, #tpu.memory_space<vmem_shared>>
      tpu.enqueue_dma source(%arg10 : memref<32x128xf32, #tpu.memory_space<vmem>>) target(%dma_start3A_221 : memref<32x128xf32, #tpu.memory_space<vmem_shared>>) target_semaphore(%run_scoped3A : memref<!tpu.dma_semaphore, #tpu.memory_space<semaphore_mem>>)
      %dma_wait3A_222 = arith.constant 0 : i32
      %dma_wait3A_223 = tpu.memref_slice %arg36[%add3A_15, %dma_wait3A_222] : memref<10112x128xf32, #tpu.memory_space<vmem_shared>> -> memref<32x128xf32, #tpu.memory_space<vmem_shared>>
      %dma_wait3A_224 = arith.constant 0 : i32
      %dma_wait3A_225 = tpu.memref_slice %arg36[%add3A_15, %dma_wait3A_224] : memref<10112x128xf32, #tpu.memory_space<vmem_shared>> -> memref<32x128xf32, #tpu.memory_space<vmem_shared>>
      tpu.wait_dma2 semaphore(%run_scoped3A : memref<!tpu.dma_semaphore, #tpu.memory_space<semaphore_mem>>) src(%arg10 : memref<32x128xf32, #tpu.memory_space<vmem>>) dst(%dma_wait3A_225 : memref<32x128xf32, #tpu.memory_space<vmem_shared>>)
      tpu.yield
    }) : () -> ()
    %add3A_16 = arith.constant 128 : i32
    %add3A_17 = arith.addi %mul3A_7, %add3A_16 : i32
    "tpu.region"() ({
      %run_scoped3A = tpu.sem_alloc : memref<!tpu.dma_semaphore, #tpu.memory_space<semaphore_mem>>
      %dma_start3A_218 = arith.constant 0 : i32
      %dma_start3A_219 = tpu.memref_slice %arg36[%add3A_17, %dma_start3A_218] : memref<10112x128xf32, #tpu.memory_space<vmem_shared>> -> memref<32x128xf32, #tpu.memory_space<vmem_shared>>
      %dma_start3A_220 = arith.constant 0 : i32
      %dma_start3A_221 = tpu.memref_slice %arg36[%add3A_17, %dma_start3A_220] : memref<10112x128xf32, #tpu.memory_space<vmem_shared>> -> memref<32x128xf32, #tpu.memory_space<vmem_shared>>
      tpu.enqueue_dma source(%arg10 : memref<32x128xf32, #tpu.memory_space<vmem>>) target(%dma_start3A_221 : memref<32x128xf32, #tpu.memory_space<vmem_shared>>) target_semaphore(%run_scoped3A : memref<!tpu.dma_semaphore, #tpu.memory_space<semaphore_mem>>)
      %dma_wait3A_222 = arith.constant 0 : i32
      %dma_wait3A_223 = tpu.memref_slice %arg36[%add3A_17, %dma_wait3A_222] : memref<10112x128xf32, #tpu.memory_space<vmem_shared>> -> memref<32x128xf32, #tpu.memory_space<vmem_shared>>
      %dma_wait3A_224 = arith.constant 0 : i32
      %dma_wait3A_225 = tpu.memref_slice %arg36[%add3A_17, %dma_wait3A_224] : memref<10112x128xf32, #tpu.memory_space<vmem_shared>> -> memref<32x128xf32, #tpu.memory_space<vmem_shared>>
      tpu.wait_dma2 semaphore(%run_scoped3A : memref<!tpu.dma_semaphore, #tpu.memory_space<semaphore_mem>>) src(%arg10 : memref<32x128xf32, #tpu.memory_space<vmem>>) dst(%dma_wait3A_225 : memref<32x128xf32, #tpu.memory_space<vmem_shared>>)
      tpu.yield
    }) : () -> ()
    %add3A_18 = arith.constant 160 : i32
    %add3A_19 = arith.addi %mul3A_7, %add3A_18 : i32
    "tpu.region"() ({
      %run_scoped3A = tpu.sem_alloc : memref<!tpu.dma_semaphore, #tpu.memory_space<semaphore_mem>>
      %dma_start3A_218 = arith.constant 0 : i32
      %dma_start3A_219 = tpu.memref_slice %arg36[%add3A_19, %dma_start3A_218] : memref<10112x128xf32, #tpu.memory_space<vmem_shared>> -> memref<32x128xf32, #tpu.memory_space<vmem_shared>>
      %dma_start3A_220 = arith.constant 0 : i32
      %dma_start3A_221 = tpu.memref_slice %arg36[%add3A_19, %dma_start3A_220] : memref<10112x128xf32, #tpu.memory_space<vmem_shared>> -> memref<32x128xf32, #tpu.memory_space<vmem_shared>>
      tpu.enqueue_dma source(%arg10 : memref<32x128xf32, #tpu.memory_space<vmem>>) target(%dma_start3A_221 : memref<32x128xf32, #tpu.memory_space<vmem_shared>>) target_semaphore(%run_scoped3A : memref<!tpu.dma_semaphore, #tpu.memory_space<semaphore_mem>>)
      %dma_wait3A_222 = arith.constant 0 : i32
      %dma_wait3A_223 = tpu.memref_slice %arg36[%add3A_19, %dma_wait3A_222] : memref<10112x128xf32, #tpu.memory_space<vmem_shared>> -> memref<32x128xf32, #tpu.memory_space<vmem_shared>>
      %dma_wait3A_224 = arith.constant 0 : i32
      %dma_wait3A_225 = tpu.memref_slice %arg36[%add3A_19, %dma_wait3A_224] : memref<10112x128xf32, #tpu.memory_space<vmem_shared>> -> memref<32x128xf32, #tpu.memory_space<vmem_shared>>
      tpu.wait_dma2 semaphore(%run_scoped3A : memref<!tpu.dma_semaphore, #tpu.memory_space<semaphore_mem>>) src(%arg10 : memref<32x128xf32, #tpu.memory_space<vmem>>) dst(%dma_wait3A_225 : memref<32x128xf32, #tpu.memory_space<vmem_shared>>)
      tpu.yield
    }) : () -> ()
    %add3A_20 = arith.constant 192 : i32
    %add3A_21 = arith.addi %mul3A_7, %add3A_20 : i32
    "tpu.region"() ({
      %run_scoped3A = tpu.sem_alloc : memref<!tpu.dma_semaphore, #tpu.memory_space<semaphore_mem>>
      %dma_start3A_218 = arith.constant 0 : i32
      %dma_start3A_219 = tpu.memref_slice %arg36[%add3A_21, %dma_start3A_218] : memref<10112x128xf32, #tpu.memory_space<vmem_shared>> -> memref<32x128xf32, #tpu.memory_space<vmem_shared>>
      %dma_start3A_220 = arith.constant 0 : i32
      %dma_start3A_221 = tpu.memref_slice %arg36[%add3A_21, %dma_start3A_220] : memref<10112x128xf32, #tpu.memory_space<vmem_shared>> -> memref<32x128xf32, #tpu.memory_space<vmem_shared>>
      tpu.enqueue_dma source(%arg10 : memref<32x128xf32, #tpu.memory_space<vmem>>) target(%dma_start3A_221 : memref<32x128xf32, #tpu.memory_space<vmem_shared>>) target_semaphore(%run_scoped3A : memref<!tpu.dma_semaphore, #tpu.memory_space<semaphore_mem>>)
      %dma_wait3A_222 = arith.constant 0 : i32
      %dma_wait3A_223 = tpu.memref_slice %arg36[%add3A_21, %dma_wait3A_222] : memref<10112x128xf32, #tpu.memory_space<vmem_shared>> -> memref<32x128xf32, #tpu.memory_space<vmem_shared>>
      %dma_wait3A_224 = arith.constant 0 : i32
      %dma_wait3A_225 = tpu.memref_slice %arg36[%add3A_21, %dma_wait3A_224] : memref<10112x128xf32, #tpu.memory_space<vmem_shared>> -> memref<32x128xf32, #tpu.memory_space<vmem_shared>>
      tpu.wait_dma2 semaphore(%run_scoped3A : memref<!tpu.dma_semaphore, #tpu.memory_space<semaphore_mem>>) src(%arg10 : memref<32x128xf32, #tpu.memory_space<vmem>>) dst(%dma_wait3A_225 : memref<32x128xf32, #tpu.memory_space<vmem_shared>>)
      tpu.yield
    }) : () -> ()
    %add3A_22 = arith.constant 224 : i32
    %add3A_23 = arith.addi %mul3A_7, %add3A_22 : i32
    "tpu.region"() ({
      %run_scoped3A = tpu.sem_alloc : memref<!tpu.dma_semaphore, #tpu.memory_space<semaphore_mem>>
      %dma_start3A_218 = arith.constant 0 : i32
      %dma_start3A_219 = tpu.memref_slice %arg36[%add3A_23, %dma_start3A_218] : memref<10112x128xf32, #tpu.memory_space<vmem_shared>> -> memref<32x128xf32, #tpu.memory_space<vmem_shared>>
      %dma_start3A_220 = arith.constant 0 : i32
      %dma_start3A_221 = tpu.memref_slice %arg36[%add3A_23, %dma_start3A_220] : memref<10112x128xf32, #tpu.memory_space<vmem_shared>> -> memref<32x128xf32, #tpu.memory_space<vmem_shared>>
      tpu.enqueue_dma source(%arg10 : memref<32x128xf32, #tpu.memory_space<vmem>>) target(%dma_start3A_221 : memref<32x128xf32, #tpu.memory_space<vmem_shared>>) target_semaphore(%run_scoped3A : memref<!tpu.dma_semaphore, #tpu.memory_space<semaphore_mem>>)
      %dma_wait3A_222 = arith.constant 0 : i32
      %dma_wait3A_223 = tpu.memref_slice %arg36[%add3A_23, %dma_wait3A_222] : memref<10112x128xf32, #tpu.memory_space<vmem_shared>> -> memref<32x128xf32, #tpu.memory_space<vmem_shared>>
      %dma_wait3A_224 = arith.constant 0 : i32
      %dma_wait3A_225 = tpu.memref_slice %arg36[%add3A_23, %dma_wait3A_224] : memref<10112x128xf32, #tpu.memory_space<vmem_shared>> -> memref<32x128xf32, #tpu.memory_space<vmem_shared>>
      tpu.wait_dma2 semaphore(%run_scoped3A : memref<!tpu.dma_semaphore, #tpu.memory_space<semaphore_mem>>) src(%arg10 : memref<32x128xf32, #tpu.memory_space<vmem>>) dst(%dma_wait3A_225 : memref<32x128xf32, #tpu.memory_space<vmem_shared>>)
      tpu.yield
    }) : () -> ()
    %add3A_24 = arith.constant 256 : i32
    %add3A_25 = arith.addi %mul3A_7, %add3A_24 : i32
    "tpu.region"() ({
      %run_scoped3A = tpu.sem_alloc : memref<!tpu.dma_semaphore, #tpu.memory_space<semaphore_mem>>
      %dma_start3A_218 = arith.constant 0 : i32
      %dma_start3A_219 = tpu.memref_slice %arg36[%add3A_25, %dma_start3A_218] : memref<10112x128xf32, #tpu.memory_space<vmem_shared>> -> memref<32x128xf32, #tpu.memory_space<vmem_shared>>
      %dma_start3A_220 = arith.constant 0 : i32
      %dma_start3A_221 = tpu.memref_slice %arg36[%add3A_25, %dma_start3A_220] : memref<10112x128xf32, #tpu.memory_space<vmem_shared>> -> memref<32x128xf32, #tpu.memory_space<vmem_shared>>
      tpu.enqueue_dma source(%arg10 : memref<32x128xf32, #tpu.memory_space<vmem>>) target(%dma_start3A_221 : memref<32x128xf32, #tpu.memory_space<vmem_shared>>) target_semaphore(%run_scoped3A : memref<!tpu.dma_semaphore, #tpu.memory_space<semaphore_mem>>)
      %dma_wait3A_222 = arith.constant 0 : i32
      %dma_wait3A_223 = tpu.memref_slice %arg36[%add3A_25, %dma_wait3A_222] : memref<10112x128xf32, #tpu.memory_space<vmem_shared>> -> memref<32x128xf32, #tpu.memory_space<vmem_shared>>
      %dma_wait3A_224 = arith.constant 0 : i32
      %dma_wait3A_225 = tpu.memref_slice %arg36[%add3A_25, %dma_wait3A_224] : memref<10112x128xf32, #tpu.memory_space<vmem_shared>> -> memref<32x128xf32, #tpu.memory_space<vmem_shared>>
      tpu.wait_dma2 semaphore(%run_scoped3A : memref<!tpu.dma_semaphore, #tpu.memory_space<semaphore_mem>>) src(%arg10 : memref<32x128xf32, #tpu.memory_space<vmem>>) dst(%dma_wait3A_225 : memref<32x128xf32, #tpu.memory_space<vmem_shared>>)
      tpu.yield
    }) : () -> ()
    %add3A_26 = arith.constant 288 : i32
    %add3A_27 = arith.addi %mul3A_7, %add3A_26 : i32
    "tpu.region"() ({
      %run_scoped3A = tpu.sem_alloc : memref<!tpu.dma_semaphore, #tpu.memory_space<semaphore_mem>>
      %dma_start3A_218 = arith.constant 0 : i32
      %dma_start3A_219 = tpu.memref_slice %arg36[%add3A_27, %dma_start3A_218] : memref<10112x128xf32, #tpu.memory_space<vmem_shared>> -> memref<32x128xf32, #tpu.memory_space<vmem_shared>>
      %dma_start3A_220 = arith.constant 0 : i32
      %dma_start3A_221 = tpu.memref_slice %arg36[%add3A_27, %dma_start3A_220] : memref<10112x128xf32, #tpu.memory_space<vmem_shared>> -> memref<32x128xf32, #tpu.memory_space<vmem_shared>>
      tpu.enqueue_dma source(%arg10 : memref<32x128xf32, #tpu.memory_space<vmem>>) target(%dma_start3A_221 : memref<32x128xf32, #tpu.memory_space<vmem_shared>>) target_semaphore(%run_scoped3A : memref<!tpu.dma_semaphore, #tpu.memory_space<semaphore_mem>>)
      %dma_wait3A_222 = arith.constant 0 : i32
      %dma_wait3A_223 = tpu.memref_slice %arg36[%add3A_27, %dma_wait3A_222] : memref<10112x128xf32, #tpu.memory_space<vmem_shared>> -> memref<32x128xf32, #tpu.memory_space<vmem_shared>>
      %dma_wait3A_224 = arith.constant 0 : i32
      %dma_wait3A_225 = tpu.memref_slice %arg36[%add3A_27, %dma_wait3A_224] : memref<10112x128xf32, #tpu.memory_space<vmem_shared>> -> memref<32x128xf32, #tpu.memory_space<vmem_shared>>
      tpu.wait_dma2 semaphore(%run_scoped3A : memref<!tpu.dma_semaphore, #tpu.memory_space<semaphore_mem>>) src(%arg10 : memref<32x128xf32, #tpu.memory_space<vmem>>) dst(%dma_wait3A_225 : memref<32x128xf32, #tpu.memory_space<vmem_shared>>)
      tpu.yield
    }) : () -> ()
    %add3A_28 = arith.constant 320 : i32
    %add3A_29 = arith.addi %mul3A_7, %add3A_28 : i32
    "tpu.region"() ({
      %run_scoped3A = tpu.sem_alloc : memref<!tpu.dma_semaphore, #tpu.memory_space<semaphore_mem>>
      %dma_start3A_218 = arith.constant 0 : i32
      %dma_start3A_219 = tpu.memref_slice %arg36[%add3A_29, %dma_start3A_218] : memref<10112x128xf32, #tpu.memory_space<vmem_shared>> -> memref<32x128xf32, #tpu.memory_space<vmem_shared>>
      %dma_start3A_220 = arith.constant 0 : i32
      %dma_start3A_221 = tpu.memref_slice %arg36[%add3A_29, %dma_start3A_220] : memref<10112x128xf32, #tpu.memory_space<vmem_shared>> -> memref<32x128xf32, #tpu.memory_space<vmem_shared>>
      tpu.enqueue_dma source(%arg10 : memref<32x128xf32, #tpu.memory_space<vmem>>) target(%dma_start3A_221 : memref<32x128xf32, #tpu.memory_space<vmem_shared>>) target_semaphore(%run_scoped3A : memref<!tpu.dma_semaphore, #tpu.memory_space<semaphore_mem>>)
      %dma_wait3A_222 = arith.constant 0 : i32
      %dma_wait3A_223 = tpu.memref_slice %arg36[%add3A_29, %dma_wait3A_222] : memref<10112x128xf32, #tpu.memory_space<vmem_shared>> -> memref<32x128xf32, #tpu.memory_space<vmem_shared>>
      %dma_wait3A_224 = arith.constant 0 : i32
      %dma_wait3A_225 = tpu.memref_slice %arg36[%add3A_29, %dma_wait3A_224] : memref<10112x128xf32, #tpu.memory_space<vmem_shared>> -> memref<32x128xf32, #tpu.memory_space<vmem_shared>>
      tpu.wait_dma2 semaphore(%run_scoped3A : memref<!tpu.dma_semaphore, #tpu.memory_space<semaphore_mem>>) src(%arg10 : memref<32x128xf32, #tpu.memory_space<vmem>>) dst(%dma_wait3A_225 : memref<32x128xf32, #tpu.memory_space<vmem_shared>>)
      tpu.yield
    }) : () -> ()
    %add3A_30 = arith.constant 352 : i32
    %add3A_31 = arith.addi %mul3A_7, %add3A_30 : i32
    "tpu.region"() ({
      %run_scoped3A = tpu.sem_alloc : memref<!tpu.dma_semaphore, #tpu.memory_space<semaphore_mem>>
      %dma_start3A_218 = arith.constant 0 : i32
      %dma_start3A_219 = tpu.memref_slice %arg36[%add3A_31, %dma_start3A_218] : memref<10112x128xf32, #tpu.memory_space<vmem_shared>> -> memref<32x128xf32, #tpu.memory_space<vmem_shared>>
      %dma_start3A_220 = arith.constant 0 : i32
      %dma_start3A_221 = tpu.memref_slice %arg36[%add3A_31, %dma_start3A_220] : memref<10112x128xf32, #tpu.memory_space<vmem_shared>> -> memref<32x128xf32, #tpu.memory_space<vmem_shared>>
      tpu.enqueue_dma source(%arg10 : memref<32x128xf32, #tpu.memory_space<vmem>>) target(%dma_start3A_221 : memref<32x128xf32, #tpu.memory_space<vmem_shared>>) target_semaphore(%run_scoped3A : memref<!tpu.dma_semaphore, #tpu.memory_space<semaphore_mem>>)
      %dma_wait3A_222 = arith.constant 0 : i32
      %dma_wait3A_223 = tpu.memref_slice %arg36[%add3A_31, %dma_wait3A_222] : memref<10112x128xf32, #tpu.memory_space<vmem_shared>> -> memref<32x128xf32, #tpu.memory_space<vmem_shared>>
      %dma_wait3A_224 = arith.constant 0 : i32
      %dma_wait3A_225 = tpu.memref_slice %arg36[%add3A_31, %dma_wait3A_224] : memref<10112x128xf32, #tpu.memory_space<vmem_shared>> -> memref<32x128xf32, #tpu.memory_space<vmem_shared>>
      tpu.wait_dma2 semaphore(%run_scoped3A : memref<!tpu.dma_semaphore, #tpu.memory_space<semaphore_mem>>) src(%arg10 : memref<32x128xf32, #tpu.memory_space<vmem>>) dst(%dma_wait3A_225 : memref<32x128xf32, #tpu.memory_space<vmem_shared>>)
      tpu.yield
    }) : () -> ()
    %add3A_32 = arith.constant 384 : i32
    %add3A_33 = arith.addi %mul3A_7, %add3A_32 : i32
    "tpu.region"() ({
      %run_scoped3A = tpu.sem_alloc : memref<!tpu.dma_semaphore, #tpu.memory_space<semaphore_mem>>
      %dma_start3A_218 = arith.constant 0 : i32
      %dma_start3A_219 = tpu.memref_slice %arg36[%add3A_33, %dma_start3A_218] : memref<10112x128xf32, #tpu.memory_space<vmem_shared>> -> memref<32x128xf32, #tpu.memory_space<vmem_shared>>
      %dma_start3A_220 = arith.constant 0 : i32
      %dma_start3A_221 = tpu.memref_slice %arg36[%add3A_33, %dma_start3A_220] : memref<10112x128xf32, #tpu.memory_space<vmem_shared>> -> memref<32x128xf32, #tpu.memory_space<vmem_shared>>
      tpu.enqueue_dma source(%arg10 : memref<32x128xf32, #tpu.memory_space<vmem>>) target(%dma_start3A_221 : memref<32x128xf32, #tpu.memory_space<vmem_shared>>) target_semaphore(%run_scoped3A : memref<!tpu.dma_semaphore, #tpu.memory_space<semaphore_mem>>)
      %dma_wait3A_222 = arith.constant 0 : i32
      %dma_wait3A_223 = tpu.memref_slice %arg36[%add3A_33, %dma_wait3A_222] : memref<10112x128xf32, #tpu.memory_space<vmem_shared>> -> memref<32x128xf32, #tpu.memory_space<vmem_shared>>
      %dma_wait3A_224 = arith.constant 0 : i32
      %dma_wait3A_225 = tpu.memref_slice %arg36[%add3A_33, %dma_wait3A_224] : memref<10112x128xf32, #tpu.memory_space<vmem_shared>> -> memref<32x128xf32, #tpu.memory_space<vmem_shared>>
      tpu.wait_dma2 semaphore(%run_scoped3A : memref<!tpu.dma_semaphore, #tpu.memory_space<semaphore_mem>>) src(%arg10 : memref<32x128xf32, #tpu.memory_space<vmem>>) dst(%dma_wait3A_225 : memref<32x128xf32, #tpu.memory_space<vmem_shared>>)
      tpu.yield
    }) : () -> ()
    %add3A_34 = arith.constant 416 : i32
    %add3A_35 = arith.addi %mul3A_7, %add3A_34 : i32
    "tpu.region"() ({
      %run_scoped3A = tpu.sem_alloc : memref<!tpu.dma_semaphore, #tpu.memory_space<semaphore_mem>>
      %dma_start3A_218 = arith.constant 0 : i32
      %dma_start3A_219 = tpu.memref_slice %arg36[%add3A_35, %dma_start3A_218] : memref<10112x128xf32, #tpu.memory_space<vmem_shared>> -> memref<32x128xf32, #tpu.memory_space<vmem_shared>>
      %dma_start3A_220 = arith.constant 0 : i32
      %dma_start3A_221 = tpu.memref_slice %arg36[%add3A_35, %dma_start3A_220] : memref<10112x128xf32, #tpu.memory_space<vmem_shared>> -> memref<32x128xf32, #tpu.memory_space<vmem_shared>>
      tpu.enqueue_dma source(%arg10 : memref<32x128xf32, #tpu.memory_space<vmem>>) target(%dma_start3A_221 : memref<32x128xf32, #tpu.memory_space<vmem_shared>>) target_semaphore(%run_scoped3A : memref<!tpu.dma_semaphore, #tpu.memory_space<semaphore_mem>>)
      %dma_wait3A_222 = arith.constant 0 : i32
      %dma_wait3A_223 = tpu.memref_slice %arg36[%add3A_35, %dma_wait3A_222] : memref<10112x128xf32, #tpu.memory_space<vmem_shared>> -> memref<32x128xf32, #tpu.memory_space<vmem_shared>>
      %dma_wait3A_224 = arith.constant 0 : i32
      %dma_wait3A_225 = tpu.memref_slice %arg36[%add3A_35, %dma_wait3A_224] : memref<10112x128xf32, #tpu.memory_space<vmem_shared>> -> memref<32x128xf32, #tpu.memory_space<vmem_shared>>
      tpu.wait_dma2 semaphore(%run_scoped3A : memref<!tpu.dma_semaphore, #tpu.memory_space<semaphore_mem>>) src(%arg10 : memref<32x128xf32, #tpu.memory_space<vmem>>) dst(%dma_wait3A_225 : memref<32x128xf32, #tpu.memory_space<vmem_shared>>)
      tpu.yield
    }) : () -> ()
    %add3A_36 = arith.constant 448 : i32
    %add3A_37 = arith.addi %mul3A_7, %add3A_36 : i32
    "tpu.region"() ({
      %run_scoped3A = tpu.sem_alloc : memref<!tpu.dma_semaphore, #tpu.memory_space<semaphore_mem>>
      %dma_start3A_218 = arith.constant 0 : i32
      %dma_start3A_219 = tpu.memref_slice %arg36[%add3A_37, %dma_start3A_218] : memref<10112x128xf32, #tpu.memory_space<vmem_shared>> -> memref<32x128xf32, #tpu.memory_space<vmem_shared>>
      %dma_start3A_220 = arith.constant 0 : i32
      %dma_start3A_221 = tpu.memref_slice %arg36[%add3A_37, %dma_start3A_220] : memref<10112x128xf32, #tpu.memory_space<vmem_shared>> -> memref<32x128xf32, #tpu.memory_space<vmem_shared>>
      tpu.enqueue_dma source(%arg10 : memref<32x128xf32, #tpu.memory_space<vmem>>) target(%dma_start3A_221 : memref<32x128xf32, #tpu.memory_space<vmem_shared>>) target_semaphore(%run_scoped3A : memref<!tpu.dma_semaphore, #tpu.memory_space<semaphore_mem>>)
      %dma_wait3A_222 = arith.constant 0 : i32
      %dma_wait3A_223 = tpu.memref_slice %arg36[%add3A_37, %dma_wait3A_222] : memref<10112x128xf32, #tpu.memory_space<vmem_shared>> -> memref<32x128xf32, #tpu.memory_space<vmem_shared>>
      %dma_wait3A_224 = arith.constant 0 : i32
      %dma_wait3A_225 = tpu.memref_slice %arg36[%add3A_37, %dma_wait3A_224] : memref<10112x128xf32, #tpu.memory_space<vmem_shared>> -> memref<32x128xf32, #tpu.memory_space<vmem_shared>>
      tpu.wait_dma2 semaphore(%run_scoped3A : memref<!tpu.dma_semaphore, #tpu.memory_space<semaphore_mem>>) src(%arg10 : memref<32x128xf32, #tpu.memory_space<vmem>>) dst(%dma_wait3A_225 : memref<32x128xf32, #tpu.memory_space<vmem_shared>>)
      tpu.yield
    }) : () -> ()
    %add3A_38 = arith.constant 480 : i32
    %add3A_39 = arith.addi %mul3A_7, %add3A_38 : i32
    "tpu.region"() ({
      %run_scoped3A = tpu.sem_alloc : memref<!tpu.dma_semaphore, #tpu.memory_space<semaphore_mem>>
      %dma_start3A_218 = arith.constant 0 : i32
      %dma_start3A_219 = tpu.memref_slice %arg36[%add3A_39, %dma_start3A_218] : memref<10112x128xf32, #tpu.memory_space<vmem_shared>> -> memref<32x128xf32, #tpu.memory_space<vmem_shared>>
      %dma_start3A_220 = arith.constant 0 : i32
      %dma_start3A_221 = tpu.memref_slice %arg36[%add3A_39, %dma_start3A_220] : memref<10112x128xf32, #tpu.memory_space<vmem_shared>> -> memref<32x128xf32, #tpu.memory_space<vmem_shared>>
      tpu.enqueue_dma source(%arg10 : memref<32x128xf32, #tpu.memory_space<vmem>>) target(%dma_start3A_221 : memref<32x128xf32, #tpu.memory_space<vmem_shared>>) target_semaphore(%run_scoped3A : memref<!tpu.dma_semaphore, #tpu.memory_space<semaphore_mem>>)
      %dma_wait3A_222 = arith.constant 0 : i32
      %dma_wait3A_223 = tpu.memref_slice %arg36[%add3A_39, %dma_wait3A_222] : memref<10112x128xf32, #tpu.memory_space<vmem_shared>> -> memref<32x128xf32, #tpu.memory_space<vmem_shared>>
      %dma_wait3A_224 = arith.constant 0 : i32
      %dma_wait3A_225 = tpu.memref_slice %arg36[%add3A_39, %dma_wait3A_224] : memref<10112x128xf32, #tpu.memory_space<vmem_shared>> -> memref<32x128xf32, #tpu.memory_space<vmem_shared>>
      tpu.wait_dma2 semaphore(%run_scoped3A : memref<!tpu.dma_semaphore, #tpu.memory_space<semaphore_mem>>) src(%arg10 : memref<32x128xf32, #tpu.memory_space<vmem>>) dst(%dma_wait3A_225 : memref<32x128xf32, #tpu.memory_space<vmem_shared>>)
      tpu.yield
    }) : () -> ()
    %add3A_40 = arith.constant 512 : i32
    %add3A_41 = arith.addi %mul3A_7, %add3A_40 : i32
    "tpu.region"() ({
      %run_scoped3A = tpu.sem_alloc : memref<!tpu.dma_semaphore, #tpu.memory_space<semaphore_mem>>
      %dma_start3A_218 = arith.constant 0 : i32
      %dma_start3A_219 = tpu.memref_slice %arg36[%add3A_41, %dma_start3A_218] : memref<10112x128xf32, #tpu.memory_space<vmem_shared>> -> memref<32x128xf32, #tpu.memory_space<vmem_shared>>
      %dma_start3A_220 = arith.constant 0 : i32
      %dma_start3A_221 = tpu.memref_slice %arg36[%add3A_41, %dma_start3A_220] : memref<10112x128xf32, #tpu.memory_space<vmem_shared>> -> memref<32x128xf32, #tpu.memory_space<vmem_shared>>
      tpu.enqueue_dma source(%arg10 : memref<32x128xf32, #tpu.memory_space<vmem>>) target(%dma_start3A_221 : memref<32x128xf32, #tpu.memory_space<vmem_shared>>) target_semaphore(%run_scoped3A : memref<!tpu.dma_semaphore, #tpu.memory_space<semaphore_mem>>)
      %dma_wait3A_222 = arith.constant 0 : i32
      %dma_wait3A_223 = tpu.memref_slice %arg36[%add3A_41, %dma_wait3A_222] : memref<10112x128xf32, #tpu.memory_space<vmem_shared>> -> memref<32x128xf32, #tpu.memory_space<vmem_shared>>
      %dma_wait3A_224 = arith.constant 0 : i32
      %dma_wait3A_225 = tpu.memref_slice %arg36[%add3A_41, %dma_wait3A_224] : memref<10112x128xf32, #tpu.memory_space<vmem_shared>> -> memref<32x128xf32, #tpu.memory_space<vmem_shared>>
      tpu.wait_dma2 semaphore(%run_scoped3A : memref<!tpu.dma_semaphore, #tpu.memory_space<semaphore_mem>>) src(%arg10 : memref<32x128xf32, #tpu.memory_space<vmem>>) dst(%dma_wait3A_225 : memref<32x128xf32, #tpu.memory_space<vmem_shared>>)
      tpu.yield
    }) : () -> ()
    %add3A_42 = arith.constant 544 : i32
    %add3A_43 = arith.addi %mul3A_7, %add3A_42 : i32
    "tpu.region"() ({
      %run_scoped3A = tpu.sem_alloc : memref<!tpu.dma_semaphore, #tpu.memory_space<semaphore_mem>>
      %dma_start3A_218 = arith.constant 0 : i32
      %dma_start3A_219 = tpu.memref_slice %arg36[%add3A_43, %dma_start3A_218] : memref<10112x128xf32, #tpu.memory_space<vmem_shared>> -> memref<32x128xf32, #tpu.memory_space<vmem_shared>>
      %dma_start3A_220 = arith.constant 0 : i32
      %dma_start3A_221 = tpu.memref_slice %arg36[%add3A_43, %dma_start3A_220] : memref<10112x128xf32, #tpu.memory_space<vmem_shared>> -> memref<32x128xf32, #tpu.memory_space<vmem_shared>>
      tpu.enqueue_dma source(%arg10 : memref<32x128xf32, #tpu.memory_space<vmem>>) target(%dma_start3A_221 : memref<32x128xf32, #tpu.memory_space<vmem_shared>>) target_semaphore(%run_scoped3A : memref<!tpu.dma_semaphore, #tpu.memory_space<semaphore_mem>>)
      %dma_wait3A_222 = arith.constant 0 : i32
      %dma_wait3A_223 = tpu.memref_slice %arg36[%add3A_43, %dma_wait3A_222] : memref<10112x128xf32, #tpu.memory_space<vmem_shared>> -> memref<32x128xf32, #tpu.memory_space<vmem_shared>>
      %dma_wait3A_224 = arith.constant 0 : i32
      %dma_wait3A_225 = tpu.memref_slice %arg36[%add3A_43, %dma_wait3A_224] : memref<10112x128xf32, #tpu.memory_space<vmem_shared>> -> memref<32x128xf32, #tpu.memory_space<vmem_shared>>
      tpu.wait_dma2 semaphore(%run_scoped3A : memref<!tpu.dma_semaphore, #tpu.memory_space<semaphore_mem>>) src(%arg10 : memref<32x128xf32, #tpu.memory_space<vmem>>) dst(%dma_wait3A_225 : memref<32x128xf32, #tpu.memory_space<vmem_shared>>)
      tpu.yield
    }) : () -> ()
    %add3A_44 = arith.constant 576 : i32
    %add3A_45 = arith.addi %mul3A_7, %add3A_44 : i32
    "tpu.region"() ({
      %run_scoped3A = tpu.sem_alloc : memref<!tpu.dma_semaphore, #tpu.memory_space<semaphore_mem>>
      %dma_start3A_218 = arith.constant 0 : i32
      %dma_start3A_219 = tpu.memref_slice %arg36[%add3A_45, %dma_start3A_218] : memref<10112x128xf32, #tpu.memory_space<vmem_shared>> -> memref<32x128xf32, #tpu.memory_space<vmem_shared>>
      %dma_start3A_220 = arith.constant 0 : i32
      %dma_start3A_221 = tpu.memref_slice %arg36[%add3A_45, %dma_start3A_220] : memref<10112x128xf32, #tpu.memory_space<vmem_shared>> -> memref<32x128xf32, #tpu.memory_space<vmem_shared>>
      tpu.enqueue_dma source(%arg10 : memref<32x128xf32, #tpu.memory_space<vmem>>) target(%dma_start3A_221 : memref<32x128xf32, #tpu.memory_space<vmem_shared>>) target_semaphore(%run_scoped3A : memref<!tpu.dma_semaphore, #tpu.memory_space<semaphore_mem>>)
      %dma_wait3A_222 = arith.constant 0 : i32
      %dma_wait3A_223 = tpu.memref_slice %arg36[%add3A_45, %dma_wait3A_222] : memref<10112x128xf32, #tpu.memory_space<vmem_shared>> -> memref<32x128xf32, #tpu.memory_space<vmem_shared>>
      %dma_wait3A_224 = arith.constant 0 : i32
      %dma_wait3A_225 = tpu.memref_slice %arg36[%add3A_45, %dma_wait3A_224] : memref<10112x128xf32, #tpu.memory_space<vmem_shared>> -> memref<32x128xf32, #tpu.memory_space<vmem_shared>>
      tpu.wait_dma2 semaphore(%run_scoped3A : memref<!tpu.dma_semaphore, #tpu.memory_space<semaphore_mem>>) src(%arg10 : memref<32x128xf32, #tpu.memory_space<vmem>>) dst(%dma_wait3A_225 : memref<32x128xf32, #tpu.memory_space<vmem_shared>>)
      tpu.yield
    }) : () -> ()
    %add3A_46 = arith.constant 608 : i32
    %add3A_47 = arith.addi %mul3A_7, %add3A_46 : i32
    "tpu.region"() ({
      %run_scoped3A = tpu.sem_alloc : memref<!tpu.dma_semaphore, #tpu.memory_space<semaphore_mem>>
      %dma_start3A_218 = arith.constant 0 : i32
      %dma_start3A_219 = arith.constant 0 : i32
      %dma_start3A_220 = tpu.memref_slice %arg10[%dma_start3A_218, %dma_start3A_219] : memref<32x128xf32, #tpu.memory_space<vmem>> -> memref<24x128xf32, #tpu.memory_space<vmem>>
      %dma_start3A_221 = arith.constant 0 : i32
      %dma_start3A_222 = tpu.memref_slice %arg36[%add3A_47, %dma_start3A_221] : memref<10112x128xf32, #tpu.memory_space<vmem_shared>> -> memref<24x128xf32, #tpu.memory_space<vmem_shared>>
      %dma_start3A_223 = arith.constant 0 : i32
      %dma_start3A_224 = tpu.memref_slice %arg36[%add3A_47, %dma_start3A_223] : memref<10112x128xf32, #tpu.memory_space<vmem_shared>> -> memref<24x128xf32, #tpu.memory_space<vmem_shared>>
      %dma_start3A_225 = arith.constant 0 : i32
      %dma_start3A_226 = arith.constant 0 : i32
      %dma_start3A_227 = tpu.memref_slice %arg10[%dma_start3A_225, %dma_start3A_226] : memref<32x128xf32, #tpu.memory_space<vmem>> -> memref<24x128xf32, #tpu.memory_space<vmem>>
      tpu.enqueue_dma source(%dma_start3A_227 : memref<24x128xf32, #tpu.memory_space<vmem>>) target(%dma_start3A_224 : memref<24x128xf32, #tpu.memory_space<vmem_shared>>) target_semaphore(%run_scoped3A : memref<!tpu.dma_semaphore, #tpu.memory_space<semaphore_mem>>)
      %dma_wait3A_228 = arith.constant 0 : i32
      %dma_wait3A_229 = arith.constant 0 : i32
      %dma_wait3A_230 = tpu.memref_slice %arg10[%dma_wait3A_228, %dma_wait3A_229] : memref<32x128xf32, #tpu.memory_space<vmem>> -> memref<24x128xf32, #tpu.memory_space<vmem>>
      %dma_wait3A_231 = arith.constant 0 : i32
      %dma_wait3A_232 = tpu.memref_slice %arg36[%add3A_47, %dma_wait3A_231] : memref<10112x128xf32, #tpu.memory_space<vmem_shared>> -> memref<24x128xf32, #tpu.memory_space<vmem_shared>>
      %dma_wait3A_233 = arith.constant 0 : i32
      %dma_wait3A_234 = tpu.memref_slice %arg36[%add3A_47, %dma_wait3A_233] : memref<10112x128xf32, #tpu.memory_space<vmem_shared>> -> memref<24x128xf32, #tpu.memory_space<vmem_shared>>
      %dma_wait3A_235 = arith.constant 0 : i32
      %dma_wait3A_236 = arith.constant 0 : i32
      %dma_wait3A_237 = tpu.memref_slice %arg10[%dma_wait3A_235, %dma_wait3A_236] : memref<32x128xf32, #tpu.memory_space<vmem>> -> memref<24x128xf32, #tpu.memory_space<vmem>>
      tpu.wait_dma2 semaphore(%run_scoped3A : memref<!tpu.dma_semaphore, #tpu.memory_space<semaphore_mem>>) src(%dma_wait3A_237 : memref<24x128xf32, #tpu.memory_space<vmem>>) dst(%dma_wait3A_234 : memref<24x128xf32, #tpu.memory_space<vmem_shared>>)
      tpu.yield
    }) : () -> ()
    %barrier3A = arith.constant 0 : index
    tpu.barrier barrier_id(%barrier3A)
    %min3A = arith.constant 0 : i32
    %min3A_48 = arith.constant 312 : i32
    %min3A_49 = arith.minsi %min3A, %min3A_48 : i32
    %dma_start3A = arith.constant 0 : i32
    %dma_start3A_50 = tpu.memref_slice %arg3[%add3A, %min3A_49, %dma_start3A] : memref<32x320x32xi32, #tpu.memory_space<hbm>> -> memref<1x8x32xi32, #tpu.memory_space<hbm>>
    %dma_start3A_51 = tpu.memref_squeeze %dma_start3A_50 : memref<1x8x32xi32, #tpu.memory_space<hbm>> -> memref<8x32xi32, #tpu.memory_space<hbm>>
    %dma_start3A_52 = arith.constant 0 : i32
    %dma_start3A_53 = tpu.memref_slice %arg3[%add3A, %min3A_49, %dma_start3A_52] : memref<32x320x32xi32, #tpu.memory_space<hbm>> -> memref<1x8x32xi32, #tpu.memory_space<hbm>>
    %dma_start3A_54 = tpu.memref_squeeze %dma_start3A_53 : memref<1x8x32xi32, #tpu.memory_space<hbm>> -> memref<8x32xi32, #tpu.memory_space<hbm>>
    tpu.enqueue_dma source(%dma_start3A_54 : memref<8x32xi32, #tpu.memory_space<hbm>>) target(%arg6 : memref<8x32xi32, #tpu.memory_space<vmem>>) target_semaphore(%arg34 : memref<!tpu.dma_semaphore, #tpu.memory_space<semaphore_mem>>)
    %dma_start3A_55 = arith.constant 0 : i32
    %dma_start3A_56 = tpu.memref_slice %arg4[%add3A, %min3A_49, %dma_start3A_55] : memref<32x320x32xi32, #tpu.memory_space<hbm>> -> memref<1x8x32xi32, #tpu.memory_space<hbm>>
    %dma_start3A_57 = tpu.memref_squeeze %dma_start3A_56 : memref<1x8x32xi32, #tpu.memory_space<hbm>> -> memref<8x32xi32, #tpu.memory_space<hbm>>
    %dma_start3A_58 = arith.constant 0 : i32
    %dma_start3A_59 = tpu.memref_slice %arg4[%add3A, %min3A_49, %dma_start3A_58] : memref<32x320x32xi32, #tpu.memory_space<hbm>> -> memref<1x8x32xi32, #tpu.memory_space<hbm>>
    %dma_start3A_60 = tpu.memref_squeeze %dma_start3A_59 : memref<1x8x32xi32, #tpu.memory_space<hbm>> -> memref<8x32xi32, #tpu.memory_space<hbm>>
    tpu.enqueue_dma source(%dma_start3A_60 : memref<8x32xi32, #tpu.memory_space<hbm>>) target(%arg8 : memref<8x32xi32, #tpu.memory_space<vmem>>) target_semaphore(%arg34 : memref<!tpu.dma_semaphore, #tpu.memory_space<semaphore_mem>>)
    %min3A_61 = arith.constant 8 : i32
    %min3A_62 = arith.constant 312 : i32
    %min3A_63 = arith.minsi %min3A_61, %min3A_62 : i32
    %dma_start3A_64 = arith.constant 0 : i32
    %dma_start3A_65 = tpu.memref_slice %arg3[%add3A, %min3A_63, %dma_start3A_64] : memref<32x320x32xi32, #tpu.memory_space<hbm>> -> memref<1x8x32xi32, #tpu.memory_space<hbm>>
    %dma_start3A_66 = tpu.memref_squeeze %dma_start3A_65 : memref<1x8x32xi32, #tpu.memory_space<hbm>> -> memref<8x32xi32, #tpu.memory_space<hbm>>
    %dma_start3A_67 = arith.constant 0 : i32
    %dma_start3A_68 = tpu.memref_slice %arg3[%add3A, %min3A_63, %dma_start3A_67] : memref<32x320x32xi32, #tpu.memory_space<hbm>> -> memref<1x8x32xi32, #tpu.memory_space<hbm>>
    %dma_start3A_69 = tpu.memref_squeeze %dma_start3A_68 : memref<1x8x32xi32, #tpu.memory_space<hbm>> -> memref<8x32xi32, #tpu.memory_space<hbm>>
    tpu.enqueue_dma source(%dma_start3A_69 : memref<8x32xi32, #tpu.memory_space<hbm>>) target(%arg7 : memref<8x32xi32, #tpu.memory_space<vmem>>) target_semaphore(%arg35 : memref<!tpu.dma_semaphore, #tpu.memory_space<semaphore_mem>>)
    %dma_start3A_70 = arith.constant 0 : i32
    %dma_start3A_71 = tpu.memref_slice %arg4[%add3A, %min3A_63, %dma_start3A_70] : memref<32x320x32xi32, #tpu.memory_space<hbm>> -> memref<1x8x32xi32, #tpu.memory_space<hbm>>
    %dma_start3A_72 = tpu.memref_squeeze %dma_start3A_71 : memref<1x8x32xi32, #tpu.memory_space<hbm>> -> memref<8x32xi32, #tpu.memory_space<hbm>>
    %dma_start3A_73 = arith.constant 0 : i32
    %dma_start3A_74 = tpu.memref_slice %arg4[%add3A, %min3A_63, %dma_start3A_73] : memref<32x320x32xi32, #tpu.memory_space<hbm>> -> memref<1x8x32xi32, #tpu.memory_space<hbm>>
    %dma_start3A_75 = tpu.memref_squeeze %dma_start3A_74 : memref<1x8x32xi32, #tpu.memory_space<hbm>> -> memref<8x32xi32, #tpu.memory_space<hbm>>
    tpu.enqueue_dma source(%dma_start3A_75 : memref<8x32xi32, #tpu.memory_space<hbm>>) target(%arg9 : memref<8x32xi32, #tpu.memory_space<vmem>>) target_semaphore(%arg35 : memref<!tpu.dma_semaphore, #tpu.memory_space<semaphore_mem>>)
    %dma_wait3A = arith.constant 0 : i32
    %dma_wait3A_76 = arith.constant 0 : i32
    %dma_wait3A_77 = tpu.memref_slice %arg3[%add3A, %dma_wait3A, %dma_wait3A_76] : memref<32x320x32xi32, #tpu.memory_space<hbm>> -> memref<1x8x32xi32, #tpu.memory_space<hbm>>
    %dma_wait3A_78 = tpu.memref_squeeze %dma_wait3A_77 : memref<1x8x32xi32, #tpu.memory_space<hbm>> -> memref<8x32xi32, #tpu.memory_space<hbm>>
    %dma_wait3A_79 = arith.constant 0 : i32
    %dma_wait3A_80 = arith.constant 0 : i32
    %dma_wait3A_81 = tpu.memref_slice %arg3[%add3A, %dma_wait3A_79, %dma_wait3A_80] : memref<32x320x32xi32, #tpu.memory_space<hbm>> -> memref<1x8x32xi32, #tpu.memory_space<hbm>>
    %dma_wait3A_82 = tpu.memref_squeeze %dma_wait3A_81 : memref<1x8x32xi32, #tpu.memory_space<hbm>> -> memref<8x32xi32, #tpu.memory_space<hbm>>
    tpu.wait_dma2 semaphore(%arg34 : memref<!tpu.dma_semaphore, #tpu.memory_space<semaphore_mem>>) src(%dma_wait3A_82 : memref<8x32xi32, #tpu.memory_space<hbm>>) dst(%arg6 : memref<8x32xi32, #tpu.memory_space<vmem>>)
    %dma_wait3A_83 = arith.constant 0 : i32
    %dma_wait3A_84 = arith.constant 0 : i32
    %dma_wait3A_85 = tpu.memref_slice %arg4[%add3A, %dma_wait3A_83, %dma_wait3A_84] : memref<32x320x32xi32, #tpu.memory_space<hbm>> -> memref<1x8x32xi32, #tpu.memory_space<hbm>>
    %dma_wait3A_86 = tpu.memref_squeeze %dma_wait3A_85 : memref<1x8x32xi32, #tpu.memory_space<hbm>> -> memref<8x32xi32, #tpu.memory_space<hbm>>
    %dma_wait3A_87 = arith.constant 0 : i32
    %dma_wait3A_88 = arith.constant 0 : i32
    %dma_wait3A_89 = tpu.memref_slice %arg4[%add3A, %dma_wait3A_87, %dma_wait3A_88] : memref<32x320x32xi32, #tpu.memory_space<hbm>> -> memref<1x8x32xi32, #tpu.memory_space<hbm>>
    %dma_wait3A_90 = tpu.memref_squeeze %dma_wait3A_89 : memref<1x8x32xi32, #tpu.memory_space<hbm>> -> memref<8x32xi32, #tpu.memory_space<hbm>>
    tpu.wait_dma2 semaphore(%arg34 : memref<!tpu.dma_semaphore, #tpu.memory_space<semaphore_mem>>) src(%dma_wait3A_90 : memref<8x32xi32, #tpu.memory_space<hbm>>) dst(%arg8 : memref<8x32xi32, #tpu.memory_space<vmem>>)
    %dma_start3A_91 = arith.constant 0 : i32
    %dma_start3A_92 = arith.constant 0 : i32
    %dma_start3A_93 = tpu.memref_slice %arg8[%dma_start3A_91, %dma_start3A_92] : memref<8x32xi32, #tpu.memory_space<vmem>> -> memref<1x32xi32, #tpu.memory_space<vmem>>
    %dma_start3A_94 = tpu.memref_squeeze %dma_start3A_93 : memref<1x32xi32, #tpu.memory_space<vmem>> -> memref<32xi32, #tpu.memory_space<vmem>>
    %dma_start3A_95 = arith.constant 0 : i32
    %dma_start3A_96 = arith.constant 0 : i32
    %dma_start3A_97 = tpu.memref_slice %arg2[%dma_start3A_95, %dma_start3A_96] : memref<10000x128xf32, #tpu.memory_space<hbm>> -> memref<10000x128xf32, #tpu.memory_space<hbm>>
    tpu.enqueue_indirect_dma source(%dma_start3A_97 : memref<10000x128xf32, #tpu.memory_space<hbm>>) target(%arg10 : memref<32x128xf32, #tpu.memory_space<vmem>>) offsets(%dma_start3A_94 : memref<32xi32, #tpu.memory_space<vmem>>) semaphore(%arg18 : memref<!tpu.dma_semaphore, #tpu.memory_space<semaphore_mem>>)
    %dma_start3A_98 = arith.constant 1 : i32
    %dma_start3A_99 = arith.constant 0 : i32
    %dma_start3A_100 = tpu.memref_slice %arg8[%dma_start3A_98, %dma_start3A_99] : memref<8x32xi32, #tpu.memory_space<vmem>> -> memref<1x32xi32, #tpu.memory_space<vmem>>
    %dma_start3A_101 = tpu.memref_squeeze %dma_start3A_100 : memref<1x32xi32, #tpu.memory_space<vmem>> -> memref<32xi32, #tpu.memory_space<vmem>>
    %dma_start3A_102 = arith.constant 0 : i32
    %dma_start3A_103 = arith.constant 0 : i32
    %dma_start3A_104 = tpu.memref_slice %arg2[%dma_start3A_102, %dma_start3A_103] : memref<10000x128xf32, #tpu.memory_space<hbm>> -> memref<10000x128xf32, #tpu.memory_space<hbm>>
    tpu.enqueue_indirect_dma source(%dma_start3A_104 : memref<10000x128xf32, #tpu.memory_space<hbm>>) target(%arg11 : memref<32x128xf32, #tpu.memory_space<vmem>>) offsets(%dma_start3A_101 : memref<32xi32, #tpu.memory_space<vmem>>) semaphore(%arg19 : memref<!tpu.dma_semaphore, #tpu.memory_space<semaphore_mem>>)
    %dma_start3A_105 = arith.constant 2 : i32
    %dma_start3A_106 = arith.constant 0 : i32
    %dma_start3A_107 = tpu.memref_slice %arg8[%dma_start3A_105, %dma_start3A_106] : memref<8x32xi32, #tpu.memory_space<vmem>> -> memref<1x32xi32, #tpu.memory_space<vmem>>
    %dma_start3A_108 = tpu.memref_squeeze %dma_start3A_107 : memref<1x32xi32, #tpu.memory_space<vmem>> -> memref<32xi32, #tpu.memory_space<vmem>>
    %dma_start3A_109 = arith.constant 0 : i32
    %dma_start3A_110 = arith.constant 0 : i32
    %dma_start3A_111 = tpu.memref_slice %arg2[%dma_start3A_109, %dma_start3A_110] : memref<10000x128xf32, #tpu.memory_space<hbm>> -> memref<10000x128xf32, #tpu.memory_space<hbm>>
    tpu.enqueue_indirect_dma source(%dma_start3A_111 : memref<10000x128xf32, #tpu.memory_space<hbm>>) target(%arg12 : memref<32x128xf32, #tpu.memory_space<vmem>>) offsets(%dma_start3A_108 : memref<32xi32, #tpu.memory_space<vmem>>) semaphore(%arg20 : memref<!tpu.dma_semaphore, #tpu.memory_space<semaphore_mem>>)
    %dma_start3A_112 = arith.constant 3 : i32
    %dma_start3A_113 = arith.constant 0 : i32
    %dma_start3A_114 = tpu.memref_slice %arg8[%dma_start3A_112, %dma_start3A_113] : memref<8x32xi32, #tpu.memory_space<vmem>> -> memref<1x32xi32, #tpu.memory_space<vmem>>
    %dma_start3A_115 = tpu.memref_squeeze %dma_start3A_114 : memref<1x32xi32, #tpu.memory_space<vmem>> -> memref<32xi32, #tpu.memory_space<vmem>>
    %dma_start3A_116 = arith.constant 0 : i32
    %dma_start3A_117 = arith.constant 0 : i32
    %dma_start3A_118 = tpu.memref_slice %arg2[%dma_start3A_116, %dma_start3A_117] : memref<10000x128xf32, #tpu.memory_space<hbm>> -> memref<10000x128xf32, #tpu.memory_space<hbm>>
    tpu.enqueue_indirect_dma source(%dma_start3A_118 : memref<10000x128xf32, #tpu.memory_space<hbm>>) target(%arg13 : memref<32x128xf32, #tpu.memory_space<vmem>>) offsets(%dma_start3A_115 : memref<32xi32, #tpu.memory_space<vmem>>) semaphore(%arg21 : memref<!tpu.dma_semaphore, #tpu.memory_space<semaphore_mem>>)
    %dma_start3A_119 = arith.constant 4 : i32
    %dma_start3A_120 = arith.constant 0 : i32
    %dma_start3A_121 = tpu.memref_slice %arg8[%dma_start3A_119, %dma_start3A_120] : memref<8x32xi32, #tpu.memory_space<vmem>> -> memref<1x32xi32, #tpu.memory_space<vmem>>
    %dma_start3A_122 = tpu.memref_squeeze %dma_start3A_121 : memref<1x32xi32, #tpu.memory_space<vmem>> -> memref<32xi32, #tpu.memory_space<vmem>>
    %dma_start3A_123 = arith.constant 0 : i32
    %dma_start3A_124 = arith.constant 0 : i32
    %dma_start3A_125 = tpu.memref_slice %arg2[%dma_start3A_123, %dma_start3A_124] : memref<10000x128xf32, #tpu.memory_space<hbm>> -> memref<10000x128xf32, #tpu.memory_space<hbm>>
    tpu.enqueue_indirect_dma source(%dma_start3A_125 : memref<10000x128xf32, #tpu.memory_space<hbm>>) target(%arg14 : memref<32x128xf32, #tpu.memory_space<vmem>>) offsets(%dma_start3A_122 : memref<32xi32, #tpu.memory_space<vmem>>) semaphore(%arg22 : memref<!tpu.dma_semaphore, #tpu.memory_space<semaphore_mem>>)
    %dma_start3A_126 = arith.constant 5 : i32
    %dma_start3A_127 = arith.constant 0 : i32
    %dma_start3A_128 = tpu.memref_slice %arg8[%dma_start3A_126, %dma_start3A_127] : memref<8x32xi32, #tpu.memory_space<vmem>> -> memref<1x32xi32, #tpu.memory_space<vmem>>
    %dma_start3A_129 = tpu.memref_squeeze %dma_start3A_128 : memref<1x32xi32, #tpu.memory_space<vmem>> -> memref<32xi32, #tpu.memory_space<vmem>>
    %dma_start3A_130 = arith.constant 0 : i32
    %dma_start3A_131 = arith.constant 0 : i32
    %dma_start3A_132 = tpu.memref_slice %arg2[%dma_start3A_130, %dma_start3A_131] : memref<10000x128xf32, #tpu.memory_space<hbm>> -> memref<10000x128xf32, #tpu.memory_space<hbm>>
    tpu.enqueue_indirect_dma source(%dma_start3A_132 : memref<10000x128xf32, #tpu.memory_space<hbm>>) target(%arg15 : memref<32x128xf32, #tpu.memory_space<vmem>>) offsets(%dma_start3A_129 : memref<32xi32, #tpu.memory_space<vmem>>) semaphore(%arg23 : memref<!tpu.dma_semaphore, #tpu.memory_space<semaphore_mem>>)
    %dma_start3A_133 = arith.constant 6 : i32
    %dma_start3A_134 = arith.constant 0 : i32
    %dma_start3A_135 = tpu.memref_slice %arg8[%dma_start3A_133, %dma_start3A_134] : memref<8x32xi32, #tpu.memory_space<vmem>> -> memref<1x32xi32, #tpu.memory_space<vmem>>
    %dma_start3A_136 = tpu.memref_squeeze %dma_start3A_135 : memref<1x32xi32, #tpu.memory_space<vmem>> -> memref<32xi32, #tpu.memory_space<vmem>>
    %dma_start3A_137 = arith.constant 0 : i32
    %dma_start3A_138 = arith.constant 0 : i32
    %dma_start3A_139 = tpu.memref_slice %arg2[%dma_start3A_137, %dma_start3A_138] : memref<10000x128xf32, #tpu.memory_space<hbm>> -> memref<10000x128xf32, #tpu.memory_space<hbm>>
    tpu.enqueue_indirect_dma source(%dma_start3A_139 : memref<10000x128xf32, #tpu.memory_space<hbm>>) target(%arg16 : memref<32x128xf32, #tpu.memory_space<vmem>>) offsets(%dma_start3A_136 : memref<32xi32, #tpu.memory_space<vmem>>) semaphore(%arg24 : memref<!tpu.dma_semaphore, #tpu.memory_space<semaphore_mem>>)
    %dma_start3A_140 = arith.constant 7 : i32
    %dma_start3A_141 = arith.constant 0 : i32
    %dma_start3A_142 = tpu.memref_slice %arg8[%dma_start3A_140, %dma_start3A_141] : memref<8x32xi32, #tpu.memory_space<vmem>> -> memref<1x32xi32, #tpu.memory_space<vmem>>
    %dma_start3A_143 = tpu.memref_squeeze %dma_start3A_142 : memref<1x32xi32, #tpu.memory_space<vmem>> -> memref<32xi32, #tpu.memory_space<vmem>>
    %dma_start3A_144 = arith.constant 0 : i32
    %dma_start3A_145 = arith.constant 0 : i32
    %dma_start3A_146 = tpu.memref_slice %arg2[%dma_start3A_144, %dma_start3A_145] : memref<10000x128xf32, #tpu.memory_space<hbm>> -> memref<10000x128xf32, #tpu.memory_space<hbm>>
    tpu.enqueue_indirect_dma source(%dma_start3A_146 : memref<10000x128xf32, #tpu.memory_space<hbm>>) target(%arg17 : memref<32x128xf32, #tpu.memory_space<vmem>>) offsets(%dma_start3A_143 : memref<32xi32, #tpu.memory_space<vmem>>) semaphore(%arg25 : memref<!tpu.dma_semaphore, #tpu.memory_space<semaphore_mem>>)
    %scan3A_147 = arith.constant 0 : i32
    %scan3A_148 = arith.constant 0 : i32
    %scan3A_149 = arith.constant 20 : i32
    %scan3A_150 = arith.addi %scan3A_148, %scan3A_149 : i32
    %scan3A_151 = arith.constant 1 : i32
    scf.for %scan3A_218 = %scan3A_148 to %scan3A_150 step %scan3A_151  : i32 {
      %dma_wait3A_219 = arith.constant 0 : i32
      %dma_wait3A_220 = arith.constant 0 : i32
      %dma_wait3A_221 = tpu.memref_slice %arg2[%dma_wait3A_219, %dma_wait3A_220] : memref<10000x128xf32, #tpu.memory_space<hbm>> -> memref<32x128xf32, #tpu.memory_space<hbm>>
      %dma_wait3A_222 = arith.constant 0 : i32
      %dma_wait3A_223 = arith.constant 0 : i32
      %dma_wait3A_224 = tpu.memref_slice %arg2[%dma_wait3A_222, %dma_wait3A_223] : memref<10000x128xf32, #tpu.memory_space<hbm>> -> memref<32x128xf32, #tpu.memory_space<hbm>>
      tpu.wait_dma2 semaphore(%arg18 : memref<!tpu.dma_semaphore, #tpu.memory_space<semaphore_mem>>) src(%dma_wait3A_224 : memref<32x128xf32, #tpu.memory_space<hbm>>) dst(%arg10 : memref<32x128xf32, #tpu.memory_space<vmem>>)
      %dma_start3A_225 = arith.constant 0 : i32
      %dma_start3A_226 = arith.constant 0 : i32
      %dma_start3A_227 = tpu.memref_slice %arg6[%dma_start3A_225, %dma_start3A_226] : memref<8x32xi32, #tpu.memory_space<vmem>> -> memref<1x32xi32, #tpu.memory_space<vmem>>
      %dma_start3A_228 = tpu.memref_squeeze %dma_start3A_227 : memref<1x32xi32, #tpu.memory_space<vmem>> -> memref<32xi32, #tpu.memory_space<vmem>>
      %dma_start3A_229 = arith.constant 0 : i32
      %dma_start3A_230 = arith.constant 0 : i32
      %dma_start3A_231 = tpu.memref_slice %arg36[%dma_start3A_229, %dma_start3A_230] : memref<10112x128xf32, #tpu.memory_space<vmem_shared>> -> memref<10112x128xf32, #tpu.memory_space<vmem_shared>>
      tpu.enqueue_indirect_dma source(%arg10 : memref<32x128xf32, #tpu.memory_space<vmem>>) target(%dma_start3A_231 : memref<10112x128xf32, #tpu.memory_space<vmem_shared>>) offsets(%dma_start3A_228 : memref<32xi32, #tpu.memory_space<vmem>>) semaphore(%arg26 : memref<!tpu.dma_semaphore, #tpu.memory_space<semaphore_mem>>) {add = true}
      %dma_wait3A_232 = arith.constant 0 : i32
      %dma_wait3A_233 = arith.constant 0 : i32
      %dma_wait3A_234 = tpu.memref_slice %arg6[%dma_wait3A_232, %dma_wait3A_233] : memref<8x32xi32, #tpu.memory_space<vmem>> -> memref<1x32xi32, #tpu.memory_space<vmem>>
      %dma_wait3A_235 = tpu.memref_squeeze %dma_wait3A_234 : memref<1x32xi32, #tpu.memory_space<vmem>> -> memref<32xi32, #tpu.memory_space<vmem>>
      %dma_wait3A_236 = arith.constant 0 : i32
      %dma_wait3A_237 = arith.constant 0 : i32
      %dma_wait3A_238 = tpu.memref_slice %arg36[%dma_wait3A_236, %dma_wait3A_237] : memref<10112x128xf32, #tpu.memory_space<vmem_shared>> -> memref<10112x128xf32, #tpu.memory_space<vmem_shared>>
      tpu.wait_indirect_dma semaphore(%arg26 : memref<!tpu.dma_semaphore, #tpu.memory_space<semaphore_mem>>) src(%arg10 : memref<32x128xf32, #tpu.memory_space<vmem>>) dst(%dma_wait3A_238 : memref<10112x128xf32, #tpu.memory_space<vmem_shared>>)
      %dma_wait3A_239 = arith.constant 0 : i32
      %dma_wait3A_240 = arith.constant 0 : i32
      %dma_wait3A_241 = tpu.memref_slice %arg3[%add3A, %dma_wait3A_239, %dma_wait3A_240] : memref<32x320x32xi32, #tpu.memory_space<hbm>> -> memref<1x8x32xi32, #tpu.memory_space<hbm>>
      %dma_wait3A_242 = tpu.memref_squeeze %dma_wait3A_241 : memref<1x8x32xi32, #tpu.memory_space<hbm>> -> memref<8x32xi32, #tpu.memory_space<hbm>>
      %dma_wait3A_243 = arith.constant 0 : i32
      %dma_wait3A_244 = arith.constant 0 : i32
      %dma_wait3A_245 = tpu.memref_slice %arg3[%add3A, %dma_wait3A_243, %dma_wait3A_244] : memref<32x320x32xi32, #tpu.memory_space<hbm>> -> memref<1x8x32xi32, #tpu.memory_space<hbm>>
      %dma_wait3A_246 = tpu.memref_squeeze %dma_wait3A_245 : memref<1x8x32xi32, #tpu.memory_space<hbm>> -> memref<8x32xi32, #tpu.memory_space<hbm>>
      tpu.wait_dma2 semaphore(%arg35 : memref<!tpu.dma_semaphore, #tpu.memory_space<semaphore_mem>>) src(%dma_wait3A_246 : memref<8x32xi32, #tpu.memory_space<hbm>>) dst(%arg7 : memref<8x32xi32, #tpu.memory_space<vmem>>)
      %dma_wait3A_247 = arith.constant 0 : i32
      %dma_wait3A_248 = arith.constant 0 : i32
      %dma_wait3A_249 = tpu.memref_slice %arg4[%add3A, %dma_wait3A_247, %dma_wait3A_248] : memref<32x320x32xi32, #tpu.memory_space<hbm>> -> memref<1x8x32xi32, #tpu.memory_space<hbm>>
      %dma_wait3A_250 = tpu.memref_squeeze %dma_wait3A_249 : memref<1x8x32xi32, #tpu.memory_space<hbm>> -> memref<8x32xi32, #tpu.memory_space<hbm>>
      %dma_wait3A_251 = arith.constant 0 : i32
      %dma_wait3A_252 = arith.constant 0 : i32
      %dma_wait3A_253 = tpu.memref_slice %arg4[%add3A, %dma_wait3A_251, %dma_wait3A_252] : memref<32x320x32xi32, #tpu.memory_space<hbm>> -> memref<1x8x32xi32, #tpu.memory_space<hbm>>
      %dma_wait3A_254 = tpu.memref_squeeze %dma_wait3A_253 : memref<1x8x32xi32, #tpu.memory_space<hbm>> -> memref<8x32xi32, #tpu.memory_space<hbm>>
      tpu.wait_dma2 semaphore(%arg35 : memref<!tpu.dma_semaphore, #tpu.memory_space<semaphore_mem>>) src(%dma_wait3A_254 : memref<8x32xi32, #tpu.memory_space<hbm>>) dst(%arg9 : memref<8x32xi32, #tpu.memory_space<vmem>>)
      %dma_start3A_255 = arith.constant 0 : i32
      %dma_start3A_256 = arith.constant 0 : i32
      %dma_start3A_257 = tpu.memref_slice %arg9[%dma_start3A_255, %dma_start3A_256] : memref<8x32xi32, #tpu.memory_space<vmem>> -> memref<1x32xi32, #tpu.memory_space<vmem>>
      %dma_start3A_258 = tpu.memref_squeeze %dma_start3A_257 : memref<1x32xi32, #tpu.memory_space<vmem>> -> memref<32xi32, #tpu.memory_space<vmem>>
      %dma_start3A_259 = arith.constant 0 : i32
      %dma_start3A_260 = arith.constant 0 : i32
      %dma_start3A_261 = tpu.memref_slice %arg2[%dma_start3A_259, %dma_start3A_260] : memref<10000x128xf32, #tpu.memory_space<hbm>> -> memref<10000x128xf32, #tpu.memory_space<hbm>>
      tpu.enqueue_indirect_dma source(%dma_start3A_261 : memref<10000x128xf32, #tpu.memory_space<hbm>>) target(%arg10 : memref<32x128xf32, #tpu.memory_space<vmem>>) offsets(%dma_start3A_258 : memref<32xi32, #tpu.memory_space<vmem>>) semaphore(%arg18 : memref<!tpu.dma_semaphore, #tpu.memory_space<semaphore_mem>>)
      %dma_wait3A_262 = arith.constant 0 : i32
      %dma_wait3A_263 = arith.constant 0 : i32
      %dma_wait3A_264 = tpu.memref_slice %arg2[%dma_wait3A_262, %dma_wait3A_263] : memref<10000x128xf32, #tpu.memory_space<hbm>> -> memref<32x128xf32, #tpu.memory_space<hbm>>
      %dma_wait3A_265 = arith.constant 0 : i32
      %dma_wait3A_266 = arith.constant 0 : i32
      %dma_wait3A_267 = tpu.memref_slice %arg2[%dma_wait3A_265, %dma_wait3A_266] : memref<10000x128xf32, #tpu.memory_space<hbm>> -> memref<32x128xf32, #tpu.memory_space<hbm>>
      tpu.wait_dma2 semaphore(%arg19 : memref<!tpu.dma_semaphore, #tpu.memory_space<semaphore_mem>>) src(%dma_wait3A_267 : memref<32x128xf32, #tpu.memory_space<hbm>>) dst(%arg11 : memref<32x128xf32, #tpu.memory_space<vmem>>)
      %dma_start3A_268 = arith.constant 1 : i32
      %dma_start3A_269 = arith.constant 0 : i32
      %dma_start3A_270 = tpu.memref_slice %arg6[%dma_start3A_268, %dma_start3A_269] : memref<8x32xi32, #tpu.memory_space<vmem>> -> memref<1x32xi32, #tpu.memory_space<vmem>>
      %dma_start3A_271 = tpu.memref_squeeze %dma_start3A_270 : memref<1x32xi32, #tpu.memory_space<vmem>> -> memref<32xi32, #tpu.memory_space<vmem>>
      %dma_start3A_272 = arith.constant 0 : i32
      %dma_start3A_273 = arith.constant 0 : i32
      %dma_start3A_274 = tpu.memref_slice %arg36[%dma_start3A_272, %dma_start3A_273] : memref<10112x128xf32, #tpu.memory_space<vmem_shared>> -> memref<10112x128xf32, #tpu.memory_space<vmem_shared>>
      tpu.enqueue_indirect_dma source(%arg11 : memref<32x128xf32, #tpu.memory_space<vmem>>) target(%dma_start3A_274 : memref<10112x128xf32, #tpu.memory_space<vmem_shared>>) offsets(%dma_start3A_271 : memref<32xi32, #tpu.memory_space<vmem>>) semaphore(%arg27 : memref<!tpu.dma_semaphore, #tpu.memory_space<semaphore_mem>>) {add = true}
      %dma_wait3A_275 = arith.constant 1 : i32
      %dma_wait3A_276 = arith.constant 0 : i32
      %dma_wait3A_277 = tpu.memref_slice %arg6[%dma_wait3A_275, %dma_wait3A_276] : memref<8x32xi32, #tpu.memory_space<vmem>> -> memref<1x32xi32, #tpu.memory_space<vmem>>
      %dma_wait3A_278 = tpu.memref_squeeze %dma_wait3A_277 : memref<1x32xi32, #tpu.memory_space<vmem>> -> memref<32xi32, #tpu.memory_space<vmem>>
      %dma_wait3A_279 = arith.constant 0 : i32
      %dma_wait3A_280 = arith.constant 0 : i32
      %dma_wait3A_281 = tpu.memref_slice %arg36[%dma_wait3A_279, %dma_wait3A_280] : memref<10112x128xf32, #tpu.memory_space<vmem_shared>> -> memref<10112x128xf32, #tpu.memory_space<vmem_shared>>
      tpu.wait_indirect_dma semaphore(%arg27 : memref<!tpu.dma_semaphore, #tpu.memory_space<semaphore_mem>>) src(%arg11 : memref<32x128xf32, #tpu.memory_space<vmem>>) dst(%dma_wait3A_281 : memref<10112x128xf32, #tpu.memory_space<vmem_shared>>)
      %dma_start3A_282 = arith.constant 1 : i32
      %dma_start3A_283 = arith.constant 0 : i32
      %dma_start3A_284 = tpu.memref_slice %arg9[%dma_start3A_282, %dma_start3A_283] : memref<8x32xi32, #tpu.memory_space<vmem>> -> memref<1x32xi32, #tpu.memory_space<vmem>>
      %dma_start3A_285 = tpu.memref_squeeze %dma_start3A_284 : memref<1x32xi32, #tpu.memory_space<vmem>> -> memref<32xi32, #tpu.memory_space<vmem>>
      %dma_start3A_286 = arith.constant 0 : i32
      %dma_start3A_287 = arith.constant 0 : i32
      %dma_start3A_288 = tpu.memref_slice %arg2[%dma_start3A_286, %dma_start3A_287] : memref<10000x128xf32, #tpu.memory_space<hbm>> -> memref<10000x128xf32, #tpu.memory_space<hbm>>
      tpu.enqueue_indirect_dma source(%dma_start3A_288 : memref<10000x128xf32, #tpu.memory_space<hbm>>) target(%arg11 : memref<32x128xf32, #tpu.memory_space<vmem>>) offsets(%dma_start3A_285 : memref<32xi32, #tpu.memory_space<vmem>>) semaphore(%arg19 : memref<!tpu.dma_semaphore, #tpu.memory_space<semaphore_mem>>)
      %dma_wait3A_289 = arith.constant 0 : i32
      %dma_wait3A_290 = arith.constant 0 : i32
      %dma_wait3A_291 = tpu.memref_slice %arg2[%dma_wait3A_289, %dma_wait3A_290] : memref<10000x128xf32, #tpu.memory_space<hbm>> -> memref<32x128xf32, #tpu.memory_space<hbm>>
      %dma_wait3A_292 = arith.constant 0 : i32
      %dma_wait3A_293 = arith.constant 0 : i32
      %dma_wait3A_294 = tpu.memref_slice %arg2[%dma_wait3A_292, %dma_wait3A_293] : memref<10000x128xf32, #tpu.memory_space<hbm>> -> memref<32x128xf32, #tpu.memory_space<hbm>>
      tpu.wait_dma2 semaphore(%arg20 : memref<!tpu.dma_semaphore, #tpu.memory_space<semaphore_mem>>) src(%dma_wait3A_294 : memref<32x128xf32, #tpu.memory_space<hbm>>) dst(%arg12 : memref<32x128xf32, #tpu.memory_space<vmem>>)
      %dma_start3A_295 = arith.constant 2 : i32
      %dma_start3A_296 = arith.constant 0 : i32
      %dma_start3A_297 = tpu.memref_slice %arg6[%dma_start3A_295, %dma_start3A_296] : memref<8x32xi32, #tpu.memory_space<vmem>> -> memref<1x32xi32, #tpu.memory_space<vmem>>
      %dma_start3A_298 = tpu.memref_squeeze %dma_start3A_297 : memref<1x32xi32, #tpu.memory_space<vmem>> -> memref<32xi32, #tpu.memory_space<vmem>>
      %dma_start3A_299 = arith.constant 0 : i32
      %dma_start3A_300 = arith.constant 0 : i32
      %dma_start3A_301 = tpu.memref_slice %arg36[%dma_start3A_299, %dma_start3A_300] : memref<10112x128xf32, #tpu.memory_space<vmem_shared>> -> memref<10112x128xf32, #tpu.memory_space<vmem_shared>>
      tpu.enqueue_indirect_dma source(%arg12 : memref<32x128xf32, #tpu.memory_space<vmem>>) target(%dma_start3A_301 : memref<10112x128xf32, #tpu.memory_space<vmem_shared>>) offsets(%dma_start3A_298 : memref<32xi32, #tpu.memory_space<vmem>>) semaphore(%arg28 : memref<!tpu.dma_semaphore, #tpu.memory_space<semaphore_mem>>) {add = true}
      %dma_wait3A_302 = arith.constant 2 : i32
      %dma_wait3A_303 = arith.constant 0 : i32
      %dma_wait3A_304 = tpu.memref_slice %arg6[%dma_wait3A_302, %dma_wait3A_303] : memref<8x32xi32, #tpu.memory_space<vmem>> -> memref<1x32xi32, #tpu.memory_space<vmem>>
      %dma_wait3A_305 = tpu.memref_squeeze %dma_wait3A_304 : memref<1x32xi32, #tpu.memory_space<vmem>> -> memref<32xi32, #tpu.memory_space<vmem>>
      %dma_wait3A_306 = arith.constant 0 : i32
      %dma_wait3A_307 = arith.constant 0 : i32
      %dma_wait3A_308 = tpu.memref_slice %arg36[%dma_wait3A_306, %dma_wait3A_307] : memref<10112x128xf32, #tpu.memory_space<vmem_shared>> -> memref<10112x128xf32, #tpu.memory_space<vmem_shared>>
      tpu.wait_indirect_dma semaphore(%arg28 : memref<!tpu.dma_semaphore, #tpu.memory_space<semaphore_mem>>) src(%arg12 : memref<32x128xf32, #tpu.memory_space<vmem>>) dst(%dma_wait3A_308 : memref<10112x128xf32, #tpu.memory_space<vmem_shared>>)
      %dma_start3A_309 = arith.constant 2 : i32
      %dma_start3A_310 = arith.constant 0 : i32
      %dma_start3A_311 = tpu.memref_slice %arg9[%dma_start3A_309, %dma_start3A_310] : memref<8x32xi32, #tpu.memory_space<vmem>> -> memref<1x32xi32, #tpu.memory_space<vmem>>
      %dma_start3A_312 = tpu.memref_squeeze %dma_start3A_311 : memref<1x32xi32, #tpu.memory_space<vmem>> -> memref<32xi32, #tpu.memory_space<vmem>>
      %dma_start3A_313 = arith.constant 0 : i32
      %dma_start3A_314 = arith.constant 0 : i32
      %dma_start3A_315 = tpu.memref_slice %arg2[%dma_start3A_313, %dma_start3A_314] : memref<10000x128xf32, #tpu.memory_space<hbm>> -> memref<10000x128xf32, #tpu.memory_space<hbm>>
      tpu.enqueue_indirect_dma source(%dma_start3A_315 : memref<10000x128xf32, #tpu.memory_space<hbm>>) target(%arg12 : memref<32x128xf32, #tpu.memory_space<vmem>>) offsets(%dma_start3A_312 : memref<32xi32, #tpu.memory_space<vmem>>) semaphore(%arg20 : memref<!tpu.dma_semaphore, #tpu.memory_space<semaphore_mem>>)
      %dma_wait3A_316 = arith.constant 0 : i32
      %dma_wait3A_317 = arith.constant 0 : i32
      %dma_wait3A_318 = tpu.memref_slice %arg2[%dma_wait3A_316, %dma_wait3A_317] : memref<10000x128xf32, #tpu.memory_space<hbm>> -> memref<32x128xf32, #tpu.memory_space<hbm>>
      %dma_wait3A_319 = arith.constant 0 : i32
      %dma_wait3A_320 = arith.constant 0 : i32
      %dma_wait3A_321 = tpu.memref_slice %arg2[%dma_wait3A_319, %dma_wait3A_320] : memref<10000x128xf32, #tpu.memory_space<hbm>> -> memref<32x128xf32, #tpu.memory_space<hbm>>
      tpu.wait_dma2 semaphore(%arg21 : memref<!tpu.dma_semaphore, #tpu.memory_space<semaphore_mem>>) src(%dma_wait3A_321 : memref<32x128xf32, #tpu.memory_space<hbm>>) dst(%arg13 : memref<32x128xf32, #tpu.memory_space<vmem>>)
      %dma_start3A_322 = arith.constant 3 : i32
      %dma_start3A_323 = arith.constant 0 : i32
      %dma_start3A_324 = tpu.memref_slice %arg6[%dma_start3A_322, %dma_start3A_323] : memref<8x32xi32, #tpu.memory_space<vmem>> -> memref<1x32xi32, #tpu.memory_space<vmem>>
      %dma_start3A_325 = tpu.memref_squeeze %dma_start3A_324 : memref<1x32xi32, #tpu.memory_space<vmem>> -> memref<32xi32, #tpu.memory_space<vmem>>
      %dma_start3A_326 = arith.constant 0 : i32
      %dma_start3A_327 = arith.constant 0 : i32
      %dma_start3A_328 = tpu.memref_slice %arg36[%dma_start3A_326, %dma_start3A_327] : memref<10112x128xf32, #tpu.memory_space<vmem_shared>> -> memref<10112x128xf32, #tpu.memory_space<vmem_shared>>
      tpu.enqueue_indirect_dma source(%arg13 : memref<32x128xf32, #tpu.memory_space<vmem>>) target(%dma_start3A_328 : memref<10112x128xf32, #tpu.memory_space<vmem_shared>>) offsets(%dma_start3A_325 : memref<32xi32, #tpu.memory_space<vmem>>) semaphore(%arg29 : memref<!tpu.dma_semaphore, #tpu.memory_space<semaphore_mem>>) {add = true}
      %dma_wait3A_329 = arith.constant 3 : i32
      %dma_wait3A_330 = arith.constant 0 : i32
      %dma_wait3A_331 = tpu.memref_slice %arg6[%dma_wait3A_329, %dma_wait3A_330] : memref<8x32xi32, #tpu.memory_space<vmem>> -> memref<1x32xi32, #tpu.memory_space<vmem>>
      %dma_wait3A_332 = tpu.memref_squeeze %dma_wait3A_331 : memref<1x32xi32, #tpu.memory_space<vmem>> -> memref<32xi32, #tpu.memory_space<vmem>>
      %dma_wait3A_333 = arith.constant 0 : i32
      %dma_wait3A_334 = arith.constant 0 : i32
      %dma_wait3A_335 = tpu.memref_slice %arg36[%dma_wait3A_333, %dma_wait3A_334] : memref<10112x128xf32, #tpu.memory_space<vmem_shared>> -> memref<10112x128xf32, #tpu.memory_space<vmem_shared>>
      tpu.wait_indirect_dma semaphore(%arg29 : memref<!tpu.dma_semaphore, #tpu.memory_space<semaphore_mem>>) src(%arg13 : memref<32x128xf32, #tpu.memory_space<vmem>>) dst(%dma_wait3A_335 : memref<10112x128xf32, #tpu.memory_space<vmem_shared>>)
      %dma_start3A_336 = arith.constant 3 : i32
      %dma_start3A_337 = arith.constant 0 : i32
      %dma_start3A_338 = tpu.memref_slice %arg9[%dma_start3A_336, %dma_start3A_337] : memref<8x32xi32, #tpu.memory_space<vmem>> -> memref<1x32xi32, #tpu.memory_space<vmem>>
      %dma_start3A_339 = tpu.memref_squeeze %dma_start3A_338 : memref<1x32xi32, #tpu.memory_space<vmem>> -> memref<32xi32, #tpu.memory_space<vmem>>
      %dma_start3A_340 = arith.constant 0 : i32
      %dma_start3A_341 = arith.constant 0 : i32
      %dma_start3A_342 = tpu.memref_slice %arg2[%dma_start3A_340, %dma_start3A_341] : memref<10000x128xf32, #tpu.memory_space<hbm>> -> memref<10000x128xf32, #tpu.memory_space<hbm>>
      tpu.enqueue_indirect_dma source(%dma_start3A_342 : memref<10000x128xf32, #tpu.memory_space<hbm>>) target(%arg13 : memref<32x128xf32, #tpu.memory_space<vmem>>) offsets(%dma_start3A_339 : memref<32xi32, #tpu.memory_space<vmem>>) semaphore(%arg21 : memref<!tpu.dma_semaphore, #tpu.memory_space<semaphore_mem>>)
      %dma_wait3A_343 = arith.constant 0 : i32
      %dma_wait3A_344 = arith.constant 0 : i32
      %dma_wait3A_345 = tpu.memref_slice %arg2[%dma_wait3A_343, %dma_wait3A_344] : memref<10000x128xf32, #tpu.memory_space<hbm>> -> memref<32x128xf32, #tpu.memory_space<hbm>>
      %dma_wait3A_346 = arith.constant 0 : i32
      %dma_wait3A_347 = arith.constant 0 : i32
      %dma_wait3A_348 = tpu.memref_slice %arg2[%dma_wait3A_346, %dma_wait3A_347] : memref<10000x128xf32, #tpu.memory_space<hbm>> -> memref<32x128xf32, #tpu.memory_space<hbm>>
      tpu.wait_dma2 semaphore(%arg22 : memref<!tpu.dma_semaphore, #tpu.memory_space<semaphore_mem>>) src(%dma_wait3A_348 : memref<32x128xf32, #tpu.memory_space<hbm>>) dst(%arg14 : memref<32x128xf32, #tpu.memory_space<vmem>>)
      %dma_start3A_349 = arith.constant 4 : i32
      %dma_start3A_350 = arith.constant 0 : i32
      %dma_start3A_351 = tpu.memref_slice %arg6[%dma_start3A_349, %dma_start3A_350] : memref<8x32xi32, #tpu.memory_space<vmem>> -> memref<1x32xi32, #tpu.memory_space<vmem>>
      %dma_start3A_352 = tpu.memref_squeeze %dma_start3A_351 : memref<1x32xi32, #tpu.memory_space<vmem>> -> memref<32xi32, #tpu.memory_space<vmem>>
      %dma_start3A_353 = arith.constant 0 : i32
      %dma_start3A_354 = arith.constant 0 : i32
      %dma_start3A_355 = tpu.memref_slice %arg36[%dma_start3A_353, %dma_start3A_354] : memref<10112x128xf32, #tpu.memory_space<vmem_shared>> -> memref<10112x128xf32, #tpu.memory_space<vmem_shared>>
      tpu.enqueue_indirect_dma source(%arg14 : memref<32x128xf32, #tpu.memory_space<vmem>>) target(%dma_start3A_355 : memref<10112x128xf32, #tpu.memory_space<vmem_shared>>) offsets(%dma_start3A_352 : memref<32xi32, #tpu.memory_space<vmem>>) semaphore(%arg30 : memref<!tpu.dma_semaphore, #tpu.memory_space<semaphore_mem>>) {add = true}
      %dma_wait3A_356 = arith.constant 4 : i32
      %dma_wait3A_357 = arith.constant 0 : i32
      %dma_wait3A_358 = tpu.memref_slice %arg6[%dma_wait3A_356, %dma_wait3A_357] : memref<8x32xi32, #tpu.memory_space<vmem>> -> memref<1x32xi32, #tpu.memory_space<vmem>>
      %dma_wait3A_359 = tpu.memref_squeeze %dma_wait3A_358 : memref<1x32xi32, #tpu.memory_space<vmem>> -> memref<32xi32, #tpu.memory_space<vmem>>
      %dma_wait3A_360 = arith.constant 0 : i32
      %dma_wait3A_361 = arith.constant 0 : i32
      %dma_wait3A_362 = tpu.memref_slice %arg36[%dma_wait3A_360, %dma_wait3A_361] : memref<10112x128xf32, #tpu.memory_space<vmem_shared>> -> memref<10112x128xf32, #tpu.memory_space<vmem_shared>>
      tpu.wait_indirect_dma semaphore(%arg30 : memref<!tpu.dma_semaphore, #tpu.memory_space<semaphore_mem>>) src(%arg14 : memref<32x128xf32, #tpu.memory_space<vmem>>) dst(%dma_wait3A_362 : memref<10112x128xf32, #tpu.memory_space<vmem_shared>>)
      %dma_start3A_363 = arith.constant 4 : i32
      %dma_start3A_364 = arith.constant 0 : i32
      %dma_start3A_365 = tpu.memref_slice %arg9[%dma_start3A_363, %dma_start3A_364] : memref<8x32xi32, #tpu.memory_space<vmem>> -> memref<1x32xi32, #tpu.memory_space<vmem>>
      %dma_start3A_366 = tpu.memref_squeeze %dma_start3A_365 : memref<1x32xi32, #tpu.memory_space<vmem>> -> memref<32xi32, #tpu.memory_space<vmem>>
      %dma_start3A_367 = arith.constant 0 : i32
      %dma_start3A_368 = arith.constant 0 : i32
      %dma_start3A_369 = tpu.memref_slice %arg2[%dma_start3A_367, %dma_start3A_368] : memref<10000x128xf32, #tpu.memory_space<hbm>> -> memref<10000x128xf32, #tpu.memory_space<hbm>>
      tpu.enqueue_indirect_dma source(%dma_start3A_369 : memref<10000x128xf32, #tpu.memory_space<hbm>>) target(%arg14 : memref<32x128xf32, #tpu.memory_space<vmem>>) offsets(%dma_start3A_366 : memref<32xi32, #tpu.memory_space<vmem>>) semaphore(%arg22 : memref<!tpu.dma_semaphore, #tpu.memory_space<semaphore_mem>>)
      %dma_wait3A_370 = arith.constant 0 : i32
      %dma_wait3A_371 = arith.constant 0 : i32
      %dma_wait3A_372 = tpu.memref_slice %arg2[%dma_wait3A_370, %dma_wait3A_371] : memref<10000x128xf32, #tpu.memory_space<hbm>> -> memref<32x128xf32, #tpu.memory_space<hbm>>
      %dma_wait3A_373 = arith.constant 0 : i32
      %dma_wait3A_374 = arith.constant 0 : i32
      %dma_wait3A_375 = tpu.memref_slice %arg2[%dma_wait3A_373, %dma_wait3A_374] : memref<10000x128xf32, #tpu.memory_space<hbm>> -> memref<32x128xf32, #tpu.memory_space<hbm>>
      tpu.wait_dma2 semaphore(%arg23 : memref<!tpu.dma_semaphore, #tpu.memory_space<semaphore_mem>>) src(%dma_wait3A_375 : memref<32x128xf32, #tpu.memory_space<hbm>>) dst(%arg15 : memref<32x128xf32, #tpu.memory_space<vmem>>)
      %dma_start3A_376 = arith.constant 5 : i32
      %dma_start3A_377 = arith.constant 0 : i32
      %dma_start3A_378 = tpu.memref_slice %arg6[%dma_start3A_376, %dma_start3A_377] : memref<8x32xi32, #tpu.memory_space<vmem>> -> memref<1x32xi32, #tpu.memory_space<vmem>>
      %dma_start3A_379 = tpu.memref_squeeze %dma_start3A_378 : memref<1x32xi32, #tpu.memory_space<vmem>> -> memref<32xi32, #tpu.memory_space<vmem>>
      %dma_start3A_380 = arith.constant 0 : i32
      %dma_start3A_381 = arith.constant 0 : i32
      %dma_start3A_382 = tpu.memref_slice %arg36[%dma_start3A_380, %dma_start3A_381] : memref<10112x128xf32, #tpu.memory_space<vmem_shared>> -> memref<10112x128xf32, #tpu.memory_space<vmem_shared>>
      tpu.enqueue_indirect_dma source(%arg15 : memref<32x128xf32, #tpu.memory_space<vmem>>) target(%dma_start3A_382 : memref<10112x128xf32, #tpu.memory_space<vmem_shared>>) offsets(%dma_start3A_379 : memref<32xi32, #tpu.memory_space<vmem>>) semaphore(%arg31 : memref<!tpu.dma_semaphore, #tpu.memory_space<semaphore_mem>>) {add = true}
      %dma_wait3A_383 = arith.constant 5 : i32
      %dma_wait3A_384 = arith.constant 0 : i32
      %dma_wait3A_385 = tpu.memref_slice %arg6[%dma_wait3A_383, %dma_wait3A_384] : memref<8x32xi32, #tpu.memory_space<vmem>> -> memref<1x32xi32, #tpu.memory_space<vmem>>
      %dma_wait3A_386 = tpu.memref_squeeze %dma_wait3A_385 : memref<1x32xi32, #tpu.memory_space<vmem>> -> memref<32xi32, #tpu.memory_space<vmem>>
      %dma_wait3A_387 = arith.constant 0 : i32
      %dma_wait3A_388 = arith.constant 0 : i32
      %dma_wait3A_389 = tpu.memref_slice %arg36[%dma_wait3A_387, %dma_wait3A_388] : memref<10112x128xf32, #tpu.memory_space<vmem_shared>> -> memref<10112x128xf32, #tpu.memory_space<vmem_shared>>
      tpu.wait_indirect_dma semaphore(%arg31 : memref<!tpu.dma_semaphore, #tpu.memory_space<semaphore_mem>>) src(%arg15 : memref<32x128xf32, #tpu.memory_space<vmem>>) dst(%dma_wait3A_389 : memref<10112x128xf32, #tpu.memory_space<vmem_shared>>)
      %dma_start3A_390 = arith.constant 5 : i32
      %dma_start3A_391 = arith.constant 0 : i32
      %dma_start3A_392 = tpu.memref_slice %arg9[%dma_start3A_390, %dma_start3A_391] : memref<8x32xi32, #tpu.memory_space<vmem>> -> memref<1x32xi32, #tpu.memory_space<vmem>>
      %dma_start3A_393 = tpu.memref_squeeze %dma_start3A_392 : memref<1x32xi32, #tpu.memory_space<vmem>> -> memref<32xi32, #tpu.memory_space<vmem>>
      %dma_start3A_394 = arith.constant 0 : i32
      %dma_start3A_395 = arith.constant 0 : i32
      %dma_start3A_396 = tpu.memref_slice %arg2[%dma_start3A_394, %dma_start3A_395] : memref<10000x128xf32, #tpu.memory_space<hbm>> -> memref<10000x128xf32, #tpu.memory_space<hbm>>
      tpu.enqueue_indirect_dma source(%dma_start3A_396 : memref<10000x128xf32, #tpu.memory_space<hbm>>) target(%arg15 : memref<32x128xf32, #tpu.memory_space<vmem>>) offsets(%dma_start3A_393 : memref<32xi32, #tpu.memory_space<vmem>>) semaphore(%arg23 : memref<!tpu.dma_semaphore, #tpu.memory_space<semaphore_mem>>)
      %dma_wait3A_397 = arith.constant 0 : i32
      %dma_wait3A_398 = arith.constant 0 : i32
      %dma_wait3A_399 = tpu.memref_slice %arg2[%dma_wait3A_397, %dma_wait3A_398] : memref<10000x128xf32, #tpu.memory_space<hbm>> -> memref<32x128xf32, #tpu.memory_space<hbm>>
      %dma_wait3A_400 = arith.constant 0 : i32
      %dma_wait3A_401 = arith.constant 0 : i32
      %dma_wait3A_402 = tpu.memref_slice %arg2[%dma_wait3A_400, %dma_wait3A_401] : memref<10000x128xf32, #tpu.memory_space<hbm>> -> memref<32x128xf32, #tpu.memory_space<hbm>>
      tpu.wait_dma2 semaphore(%arg24 : memref<!tpu.dma_semaphore, #tpu.memory_space<semaphore_mem>>) src(%dma_wait3A_402 : memref<32x128xf32, #tpu.memory_space<hbm>>) dst(%arg16 : memref<32x128xf32, #tpu.memory_space<vmem>>)
      %dma_start3A_403 = arith.constant 6 : i32
      %dma_start3A_404 = arith.constant 0 : i32
      %dma_start3A_405 = tpu.memref_slice %arg6[%dma_start3A_403, %dma_start3A_404] : memref<8x32xi32, #tpu.memory_space<vmem>> -> memref<1x32xi32, #tpu.memory_space<vmem>>
      %dma_start3A_406 = tpu.memref_squeeze %dma_start3A_405 : memref<1x32xi32, #tpu.memory_space<vmem>> -> memref<32xi32, #tpu.memory_space<vmem>>
      %dma_start3A_407 = arith.constant 0 : i32
      %dma_start3A_408 = arith.constant 0 : i32
      %dma_start3A_409 = tpu.memref_slice %arg36[%dma_start3A_407, %dma_start3A_408] : memref<10112x128xf32, #tpu.memory_space<vmem_shared>> -> memref<10112x128xf32, #tpu.memory_space<vmem_shared>>
      tpu.enqueue_indirect_dma source(%arg16 : memref<32x128xf32, #tpu.memory_space<vmem>>) target(%dma_start3A_409 : memref<10112x128xf32, #tpu.memory_space<vmem_shared>>) offsets(%dma_start3A_406 : memref<32xi32, #tpu.memory_space<vmem>>) semaphore(%arg32 : memref<!tpu.dma_semaphore, #tpu.memory_space<semaphore_mem>>) {add = true}
      %dma_wait3A_410 = arith.constant 6 : i32
      %dma_wait3A_411 = arith.constant 0 : i32
      %dma_wait3A_412 = tpu.memref_slice %arg6[%dma_wait3A_410, %dma_wait3A_411] : memref<8x32xi32, #tpu.memory_space<vmem>> -> memref<1x32xi32, #tpu.memory_space<vmem>>
      %dma_wait3A_413 = tpu.memref_squeeze %dma_wait3A_412 : memref<1x32xi32, #tpu.memory_space<vmem>> -> memref<32xi32, #tpu.memory_space<vmem>>
      %dma_wait3A_414 = arith.constant 0 : i32
      %dma_wait3A_415 = arith.constant 0 : i32
      %dma_wait3A_416 = tpu.memref_slice %arg36[%dma_wait3A_414, %dma_wait3A_415] : memref<10112x128xf32, #tpu.memory_space<vmem_shared>> -> memref<10112x128xf32, #tpu.memory_space<vmem_shared>>
      tpu.wait_indirect_dma semaphore(%arg32 : memref<!tpu.dma_semaphore, #tpu.memory_space<semaphore_mem>>) src(%arg16 : memref<32x128xf32, #tpu.memory_space<vmem>>) dst(%dma_wait3A_416 : memref<10112x128xf32, #tpu.memory_space<vmem_shared>>)
      %dma_start3A_417 = arith.constant 6 : i32
      %dma_start3A_418 = arith.constant 0 : i32
      %dma_start3A_419 = tpu.memref_slice %arg9[%dma_start3A_417, %dma_start3A_418] : memref<8x32xi32, #tpu.memory_space<vmem>> -> memref<1x32xi32, #tpu.memory_space<vmem>>
      %dma_start3A_420 = tpu.memref_squeeze %dma_start3A_419 : memref<1x32xi32, #tpu.memory_space<vmem>> -> memref<32xi32, #tpu.memory_space<vmem>>
      %dma_start3A_421 = arith.constant 0 : i32
      %dma_start3A_422 = arith.constant 0 : i32
      %dma_start3A_423 = tpu.memref_slice %arg2[%dma_start3A_421, %dma_start3A_422] : memref<10000x128xf32, #tpu.memory_space<hbm>> -> memref<10000x128xf32, #tpu.memory_space<hbm>>
      tpu.enqueue_indirect_dma source(%dma_start3A_423 : memref<10000x128xf32, #tpu.memory_space<hbm>>) target(%arg16 : memref<32x128xf32, #tpu.memory_space<vmem>>) offsets(%dma_start3A_420 : memref<32xi32, #tpu.memory_space<vmem>>) semaphore(%arg24 : memref<!tpu.dma_semaphore, #tpu.memory_space<semaphore_mem>>)
      %dma_wait3A_424 = arith.constant 0 : i32
      %dma_wait3A_425 = arith.constant 0 : i32
      %dma_wait3A_426 = tpu.memref_slice %arg2[%dma_wait3A_424, %dma_wait3A_425] : memref<10000x128xf32, #tpu.memory_space<hbm>> -> memref<32x128xf32, #tpu.memory_space<hbm>>
      %dma_wait3A_427 = arith.constant 0 : i32
      %dma_wait3A_428 = arith.constant 0 : i32
      %dma_wait3A_429 = tpu.memref_slice %arg2[%dma_wait3A_427, %dma_wait3A_428] : memref<10000x128xf32, #tpu.memory_space<hbm>> -> memref<32x128xf32, #tpu.memory_space<hbm>>
      tpu.wait_dma2 semaphore(%arg25 : memref<!tpu.dma_semaphore, #tpu.memory_space<semaphore_mem>>) src(%dma_wait3A_429 : memref<32x128xf32, #tpu.memory_space<hbm>>) dst(%arg17 : memref<32x128xf32, #tpu.memory_space<vmem>>)
      %dma_start3A_430 = arith.constant 7 : i32
      %dma_start3A_431 = arith.constant 0 : i32
      %dma_start3A_432 = tpu.memref_slice %arg6[%dma_start3A_430, %dma_start3A_431] : memref<8x32xi32, #tpu.memory_space<vmem>> -> memref<1x32xi32, #tpu.memory_space<vmem>>
      %dma_start3A_433 = tpu.memref_squeeze %dma_start3A_432 : memref<1x32xi32, #tpu.memory_space<vmem>> -> memref<32xi32, #tpu.memory_space<vmem>>
      %dma_start3A_434 = arith.constant 0 : i32
      %dma_start3A_435 = arith.constant 0 : i32
      %dma_start3A_436 = tpu.memref_slice %arg36[%dma_start3A_434, %dma_start3A_435] : memref<10112x128xf32, #tpu.memory_space<vmem_shared>> -> memref<10112x128xf32, #tpu.memory_space<vmem_shared>>
      tpu.enqueue_indirect_dma source(%arg17 : memref<32x128xf32, #tpu.memory_space<vmem>>) target(%dma_start3A_436 : memref<10112x128xf32, #tpu.memory_space<vmem_shared>>) offsets(%dma_start3A_433 : memref<32xi32, #tpu.memory_space<vmem>>) semaphore(%arg33 : memref<!tpu.dma_semaphore, #tpu.memory_space<semaphore_mem>>) {add = true}
      %dma_wait3A_437 = arith.constant 7 : i32
      %dma_wait3A_438 = arith.constant 0 : i32
      %dma_wait3A_439 = tpu.memref_slice %arg6[%dma_wait3A_437, %dma_wait3A_438] : memref<8x32xi32, #tpu.memory_space<vmem>> -> memref<1x32xi32, #tpu.memory_space<vmem>>
      %dma_wait3A_440 = tpu.memref_squeeze %dma_wait3A_439 : memref<1x32xi32, #tpu.memory_space<vmem>> -> memref<32xi32, #tpu.memory_space<vmem>>
      %dma_wait3A_441 = arith.constant 0 : i32
      %dma_wait3A_442 = arith.constant 0 : i32
      %dma_wait3A_443 = tpu.memref_slice %arg36[%dma_wait3A_441, %dma_wait3A_442] : memref<10112x128xf32, #tpu.memory_space<vmem_shared>> -> memref<10112x128xf32, #tpu.memory_space<vmem_shared>>
      tpu.wait_indirect_dma semaphore(%arg33 : memref<!tpu.dma_semaphore, #tpu.memory_space<semaphore_mem>>) src(%arg17 : memref<32x128xf32, #tpu.memory_space<vmem>>) dst(%dma_wait3A_443 : memref<10112x128xf32, #tpu.memory_space<vmem_shared>>)
      %add3A_444 = arith.constant 1 : i32
      %add3A_445 = arith.addi %scan3A_218, %add3A_444 : i32
      %mul3A_446 = arith.constant 2 : i32
      %mul3A_447 = arith.muli %add3A_445, %mul3A_446 : i32
      %add3A_448 = arith.constant 0 : i32
      %add3A_449 = arith.addi %mul3A_447, %add3A_448 : i32
      %mul3A_450 = arith.constant 8 : i32
      %mul3A_451 = arith.muli %add3A_449, %mul3A_450 : i32
      %min3A_452 = arith.constant 312 : i32
      %min3A_453 = arith.minsi %mul3A_451, %min3A_452 : i32
      %dma_start3A_454 = arith.constant 0 : i32
      %dma_start3A_455 = tpu.memref_slice %arg3[%add3A, %min3A_453, %dma_start3A_454] : memref<32x320x32xi32, #tpu.memory_space<hbm>> -> memref<1x8x32xi32, #tpu.memory_space<hbm>>
      %dma_start3A_456 = tpu.memref_squeeze %dma_start3A_455 : memref<1x8x32xi32, #tpu.memory_space<hbm>> -> memref<8x32xi32, #tpu.memory_space<hbm>>
      %dma_start3A_457 = arith.constant 0 : i32
      %dma_start3A_458 = tpu.memref_slice %arg3[%add3A, %min3A_453, %dma_start3A_457] : memref<32x320x32xi32, #tpu.memory_space<hbm>> -> memref<1x8x32xi32, #tpu.memory_space<hbm>>
      %dma_start3A_459 = tpu.memref_squeeze %dma_start3A_458 : memref<1x8x32xi32, #tpu.memory_space<hbm>> -> memref<8x32xi32, #tpu.memory_space<hbm>>
      tpu.enqueue_dma source(%dma_start3A_459 : memref<8x32xi32, #tpu.memory_space<hbm>>) target(%arg6 : memref<8x32xi32, #tpu.memory_space<vmem>>) target_semaphore(%arg34 : memref<!tpu.dma_semaphore, #tpu.memory_space<semaphore_mem>>)
      %dma_start3A_460 = arith.constant 0 : i32
      %dma_start3A_461 = tpu.memref_slice %arg4[%add3A, %min3A_453, %dma_start3A_460] : memref<32x320x32xi32, #tpu.memory_space<hbm>> -> memref<1x8x32xi32, #tpu.memory_space<hbm>>
      %dma_start3A_462 = tpu.memref_squeeze %dma_start3A_461 : memref<1x8x32xi32, #tpu.memory_space<hbm>> -> memref<8x32xi32, #tpu.memory_space<hbm>>
      %dma_start3A_463 = arith.constant 0 : i32
      %dma_start3A_464 = tpu.memref_slice %arg4[%add3A, %min3A_453, %dma_start3A_463] : memref<32x320x32xi32, #tpu.memory_space<hbm>> -> memref<1x8x32xi32, #tpu.memory_space<hbm>>
      %dma_start3A_465 = tpu.memref_squeeze %dma_start3A_464 : memref<1x8x32xi32, #tpu.memory_space<hbm>> -> memref<8x32xi32, #tpu.memory_space<hbm>>
      tpu.enqueue_dma source(%dma_start3A_465 : memref<8x32xi32, #tpu.memory_space<hbm>>) target(%arg8 : memref<8x32xi32, #tpu.memory_space<vmem>>) target_semaphore(%arg34 : memref<!tpu.dma_semaphore, #tpu.memory_space<semaphore_mem>>)
      %dma_start3A_466 = arith.constant 7 : i32
      %dma_start3A_467 = arith.constant 0 : i32
      %dma_start3A_468 = tpu.memref_slice %arg9[%dma_start3A_466, %dma_start3A_467] : memref<8x32xi32, #tpu.memory_space<vmem>> -> memref<1x32xi32, #tpu.memory_space<vmem>>
      %dma_start3A_469 = tpu.memref_squeeze %dma_start3A_468 : memref<1x32xi32, #tpu.memory_space<vmem>> -> memref<32xi32, #tpu.memory_space<vmem>>
      %dma_start3A_470 = arith.constant 0 : i32
      %dma_start3A_471 = arith.constant 0 : i32
      %dma_start3A_472 = tpu.memref_slice %arg2[%dma_start3A_470, %dma_start3A_471] : memref<10000x128xf32, #tpu.memory_space<hbm>> -> memref<10000x128xf32, #tpu.memory_space<hbm>>
      tpu.enqueue_indirect_dma source(%dma_start3A_472 : memref<10000x128xf32, #tpu.memory_space<hbm>>) target(%arg17 : memref<32x128xf32, #tpu.memory_space<vmem>>) offsets(%dma_start3A_469 : memref<32xi32, #tpu.memory_space<vmem>>) semaphore(%arg25 : memref<!tpu.dma_semaphore, #tpu.memory_space<semaphore_mem>>)
      %dma_wait3A_473 = arith.constant 0 : i32
      %dma_wait3A_474 = arith.constant 0 : i32
      %dma_wait3A_475 = tpu.memref_slice %arg2[%dma_wait3A_473, %dma_wait3A_474] : memref<10000x128xf32, #tpu.memory_space<hbm>> -> memref<32x128xf32, #tpu.memory_space<hbm>>
      %dma_wait3A_476 = arith.constant 0 : i32
      %dma_wait3A_477 = arith.constant 0 : i32
      %dma_wait3A_478 = tpu.memref_slice %arg2[%dma_wait3A_476, %dma_wait3A_477] : memref<10000x128xf32, #tpu.memory_space<hbm>> -> memref<32x128xf32, #tpu.memory_space<hbm>>
      tpu.wait_dma2 semaphore(%arg18 : memref<!tpu.dma_semaphore, #tpu.memory_space<semaphore_mem>>) src(%dma_wait3A_478 : memref<32x128xf32, #tpu.memory_space<hbm>>) dst(%arg10 : memref<32x128xf32, #tpu.memory_space<vmem>>)
      %dma_start3A_479 = arith.constant 0 : i32
      %dma_start3A_480 = arith.constant 0 : i32
      %dma_start3A_481 = tpu.memref_slice %arg7[%dma_start3A_479, %dma_start3A_480] : memref<8x32xi32, #tpu.memory_space<vmem>> -> memref<1x32xi32, #tpu.memory_space<vmem>>
      %dma_start3A_482 = tpu.memref_squeeze %dma_start3A_481 : memref<1x32xi32, #tpu.memory_space<vmem>> -> memref<32xi32, #tpu.memory_space<vmem>>
      %dma_start3A_483 = arith.constant 0 : i32
      %dma_start3A_484 = arith.constant 0 : i32
      %dma_start3A_485 = tpu.memref_slice %arg36[%dma_start3A_483, %dma_start3A_484] : memref<10112x128xf32, #tpu.memory_space<vmem_shared>> -> memref<10112x128xf32, #tpu.memory_space<vmem_shared>>
      tpu.enqueue_indirect_dma source(%arg10 : memref<32x128xf32, #tpu.memory_space<vmem>>) target(%dma_start3A_485 : memref<10112x128xf32, #tpu.memory_space<vmem_shared>>) offsets(%dma_start3A_482 : memref<32xi32, #tpu.memory_space<vmem>>) semaphore(%arg26 : memref<!tpu.dma_semaphore, #tpu.memory_space<semaphore_mem>>) {add = true}
      %dma_wait3A_486 = arith.constant 0 : i32
      %dma_wait3A_487 = arith.constant 0 : i32
      %dma_wait3A_488 = tpu.memref_slice %arg7[%dma_wait3A_486, %dma_wait3A_487] : memref<8x32xi32, #tpu.memory_space<vmem>> -> memref<1x32xi32, #tpu.memory_space<vmem>>
      %dma_wait3A_489 = tpu.memref_squeeze %dma_wait3A_488 : memref<1x32xi32, #tpu.memory_space<vmem>> -> memref<32xi32, #tpu.memory_space<vmem>>
      %dma_wait3A_490 = arith.constant 0 : i32
      %dma_wait3A_491 = arith.constant 0 : i32
      %dma_wait3A_492 = tpu.memref_slice %arg36[%dma_wait3A_490, %dma_wait3A_491] : memref<10112x128xf32, #tpu.memory_space<vmem_shared>> -> memref<10112x128xf32, #tpu.memory_space<vmem_shared>>
      tpu.wait_indirect_dma semaphore(%arg26 : memref<!tpu.dma_semaphore, #tpu.memory_space<semaphore_mem>>) src(%arg10 : memref<32x128xf32, #tpu.memory_space<vmem>>) dst(%dma_wait3A_492 : memref<10112x128xf32, #tpu.memory_space<vmem_shared>>)
      %dma_wait3A_493 = arith.constant 0 : i32
      %dma_wait3A_494 = arith.constant 0 : i32
      %dma_wait3A_495 = tpu.memref_slice %arg3[%add3A, %dma_wait3A_493, %dma_wait3A_494] : memref<32x320x32xi32, #tpu.memory_space<hbm>> -> memref<1x8x32xi32, #tpu.memory_space<hbm>>
      %dma_wait3A_496 = tpu.memref_squeeze %dma_wait3A_495 : memref<1x8x32xi32, #tpu.memory_space<hbm>> -> memref<8x32xi32, #tpu.memory_space<hbm>>
      %dma_wait3A_497 = arith.constant 0 : i32
      %dma_wait3A_498 = arith.constant 0 : i32
      %dma_wait3A_499 = tpu.memref_slice %arg3[%add3A, %dma_wait3A_497, %dma_wait3A_498] : memref<32x320x32xi32, #tpu.memory_space<hbm>> -> memref<1x8x32xi32, #tpu.memory_space<hbm>>
      %dma_wait3A_500 = tpu.memref_squeeze %dma_wait3A_499 : memref<1x8x32xi32, #tpu.memory_space<hbm>> -> memref<8x32xi32, #tpu.memory_space<hbm>>
      tpu.wait_dma2 semaphore(%arg34 : memref<!tpu.dma_semaphore, #tpu.memory_space<semaphore_mem>>) src(%dma_wait3A_500 : memref<8x32xi32, #tpu.memory_space<hbm>>) dst(%arg6 : memref<8x32xi32, #tpu.memory_space<vmem>>)
      %dma_wait3A_501 = arith.constant 0 : i32
      %dma_wait3A_502 = arith.constant 0 : i32
      %dma_wait3A_503 = tpu.memref_slice %arg4[%add3A, %dma_wait3A_501, %dma_wait3A_502] : memref<32x320x32xi32, #tpu.memory_space<hbm>> -> memref<1x8x32xi32, #tpu.memory_space<hbm>>
      %dma_wait3A_504 = tpu.memref_squeeze %dma_wait3A_503 : memref<1x8x32xi32, #tpu.memory_space<hbm>> -> memref<8x32xi32, #tpu.memory_space<hbm>>
      %dma_wait3A_505 = arith.constant 0 : i32
      %dma_wait3A_506 = arith.constant 0 : i32
      %dma_wait3A_507 = tpu.memref_slice %arg4[%add3A, %dma_wait3A_505, %dma_wait3A_506] : memref<32x320x32xi32, #tpu.memory_space<hbm>> -> memref<1x8x32xi32, #tpu.memory_space<hbm>>
      %dma_wait3A_508 = tpu.memref_squeeze %dma_wait3A_507 : memref<1x8x32xi32, #tpu.memory_space<hbm>> -> memref<8x32xi32, #tpu.memory_space<hbm>>
      tpu.wait_dma2 semaphore(%arg34 : memref<!tpu.dma_semaphore, #tpu.memory_space<semaphore_mem>>) src(%dma_wait3A_508 : memref<8x32xi32, #tpu.memory_space<hbm>>) dst(%arg8 : memref<8x32xi32, #tpu.memory_space<vmem>>)
      %dma_start3A_509 = arith.constant 0 : i32
      %dma_start3A_510 = arith.constant 0 : i32
      %dma_start3A_511 = tpu.memref_slice %arg8[%dma_start3A_509, %dma_start3A_510] : memref<8x32xi32, #tpu.memory_space<vmem>> -> memref<1x32xi32, #tpu.memory_space<vmem>>
      %dma_start3A_512 = tpu.memref_squeeze %dma_start3A_511 : memref<1x32xi32, #tpu.memory_space<vmem>> -> memref<32xi32, #tpu.memory_space<vmem>>
      %dma_start3A_513 = arith.constant 0 : i32
      %dma_start3A_514 = arith.constant 0 : i32
      %dma_start3A_515 = tpu.memref_slice %arg2[%dma_start3A_513, %dma_start3A_514] : memref<10000x128xf32, #tpu.memory_space<hbm>> -> memref<10000x128xf32, #tpu.memory_space<hbm>>
      tpu.enqueue_indirect_dma source(%dma_start3A_515 : memref<10000x128xf32, #tpu.memory_space<hbm>>) target(%arg10 : memref<32x128xf32, #tpu.memory_space<vmem>>) offsets(%dma_start3A_512 : memref<32xi32, #tpu.memory_space<vmem>>) semaphore(%arg18 : memref<!tpu.dma_semaphore, #tpu.memory_space<semaphore_mem>>)
      %dma_wait3A_516 = arith.constant 0 : i32
      %dma_wait3A_517 = arith.constant 0 : i32
      %dma_wait3A_518 = tpu.memref_slice %arg2[%dma_wait3A_516, %dma_wait3A_517] : memref<10000x128xf32, #tpu.memory_space<hbm>> -> memref<32x128xf32, #tpu.memory_space<hbm>>
      %dma_wait3A_519 = arith.constant 0 : i32
      %dma_wait3A_520 = arith.constant 0 : i32
      %dma_wait3A_521 = tpu.memref_slice %arg2[%dma_wait3A_519, %dma_wait3A_520] : memref<10000x128xf32, #tpu.memory_space<hbm>> -> memref<32x128xf32, #tpu.memory_space<hbm>>
      tpu.wait_dma2 semaphore(%arg19 : memref<!tpu.dma_semaphore, #tpu.memory_space<semaphore_mem>>) src(%dma_wait3A_521 : memref<32x128xf32, #tpu.memory_space<hbm>>) dst(%arg11 : memref<32x128xf32, #tpu.memory_space<vmem>>)
      %dma_start3A_522 = arith.constant 1 : i32
      %dma_start3A_523 = arith.constant 0 : i32
      %dma_start3A_524 = tpu.memref_slice %arg7[%dma_start3A_522, %dma_start3A_523] : memref<8x32xi32, #tpu.memory_space<vmem>> -> memref<1x32xi32, #tpu.memory_space<vmem>>
      %dma_start3A_525 = tpu.memref_squeeze %dma_start3A_524 : memref<1x32xi32, #tpu.memory_space<vmem>> -> memref<32xi32, #tpu.memory_space<vmem>>
      %dma_start3A_526 = arith.constant 0 : i32
      %dma_start3A_527 = arith.constant 0 : i32
      %dma_start3A_528 = tpu.memref_slice %arg36[%dma_start3A_526, %dma_start3A_527] : memref<10112x128xf32, #tpu.memory_space<vmem_shared>> -> memref<10112x128xf32, #tpu.memory_space<vmem_shared>>
      tpu.enqueue_indirect_dma source(%arg11 : memref<32x128xf32, #tpu.memory_space<vmem>>) target(%dma_start3A_528 : memref<10112x128xf32, #tpu.memory_space<vmem_shared>>) offsets(%dma_start3A_525 : memref<32xi32, #tpu.memory_space<vmem>>) semaphore(%arg27 : memref<!tpu.dma_semaphore, #tpu.memory_space<semaphore_mem>>) {add = true}
      %dma_wait3A_529 = arith.constant 1 : i32
      %dma_wait3A_530 = arith.constant 0 : i32
      %dma_wait3A_531 = tpu.memref_slice %arg7[%dma_wait3A_529, %dma_wait3A_530] : memref<8x32xi32, #tpu.memory_space<vmem>> -> memref<1x32xi32, #tpu.memory_space<vmem>>
      %dma_wait3A_532 = tpu.memref_squeeze %dma_wait3A_531 : memref<1x32xi32, #tpu.memory_space<vmem>> -> memref<32xi32, #tpu.memory_space<vmem>>
      %dma_wait3A_533 = arith.constant 0 : i32
      %dma_wait3A_534 = arith.constant 0 : i32
      %dma_wait3A_535 = tpu.memref_slice %arg36[%dma_wait3A_533, %dma_wait3A_534] : memref<10112x128xf32, #tpu.memory_space<vmem_shared>> -> memref<10112x128xf32, #tpu.memory_space<vmem_shared>>
      tpu.wait_indirect_dma semaphore(%arg27 : memref<!tpu.dma_semaphore, #tpu.memory_space<semaphore_mem>>) src(%arg11 : memref<32x128xf32, #tpu.memory_space<vmem>>) dst(%dma_wait3A_535 : memref<10112x128xf32, #tpu.memory_space<vmem_shared>>)
      %dma_start3A_536 = arith.constant 1 : i32
      %dma_start3A_537 = arith.constant 0 : i32
      %dma_start3A_538 = tpu.memref_slice %arg8[%dma_start3A_536, %dma_start3A_537] : memref<8x32xi32, #tpu.memory_space<vmem>> -> memref<1x32xi32, #tpu.memory_space<vmem>>
      %dma_start3A_539 = tpu.memref_squeeze %dma_start3A_538 : memref<1x32xi32, #tpu.memory_space<vmem>> -> memref<32xi32, #tpu.memory_space<vmem>>
      %dma_start3A_540 = arith.constant 0 : i32
      %dma_start3A_541 = arith.constant 0 : i32
      %dma_start3A_542 = tpu.memref_slice %arg2[%dma_start3A_540, %dma_start3A_541] : memref<10000x128xf32, #tpu.memory_space<hbm>> -> memref<10000x128xf32, #tpu.memory_space<hbm>>
      tpu.enqueue_indirect_dma source(%dma_start3A_542 : memref<10000x128xf32, #tpu.memory_space<hbm>>) target(%arg11 : memref<32x128xf32, #tpu.memory_space<vmem>>) offsets(%dma_start3A_539 : memref<32xi32, #tpu.memory_space<vmem>>) semaphore(%arg19 : memref<!tpu.dma_semaphore, #tpu.memory_space<semaphore_mem>>)
      %dma_wait3A_543 = arith.constant 0 : i32
      %dma_wait3A_544 = arith.constant 0 : i32
      %dma_wait3A_545 = tpu.memref_slice %arg2[%dma_wait3A_543, %dma_wait3A_544] : memref<10000x128xf32, #tpu.memory_space<hbm>> -> memref<32x128xf32, #tpu.memory_space<hbm>>
      %dma_wait3A_546 = arith.constant 0 : i32
      %dma_wait3A_547 = arith.constant 0 : i32
      %dma_wait3A_548 = tpu.memref_slice %arg2[%dma_wait3A_546, %dma_wait3A_547] : memref<10000x128xf32, #tpu.memory_space<hbm>> -> memref<32x128xf32, #tpu.memory_space<hbm>>
      tpu.wait_dma2 semaphore(%arg20 : memref<!tpu.dma_semaphore, #tpu.memory_space<semaphore_mem>>) src(%dma_wait3A_548 : memref<32x128xf32, #tpu.memory_space<hbm>>) dst(%arg12 : memref<32x128xf32, #tpu.memory_space<vmem>>)
      %dma_start3A_549 = arith.constant 2 : i32
      %dma_start3A_550 = arith.constant 0 : i32
      %dma_start3A_551 = tpu.memref_slice %arg7[%dma_start3A_549, %dma_start3A_550] : memref<8x32xi32, #tpu.memory_space<vmem>> -> memref<1x32xi32, #tpu.memory_space<vmem>>
      %dma_start3A_552 = tpu.memref_squeeze %dma_start3A_551 : memref<1x32xi32, #tpu.memory_space<vmem>> -> memref<32xi32, #tpu.memory_space<vmem>>
      %dma_start3A_553 = arith.constant 0 : i32
      %dma_start3A_554 = arith.constant 0 : i32
      %dma_start3A_555 = tpu.memref_slice %arg36[%dma_start3A_553, %dma_start3A_554] : memref<10112x128xf32, #tpu.memory_space<vmem_shared>> -> memref<10112x128xf32, #tpu.memory_space<vmem_shared>>
      tpu.enqueue_indirect_dma source(%arg12 : memref<32x128xf32, #tpu.memory_space<vmem>>) target(%dma_start3A_555 : memref<10112x128xf32, #tpu.memory_space<vmem_shared>>) offsets(%dma_start3A_552 : memref<32xi32, #tpu.memory_space<vmem>>) semaphore(%arg28 : memref<!tpu.dma_semaphore, #tpu.memory_space<semaphore_mem>>) {add = true}
      %dma_wait3A_556 = arith.constant 2 : i32
      %dma_wait3A_557 = arith.constant 0 : i32
      %dma_wait3A_558 = tpu.memref_slice %arg7[%dma_wait3A_556, %dma_wait3A_557] : memref<8x32xi32, #tpu.memory_space<vmem>> -> memref<1x32xi32, #tpu.memory_space<vmem>>
      %dma_wait3A_559 = tpu.memref_squeeze %dma_wait3A_558 : memref<1x32xi32, #tpu.memory_space<vmem>> -> memref<32xi32, #tpu.memory_space<vmem>>
      %dma_wait3A_560 = arith.constant 0 : i32
      %dma_wait3A_561 = arith.constant 0 : i32
      %dma_wait3A_562 = tpu.memref_slice %arg36[%dma_wait3A_560, %dma_wait3A_561] : memref<10112x128xf32, #tpu.memory_space<vmem_shared>> -> memref<10112x128xf32, #tpu.memory_space<vmem_shared>>
      tpu.wait_indirect_dma semaphore(%arg28 : memref<!tpu.dma_semaphore, #tpu.memory_space<semaphore_mem>>) src(%arg12 : memref<32x128xf32, #tpu.memory_space<vmem>>) dst(%dma_wait3A_562 : memref<10112x128xf32, #tpu.memory_space<vmem_shared>>)
      %dma_start3A_563 = arith.constant 2 : i32
      %dma_start3A_564 = arith.constant 0 : i32
      %dma_start3A_565 = tpu.memref_slice %arg8[%dma_start3A_563, %dma_start3A_564] : memref<8x32xi32, #tpu.memory_space<vmem>> -> memref<1x32xi32, #tpu.memory_space<vmem>>
      %dma_start3A_566 = tpu.memref_squeeze %dma_start3A_565 : memref<1x32xi32, #tpu.memory_space<vmem>> -> memref<32xi32, #tpu.memory_space<vmem>>
      %dma_start3A_567 = arith.constant 0 : i32
      %dma_start3A_568 = arith.constant 0 : i32
      %dma_start3A_569 = tpu.memref_slice %arg2[%dma_start3A_567, %dma_start3A_568] : memref<10000x128xf32, #tpu.memory_space<hbm>> -> memref<10000x128xf32, #tpu.memory_space<hbm>>
      tpu.enqueue_indirect_dma source(%dma_start3A_569 : memref<10000x128xf32, #tpu.memory_space<hbm>>) target(%arg12 : memref<32x128xf32, #tpu.memory_space<vmem>>) offsets(%dma_start3A_566 : memref<32xi32, #tpu.memory_space<vmem>>) semaphore(%arg20 : memref<!tpu.dma_semaphore, #tpu.memory_space<semaphore_mem>>)
      %dma_wait3A_570 = arith.constant 0 : i32
      %dma_wait3A_571 = arith.constant 0 : i32
      %dma_wait3A_572 = tpu.memref_slice %arg2[%dma_wait3A_570, %dma_wait3A_571] : memref<10000x128xf32, #tpu.memory_space<hbm>> -> memref<32x128xf32, #tpu.memory_space<hbm>>
      %dma_wait3A_573 = arith.constant 0 : i32
      %dma_wait3A_574 = arith.constant 0 : i32
      %dma_wait3A_575 = tpu.memref_slice %arg2[%dma_wait3A_573, %dma_wait3A_574] : memref<10000x128xf32, #tpu.memory_space<hbm>> -> memref<32x128xf32, #tpu.memory_space<hbm>>
      tpu.wait_dma2 semaphore(%arg21 : memref<!tpu.dma_semaphore, #tpu.memory_space<semaphore_mem>>) src(%dma_wait3A_575 : memref<32x128xf32, #tpu.memory_space<hbm>>) dst(%arg13 : memref<32x128xf32, #tpu.memory_space<vmem>>)
      %dma_start3A_576 = arith.constant 3 : i32
      %dma_start3A_577 = arith.constant 0 : i32
      %dma_start3A_578 = tpu.memref_slice %arg7[%dma_start3A_576, %dma_start3A_577] : memref<8x32xi32, #tpu.memory_space<vmem>> -> memref<1x32xi32, #tpu.memory_space<vmem>>
      %dma_start3A_579 = tpu.memref_squeeze %dma_start3A_578 : memref<1x32xi32, #tpu.memory_space<vmem>> -> memref<32xi32, #tpu.memory_space<vmem>>
      %dma_start3A_580 = arith.constant 0 : i32
      %dma_start3A_581 = arith.constant 0 : i32
      %dma_start3A_582 = tpu.memref_slice %arg36[%dma_start3A_580, %dma_start3A_581] : memref<10112x128xf32, #tpu.memory_space<vmem_shared>> -> memref<10112x128xf32, #tpu.memory_space<vmem_shared>>
      tpu.enqueue_indirect_dma source(%arg13 : memref<32x128xf32, #tpu.memory_space<vmem>>) target(%dma_start3A_582 : memref<10112x128xf32, #tpu.memory_space<vmem_shared>>) offsets(%dma_start3A_579 : memref<32xi32, #tpu.memory_space<vmem>>) semaphore(%arg29 : memref<!tpu.dma_semaphore, #tpu.memory_space<semaphore_mem>>) {add = true}
      %dma_wait3A_583 = arith.constant 3 : i32
      %dma_wait3A_584 = arith.constant 0 : i32
      %dma_wait3A_585 = tpu.memref_slice %arg7[%dma_wait3A_583, %dma_wait3A_584] : memref<8x32xi32, #tpu.memory_space<vmem>> -> memref<1x32xi32, #tpu.memory_space<vmem>>
      %dma_wait3A_586 = tpu.memref_squeeze %dma_wait3A_585 : memref<1x32xi32, #tpu.memory_space<vmem>> -> memref<32xi32, #tpu.memory_space<vmem>>
      %dma_wait3A_587 = arith.constant 0 : i32
      %dma_wait3A_588 = arith.constant 0 : i32
      %dma_wait3A_589 = tpu.memref_slice %arg36[%dma_wait3A_587, %dma_wait3A_588] : memref<10112x128xf32, #tpu.memory_space<vmem_shared>> -> memref<10112x128xf32, #tpu.memory_space<vmem_shared>>
      tpu.wait_indirect_dma semaphore(%arg29 : memref<!tpu.dma_semaphore, #tpu.memory_space<semaphore_mem>>) src(%arg13 : memref<32x128xf32, #tpu.memory_space<vmem>>) dst(%dma_wait3A_589 : memref<10112x128xf32, #tpu.memory_space<vmem_shared>>)
      %dma_start3A_590 = arith.constant 3 : i32
      %dma_start3A_591 = arith.constant 0 : i32
      %dma_start3A_592 = tpu.memref_slice %arg8[%dma_start3A_590, %dma_start3A_591] : memref<8x32xi32, #tpu.memory_space<vmem>> -> memref<1x32xi32, #tpu.memory_space<vmem>>
      %dma_start3A_593 = tpu.memref_squeeze %dma_start3A_592 : memref<1x32xi32, #tpu.memory_space<vmem>> -> memref<32xi32, #tpu.memory_space<vmem>>
      %dma_start3A_594 = arith.constant 0 : i32
      %dma_start3A_595 = arith.constant 0 : i32
      %dma_start3A_596 = tpu.memref_slice %arg2[%dma_start3A_594, %dma_start3A_595] : memref<10000x128xf32, #tpu.memory_space<hbm>> -> memref<10000x128xf32, #tpu.memory_space<hbm>>
      tpu.enqueue_indirect_dma source(%dma_start3A_596 : memref<10000x128xf32, #tpu.memory_space<hbm>>) target(%arg13 : memref<32x128xf32, #tpu.memory_space<vmem>>) offsets(%dma_start3A_593 : memref<32xi32, #tpu.memory_space<vmem>>) semaphore(%arg21 : memref<!tpu.dma_semaphore, #tpu.memory_space<semaphore_mem>>)
      %dma_wait3A_597 = arith.constant 0 : i32
      %dma_wait3A_598 = arith.constant 0 : i32
      %dma_wait3A_599 = tpu.memref_slice %arg2[%dma_wait3A_597, %dma_wait3A_598] : memref<10000x128xf32, #tpu.memory_space<hbm>> -> memref<32x128xf32, #tpu.memory_space<hbm>>
      %dma_wait3A_600 = arith.constant 0 : i32
      %dma_wait3A_601 = arith.constant 0 : i32
      %dma_wait3A_602 = tpu.memref_slice %arg2[%dma_wait3A_600, %dma_wait3A_601] : memref<10000x128xf32, #tpu.memory_space<hbm>> -> memref<32x128xf32, #tpu.memory_space<hbm>>
      tpu.wait_dma2 semaphore(%arg22 : memref<!tpu.dma_semaphore, #tpu.memory_space<semaphore_mem>>) src(%dma_wait3A_602 : memref<32x128xf32, #tpu.memory_space<hbm>>) dst(%arg14 : memref<32x128xf32, #tpu.memory_space<vmem>>)
      %dma_start3A_603 = arith.constant 4 : i32
      %dma_start3A_604 = arith.constant 0 : i32
      %dma_start3A_605 = tpu.memref_slice %arg7[%dma_start3A_603, %dma_start3A_604] : memref<8x32xi32, #tpu.memory_space<vmem>> -> memref<1x32xi32, #tpu.memory_space<vmem>>
      %dma_start3A_606 = tpu.memref_squeeze %dma_start3A_605 : memref<1x32xi32, #tpu.memory_space<vmem>> -> memref<32xi32, #tpu.memory_space<vmem>>
      %dma_start3A_607 = arith.constant 0 : i32
      %dma_start3A_608 = arith.constant 0 : i32
      %dma_start3A_609 = tpu.memref_slice %arg36[%dma_start3A_607, %dma_start3A_608] : memref<10112x128xf32, #tpu.memory_space<vmem_shared>> -> memref<10112x128xf32, #tpu.memory_space<vmem_shared>>
      tpu.enqueue_indirect_dma source(%arg14 : memref<32x128xf32, #tpu.memory_space<vmem>>) target(%dma_start3A_609 : memref<10112x128xf32, #tpu.memory_space<vmem_shared>>) offsets(%dma_start3A_606 : memref<32xi32, #tpu.memory_space<vmem>>) semaphore(%arg30 : memref<!tpu.dma_semaphore, #tpu.memory_space<semaphore_mem>>) {add = true}
      %dma_wait3A_610 = arith.constant 4 : i32
      %dma_wait3A_611 = arith.constant 0 : i32
      %dma_wait3A_612 = tpu.memref_slice %arg7[%dma_wait3A_610, %dma_wait3A_611] : memref<8x32xi32, #tpu.memory_space<vmem>> -> memref<1x32xi32, #tpu.memory_space<vmem>>
      %dma_wait3A_613 = tpu.memref_squeeze %dma_wait3A_612 : memref<1x32xi32, #tpu.memory_space<vmem>> -> memref<32xi32, #tpu.memory_space<vmem>>
      %dma_wait3A_614 = arith.constant 0 : i32
      %dma_wait3A_615 = arith.constant 0 : i32
      %dma_wait3A_616 = tpu.memref_slice %arg36[%dma_wait3A_614, %dma_wait3A_615] : memref<10112x128xf32, #tpu.memory_space<vmem_shared>> -> memref<10112x128xf32, #tpu.memory_space<vmem_shared>>
      tpu.wait_indirect_dma semaphore(%arg30 : memref<!tpu.dma_semaphore, #tpu.memory_space<semaphore_mem>>) src(%arg14 : memref<32x128xf32, #tpu.memory_space<vmem>>) dst(%dma_wait3A_616 : memref<10112x128xf32, #tpu.memory_space<vmem_shared>>)
      %dma_start3A_617 = arith.constant 4 : i32
      %dma_start3A_618 = arith.constant 0 : i32
      %dma_start3A_619 = tpu.memref_slice %arg8[%dma_start3A_617, %dma_start3A_618] : memref<8x32xi32, #tpu.memory_space<vmem>> -> memref<1x32xi32, #tpu.memory_space<vmem>>
      %dma_start3A_620 = tpu.memref_squeeze %dma_start3A_619 : memref<1x32xi32, #tpu.memory_space<vmem>> -> memref<32xi32, #tpu.memory_space<vmem>>
      %dma_start3A_621 = arith.constant 0 : i32
      %dma_start3A_622 = arith.constant 0 : i32
      %dma_start3A_623 = tpu.memref_slice %arg2[%dma_start3A_621, %dma_start3A_622] : memref<10000x128xf32, #tpu.memory_space<hbm>> -> memref<10000x128xf32, #tpu.memory_space<hbm>>
      tpu.enqueue_indirect_dma source(%dma_start3A_623 : memref<10000x128xf32, #tpu.memory_space<hbm>>) target(%arg14 : memref<32x128xf32, #tpu.memory_space<vmem>>) offsets(%dma_start3A_620 : memref<32xi32, #tpu.memory_space<vmem>>) semaphore(%arg22 : memref<!tpu.dma_semaphore, #tpu.memory_space<semaphore_mem>>)
      %dma_wait3A_624 = arith.constant 0 : i32
      %dma_wait3A_625 = arith.constant 0 : i32
      %dma_wait3A_626 = tpu.memref_slice %arg2[%dma_wait3A_624, %dma_wait3A_625] : memref<10000x128xf32, #tpu.memory_space<hbm>> -> memref<32x128xf32, #tpu.memory_space<hbm>>
      %dma_wait3A_627 = arith.constant 0 : i32
      %dma_wait3A_628 = arith.constant 0 : i32
      %dma_wait3A_629 = tpu.memref_slice %arg2[%dma_wait3A_627, %dma_wait3A_628] : memref<10000x128xf32, #tpu.memory_space<hbm>> -> memref<32x128xf32, #tpu.memory_space<hbm>>
      tpu.wait_dma2 semaphore(%arg23 : memref<!tpu.dma_semaphore, #tpu.memory_space<semaphore_mem>>) src(%dma_wait3A_629 : memref<32x128xf32, #tpu.memory_space<hbm>>) dst(%arg15 : memref<32x128xf32, #tpu.memory_space<vmem>>)
      %dma_start3A_630 = arith.constant 5 : i32
      %dma_start3A_631 = arith.constant 0 : i32
      %dma_start3A_632 = tpu.memref_slice %arg7[%dma_start3A_630, %dma_start3A_631] : memref<8x32xi32, #tpu.memory_space<vmem>> -> memref<1x32xi32, #tpu.memory_space<vmem>>
      %dma_start3A_633 = tpu.memref_squeeze %dma_start3A_632 : memref<1x32xi32, #tpu.memory_space<vmem>> -> memref<32xi32, #tpu.memory_space<vmem>>
      %dma_start3A_634 = arith.constant 0 : i32
      %dma_start3A_635 = arith.constant 0 : i32
      %dma_start3A_636 = tpu.memref_slice %arg36[%dma_start3A_634, %dma_start3A_635] : memref<10112x128xf32, #tpu.memory_space<vmem_shared>> -> memref<10112x128xf32, #tpu.memory_space<vmem_shared>>
      tpu.enqueue_indirect_dma source(%arg15 : memref<32x128xf32, #tpu.memory_space<vmem>>) target(%dma_start3A_636 : memref<10112x128xf32, #tpu.memory_space<vmem_shared>>) offsets(%dma_start3A_633 : memref<32xi32, #tpu.memory_space<vmem>>) semaphore(%arg31 : memref<!tpu.dma_semaphore, #tpu.memory_space<semaphore_mem>>) {add = true}
      %dma_wait3A_637 = arith.constant 5 : i32
      %dma_wait3A_638 = arith.constant 0 : i32
      %dma_wait3A_639 = tpu.memref_slice %arg7[%dma_wait3A_637, %dma_wait3A_638] : memref<8x32xi32, #tpu.memory_space<vmem>> -> memref<1x32xi32, #tpu.memory_space<vmem>>
      %dma_wait3A_640 = tpu.memref_squeeze %dma_wait3A_639 : memref<1x32xi32, #tpu.memory_space<vmem>> -> memref<32xi32, #tpu.memory_space<vmem>>
      %dma_wait3A_641 = arith.constant 0 : i32
      %dma_wait3A_642 = arith.constant 0 : i32
      %dma_wait3A_643 = tpu.memref_slice %arg36[%dma_wait3A_641, %dma_wait3A_642] : memref<10112x128xf32, #tpu.memory_space<vmem_shared>> -> memref<10112x128xf32, #tpu.memory_space<vmem_shared>>
      tpu.wait_indirect_dma semaphore(%arg31 : memref<!tpu.dma_semaphore, #tpu.memory_space<semaphore_mem>>) src(%arg15 : memref<32x128xf32, #tpu.memory_space<vmem>>) dst(%dma_wait3A_643 : memref<10112x128xf32, #tpu.memory_space<vmem_shared>>)
      %dma_start3A_644 = arith.constant 5 : i32
      %dma_start3A_645 = arith.constant 0 : i32
      %dma_start3A_646 = tpu.memref_slice %arg8[%dma_start3A_644, %dma_start3A_645] : memref<8x32xi32, #tpu.memory_space<vmem>> -> memref<1x32xi32, #tpu.memory_space<vmem>>
      %dma_start3A_647 = tpu.memref_squeeze %dma_start3A_646 : memref<1x32xi32, #tpu.memory_space<vmem>> -> memref<32xi32, #tpu.memory_space<vmem>>
      %dma_start3A_648 = arith.constant 0 : i32
      %dma_start3A_649 = arith.constant 0 : i32
      %dma_start3A_650 = tpu.memref_slice %arg2[%dma_start3A_648, %dma_start3A_649] : memref<10000x128xf32, #tpu.memory_space<hbm>> -> memref<10000x128xf32, #tpu.memory_space<hbm>>
      tpu.enqueue_indirect_dma source(%dma_start3A_650 : memref<10000x128xf32, #tpu.memory_space<hbm>>) target(%arg15 : memref<32x128xf32, #tpu.memory_space<vmem>>) offsets(%dma_start3A_647 : memref<32xi32, #tpu.memory_space<vmem>>) semaphore(%arg23 : memref<!tpu.dma_semaphore, #tpu.memory_space<semaphore_mem>>)
      %dma_wait3A_651 = arith.constant 0 : i32
      %dma_wait3A_652 = arith.constant 0 : i32
      %dma_wait3A_653 = tpu.memref_slice %arg2[%dma_wait3A_651, %dma_wait3A_652] : memref<10000x128xf32, #tpu.memory_space<hbm>> -> memref<32x128xf32, #tpu.memory_space<hbm>>
      %dma_wait3A_654 = arith.constant 0 : i32
      %dma_wait3A_655 = arith.constant 0 : i32
      %dma_wait3A_656 = tpu.memref_slice %arg2[%dma_wait3A_654, %dma_wait3A_655] : memref<10000x128xf32, #tpu.memory_space<hbm>> -> memref<32x128xf32, #tpu.memory_space<hbm>>
      tpu.wait_dma2 semaphore(%arg24 : memref<!tpu.dma_semaphore, #tpu.memory_space<semaphore_mem>>) src(%dma_wait3A_656 : memref<32x128xf32, #tpu.memory_space<hbm>>) dst(%arg16 : memref<32x128xf32, #tpu.memory_space<vmem>>)
      %dma_start3A_657 = arith.constant 6 : i32
      %dma_start3A_658 = arith.constant 0 : i32
      %dma_start3A_659 = tpu.memref_slice %arg7[%dma_start3A_657, %dma_start3A_658] : memref<8x32xi32, #tpu.memory_space<vmem>> -> memref<1x32xi32, #tpu.memory_space<vmem>>
      %dma_start3A_660 = tpu.memref_squeeze %dma_start3A_659 : memref<1x32xi32, #tpu.memory_space<vmem>> -> memref<32xi32, #tpu.memory_space<vmem>>
      %dma_start3A_661 = arith.constant 0 : i32
      %dma_start3A_662 = arith.constant 0 : i32
      %dma_start3A_663 = tpu.memref_slice %arg36[%dma_start3A_661, %dma_start3A_662] : memref<10112x128xf32, #tpu.memory_space<vmem_shared>> -> memref<10112x128xf32, #tpu.memory_space<vmem_shared>>
      tpu.enqueue_indirect_dma source(%arg16 : memref<32x128xf32, #tpu.memory_space<vmem>>) target(%dma_start3A_663 : memref<10112x128xf32, #tpu.memory_space<vmem_shared>>) offsets(%dma_start3A_660 : memref<32xi32, #tpu.memory_space<vmem>>) semaphore(%arg32 : memref<!tpu.dma_semaphore, #tpu.memory_space<semaphore_mem>>) {add = true}
      %dma_wait3A_664 = arith.constant 6 : i32
      %dma_wait3A_665 = arith.constant 0 : i32
      %dma_wait3A_666 = tpu.memref_slice %arg7[%dma_wait3A_664, %dma_wait3A_665] : memref<8x32xi32, #tpu.memory_space<vmem>> -> memref<1x32xi32, #tpu.memory_space<vmem>>
      %dma_wait3A_667 = tpu.memref_squeeze %dma_wait3A_666 : memref<1x32xi32, #tpu.memory_space<vmem>> -> memref<32xi32, #tpu.memory_space<vmem>>
      %dma_wait3A_668 = arith.constant 0 : i32
      %dma_wait3A_669 = arith.constant 0 : i32
      %dma_wait3A_670 = tpu.memref_slice %arg36[%dma_wait3A_668, %dma_wait3A_669] : memref<10112x128xf32, #tpu.memory_space<vmem_shared>> -> memref<10112x128xf32, #tpu.memory_space<vmem_shared>>
      tpu.wait_indirect_dma semaphore(%arg32 : memref<!tpu.dma_semaphore, #tpu.memory_space<semaphore_mem>>) src(%arg16 : memref<32x128xf32, #tpu.memory_space<vmem>>) dst(%dma_wait3A_670 : memref<10112x128xf32, #tpu.memory_space<vmem_shared>>)
      %dma_start3A_671 = arith.constant 6 : i32
      %dma_start3A_672 = arith.constant 0 : i32
      %dma_start3A_673 = tpu.memref_slice %arg8[%dma_start3A_671, %dma_start3A_672] : memref<8x32xi32, #tpu.memory_space<vmem>> -> memref<1x32xi32, #tpu.memory_space<vmem>>
      %dma_start3A_674 = tpu.memref_squeeze %dma_start3A_673 : memref<1x32xi32, #tpu.memory_space<vmem>> -> memref<32xi32, #tpu.memory_space<vmem>>
      %dma_start3A_675 = arith.constant 0 : i32
      %dma_start3A_676 = arith.constant 0 : i32
      %dma_start3A_677 = tpu.memref_slice %arg2[%dma_start3A_675, %dma_start3A_676] : memref<10000x128xf32, #tpu.memory_space<hbm>> -> memref<10000x128xf32, #tpu.memory_space<hbm>>
      tpu.enqueue_indirect_dma source(%dma_start3A_677 : memref<10000x128xf32, #tpu.memory_space<hbm>>) target(%arg16 : memref<32x128xf32, #tpu.memory_space<vmem>>) offsets(%dma_start3A_674 : memref<32xi32, #tpu.memory_space<vmem>>) semaphore(%arg24 : memref<!tpu.dma_semaphore, #tpu.memory_space<semaphore_mem>>)
      %dma_wait3A_678 = arith.constant 0 : i32
      %dma_wait3A_679 = arith.constant 0 : i32
      %dma_wait3A_680 = tpu.memref_slice %arg2[%dma_wait3A_678, %dma_wait3A_679] : memref<10000x128xf32, #tpu.memory_space<hbm>> -> memref<32x128xf32, #tpu.memory_space<hbm>>
      %dma_wait3A_681 = arith.constant 0 : i32
      %dma_wait3A_682 = arith.constant 0 : i32
      %dma_wait3A_683 = tpu.memref_slice %arg2[%dma_wait3A_681, %dma_wait3A_682] : memref<10000x128xf32, #tpu.memory_space<hbm>> -> memref<32x128xf32, #tpu.memory_space<hbm>>
      tpu.wait_dma2 semaphore(%arg25 : memref<!tpu.dma_semaphore, #tpu.memory_space<semaphore_mem>>) src(%dma_wait3A_683 : memref<32x128xf32, #tpu.memory_space<hbm>>) dst(%arg17 : memref<32x128xf32, #tpu.memory_space<vmem>>)
      %dma_start3A_684 = arith.constant 7 : i32
      %dma_start3A_685 = arith.constant 0 : i32
      %dma_start3A_686 = tpu.memref_slice %arg7[%dma_start3A_684, %dma_start3A_685] : memref<8x32xi32, #tpu.memory_space<vmem>> -> memref<1x32xi32, #tpu.memory_space<vmem>>
      %dma_start3A_687 = tpu.memref_squeeze %dma_start3A_686 : memref<1x32xi32, #tpu.memory_space<vmem>> -> memref<32xi32, #tpu.memory_space<vmem>>
      %dma_start3A_688 = arith.constant 0 : i32
      %dma_start3A_689 = arith.constant 0 : i32
      %dma_start3A_690 = tpu.memref_slice %arg36[%dma_start3A_688, %dma_start3A_689] : memref<10112x128xf32, #tpu.memory_space<vmem_shared>> -> memref<10112x128xf32, #tpu.memory_space<vmem_shared>>
      tpu.enqueue_indirect_dma source(%arg17 : memref<32x128xf32, #tpu.memory_space<vmem>>) target(%dma_start3A_690 : memref<10112x128xf32, #tpu.memory_space<vmem_shared>>) offsets(%dma_start3A_687 : memref<32xi32, #tpu.memory_space<vmem>>) semaphore(%arg33 : memref<!tpu.dma_semaphore, #tpu.memory_space<semaphore_mem>>) {add = true}
      %dma_wait3A_691 = arith.constant 7 : i32
      %dma_wait3A_692 = arith.constant 0 : i32
      %dma_wait3A_693 = tpu.memref_slice %arg7[%dma_wait3A_691, %dma_wait3A_692] : memref<8x32xi32, #tpu.memory_space<vmem>> -> memref<1x32xi32, #tpu.memory_space<vmem>>
      %dma_wait3A_694 = tpu.memref_squeeze %dma_wait3A_693 : memref<1x32xi32, #tpu.memory_space<vmem>> -> memref<32xi32, #tpu.memory_space<vmem>>
      %dma_wait3A_695 = arith.constant 0 : i32
      %dma_wait3A_696 = arith.constant 0 : i32
      %dma_wait3A_697 = tpu.memref_slice %arg36[%dma_wait3A_695, %dma_wait3A_696] : memref<10112x128xf32, #tpu.memory_space<vmem_shared>> -> memref<10112x128xf32, #tpu.memory_space<vmem_shared>>
      tpu.wait_indirect_dma semaphore(%arg33 : memref<!tpu.dma_semaphore, #tpu.memory_space<semaphore_mem>>) src(%arg17 : memref<32x128xf32, #tpu.memory_space<vmem>>) dst(%dma_wait3A_697 : memref<10112x128xf32, #tpu.memory_space<vmem_shared>>)
      %add3A_698 = arith.constant 1 : i32
      %add3A_699 = arith.addi %scan3A_218, %add3A_698 : i32
      %mul3A_700 = arith.constant 2 : i32
      %mul3A_701 = arith.muli %add3A_699, %mul3A_700 : i32
      %add3A_702 = arith.constant 1 : i32
      %add3A_703 = arith.addi %mul3A_701, %add3A_702 : i32
      %mul3A_704 = arith.constant 8 : i32
      %mul3A_705 = arith.muli %add3A_703, %mul3A_704 : i32
      %min3A_706 = arith.constant 312 : i32
      %min3A_707 = arith.minsi %mul3A_705, %min3A_706 : i32
      %dma_start3A_708 = arith.constant 0 : i32
      %dma_start3A_709 = tpu.memref_slice %arg3[%add3A, %min3A_707, %dma_start3A_708] : memref<32x320x32xi32, #tpu.memory_space<hbm>> -> memref<1x8x32xi32, #tpu.memory_space<hbm>>
      %dma_start3A_710 = tpu.memref_squeeze %dma_start3A_709 : memref<1x8x32xi32, #tpu.memory_space<hbm>> -> memref<8x32xi32, #tpu.memory_space<hbm>>
      %dma_start3A_711 = arith.constant 0 : i32
      %dma_start3A_712 = tpu.memref_slice %arg3[%add3A, %min3A_707, %dma_start3A_711] : memref<32x320x32xi32, #tpu.memory_space<hbm>> -> memref<1x8x32xi32, #tpu.memory_space<hbm>>
      %dma_start3A_713 = tpu.memref_squeeze %dma_start3A_712 : memref<1x8x32xi32, #tpu.memory_space<hbm>> -> memref<8x32xi32, #tpu.memory_space<hbm>>
      tpu.enqueue_dma source(%dma_start3A_713 : memref<8x32xi32, #tpu.memory_space<hbm>>) target(%arg7 : memref<8x32xi32, #tpu.memory_space<vmem>>) target_semaphore(%arg35 : memref<!tpu.dma_semaphore, #tpu.memory_space<semaphore_mem>>)
      %dma_start3A_714 = arith.constant 0 : i32
      %dma_start3A_715 = tpu.memref_slice %arg4[%add3A, %min3A_707, %dma_start3A_714] : memref<32x320x32xi32, #tpu.memory_space<hbm>> -> memref<1x8x32xi32, #tpu.memory_space<hbm>>
      %dma_start3A_716 = tpu.memref_squeeze %dma_start3A_715 : memref<1x8x32xi32, #tpu.memory_space<hbm>> -> memref<8x32xi32, #tpu.memory_space<hbm>>
      %dma_start3A_717 = arith.constant 0 : i32
      %dma_start3A_718 = tpu.memref_slice %arg4[%add3A, %min3A_707, %dma_start3A_717] : memref<32x320x32xi32, #tpu.memory_space<hbm>> -> memref<1x8x32xi32, #tpu.memory_space<hbm>>
      %dma_start3A_719 = tpu.memref_squeeze %dma_start3A_718 : memref<1x8x32xi32, #tpu.memory_space<hbm>> -> memref<8x32xi32, #tpu.memory_space<hbm>>
      tpu.enqueue_dma source(%dma_start3A_719 : memref<8x32xi32, #tpu.memory_space<hbm>>) target(%arg9 : memref<8x32xi32, #tpu.memory_space<vmem>>) target_semaphore(%arg35 : memref<!tpu.dma_semaphore, #tpu.memory_space<semaphore_mem>>)
      %dma_start3A_720 = arith.constant 7 : i32
      %dma_start3A_721 = arith.constant 0 : i32
      %dma_start3A_722 = tpu.memref_slice %arg8[%dma_start3A_720, %dma_start3A_721] : memref<8x32xi32, #tpu.memory_space<vmem>> -> memref<1x32xi32, #tpu.memory_space<vmem>>
      %dma_start3A_723 = tpu.memref_squeeze %dma_start3A_722 : memref<1x32xi32, #tpu.memory_space<vmem>> -> memref<32xi32, #tpu.memory_space<vmem>>
      %dma_start3A_724 = arith.constant 0 : i32
      %dma_start3A_725 = arith.constant 0 : i32
      %dma_start3A_726 = tpu.memref_slice %arg2[%dma_start3A_724, %dma_start3A_725] : memref<10000x128xf32, #tpu.memory_space<hbm>> -> memref<10000x128xf32, #tpu.memory_space<hbm>>
      tpu.enqueue_indirect_dma source(%dma_start3A_726 : memref<10000x128xf32, #tpu.memory_space<hbm>>) target(%arg17 : memref<32x128xf32, #tpu.memory_space<vmem>>) offsets(%dma_start3A_723 : memref<32xi32, #tpu.memory_space<vmem>>) semaphore(%arg25 : memref<!tpu.dma_semaphore, #tpu.memory_space<semaphore_mem>>)
    }
    %scan3A_152 = arith.constant 20 : i32
    %dma_wait3A_153 = arith.constant 0 : i32
    %dma_wait3A_154 = arith.constant 0 : i32
    %dma_wait3A_155 = tpu.memref_slice %arg2[%dma_wait3A_153, %dma_wait3A_154] : memref<10000x128xf32, #tpu.memory_space<hbm>> -> memref<32x128xf32, #tpu.memory_space<hbm>>
    %dma_wait3A_156 = arith.constant 0 : i32
    %dma_wait3A_157 = arith.constant 0 : i32
    %dma_wait3A_158 = tpu.memref_slice %arg2[%dma_wait3A_156, %dma_wait3A_157] : memref<10000x128xf32, #tpu.memory_space<hbm>> -> memref<32x128xf32, #tpu.memory_space<hbm>>
    tpu.wait_dma2 semaphore(%arg18 : memref<!tpu.dma_semaphore, #tpu.memory_space<semaphore_mem>>) src(%dma_wait3A_158 : memref<32x128xf32, #tpu.memory_space<hbm>>) dst(%arg10 : memref<32x128xf32, #tpu.memory_space<vmem>>)
    %dma_wait3A_159 = arith.constant 0 : i32
    %dma_wait3A_160 = arith.constant 0 : i32
    %dma_wait3A_161 = tpu.memref_slice %arg2[%dma_wait3A_159, %dma_wait3A_160] : memref<10000x128xf32, #tpu.memory_space<hbm>> -> memref<32x128xf32, #tpu.memory_space<hbm>>
    %dma_wait3A_162 = arith.constant 0 : i32
    %dma_wait3A_163 = arith.constant 0 : i32
    %dma_wait3A_164 = tpu.memref_slice %arg2[%dma_wait3A_162, %dma_wait3A_163] : memref<10000x128xf32, #tpu.memory_space<hbm>> -> memref<32x128xf32, #tpu.memory_space<hbm>>
    tpu.wait_dma2 semaphore(%arg19 : memref<!tpu.dma_semaphore, #tpu.memory_space<semaphore_mem>>) src(%dma_wait3A_164 : memref<32x128xf32, #tpu.memory_space<hbm>>) dst(%arg11 : memref<32x128xf32, #tpu.memory_space<vmem>>)
    %dma_wait3A_165 = arith.constant 0 : i32
    %dma_wait3A_166 = arith.constant 0 : i32
    %dma_wait3A_167 = tpu.memref_slice %arg2[%dma_wait3A_165, %dma_wait3A_166] : memref<10000x128xf32, #tpu.memory_space<hbm>> -> memref<32x128xf32, #tpu.memory_space<hbm>>
    %dma_wait3A_168 = arith.constant 0 : i32
    %dma_wait3A_169 = arith.constant 0 : i32
    %dma_wait3A_170 = tpu.memref_slice %arg2[%dma_wait3A_168, %dma_wait3A_169] : memref<10000x128xf32, #tpu.memory_space<hbm>> -> memref<32x128xf32, #tpu.memory_space<hbm>>
    tpu.wait_dma2 semaphore(%arg20 : memref<!tpu.dma_semaphore, #tpu.memory_space<semaphore_mem>>) src(%dma_wait3A_170 : memref<32x128xf32, #tpu.memory_space<hbm>>) dst(%arg12 : memref<32x128xf32, #tpu.memory_space<vmem>>)
    %dma_wait3A_171 = arith.constant 0 : i32
    %dma_wait3A_172 = arith.constant 0 : i32
    %dma_wait3A_173 = tpu.memref_slice %arg2[%dma_wait3A_171, %dma_wait3A_172] : memref<10000x128xf32, #tpu.memory_space<hbm>> -> memref<32x128xf32, #tpu.memory_space<hbm>>
    %dma_wait3A_174 = arith.constant 0 : i32
    %dma_wait3A_175 = arith.constant 0 : i32
    %dma_wait3A_176 = tpu.memref_slice %arg2[%dma_wait3A_174, %dma_wait3A_175] : memref<10000x128xf32, #tpu.memory_space<hbm>> -> memref<32x128xf32, #tpu.memory_space<hbm>>
    tpu.wait_dma2 semaphore(%arg21 : memref<!tpu.dma_semaphore, #tpu.memory_space<semaphore_mem>>) src(%dma_wait3A_176 : memref<32x128xf32, #tpu.memory_space<hbm>>) dst(%arg13 : memref<32x128xf32, #tpu.memory_space<vmem>>)
    %dma_wait3A_177 = arith.constant 0 : i32
    %dma_wait3A_178 = arith.constant 0 : i32
    %dma_wait3A_179 = tpu.memref_slice %arg2[%dma_wait3A_177, %dma_wait3A_178] : memref<10000x128xf32, #tpu.memory_space<hbm>> -> memref<32x128xf32, #tpu.memory_space<hbm>>
    %dma_wait3A_180 = arith.constant 0 : i32
    %dma_wait3A_181 = arith.constant 0 : i32
    %dma_wait3A_182 = tpu.memref_slice %arg2[%dma_wait3A_180, %dma_wait3A_181] : memref<10000x128xf32, #tpu.memory_space<hbm>> -> memref<32x128xf32, #tpu.memory_space<hbm>>
    tpu.wait_dma2 semaphore(%arg22 : memref<!tpu.dma_semaphore, #tpu.memory_space<semaphore_mem>>) src(%dma_wait3A_182 : memref<32x128xf32, #tpu.memory_space<hbm>>) dst(%arg14 : memref<32x128xf32, #tpu.memory_space<vmem>>)
    %dma_wait3A_183 = arith.constant 0 : i32
    %dma_wait3A_184 = arith.constant 0 : i32
    %dma_wait3A_185 = tpu.memref_slice %arg2[%dma_wait3A_183, %dma_wait3A_184] : memref<10000x128xf32, #tpu.memory_space<hbm>> -> memref<32x128xf32, #tpu.memory_space<hbm>>
    %dma_wait3A_186 = arith.constant 0 : i32
    %dma_wait3A_187 = arith.constant 0 : i32
    %dma_wait3A_188 = tpu.memref_slice %arg2[%dma_wait3A_186, %dma_wait3A_187] : memref<10000x128xf32, #tpu.memory_space<hbm>> -> memref<32x128xf32, #tpu.memory_space<hbm>>
    tpu.wait_dma2 semaphore(%arg23 : memref<!tpu.dma_semaphore, #tpu.memory_space<semaphore_mem>>) src(%dma_wait3A_188 : memref<32x128xf32, #tpu.memory_space<hbm>>) dst(%arg15 : memref<32x128xf32, #tpu.memory_space<vmem>>)
    %dma_wait3A_189 = arith.constant 0 : i32
    %dma_wait3A_190 = arith.constant 0 : i32
    %dma_wait3A_191 = tpu.memref_slice %arg2[%dma_wait3A_189, %dma_wait3A_190] : memref<10000x128xf32, #tpu.memory_space<hbm>> -> memref<32x128xf32, #tpu.memory_space<hbm>>
    %dma_wait3A_192 = arith.constant 0 : i32
    %dma_wait3A_193 = arith.constant 0 : i32
    %dma_wait3A_194 = tpu.memref_slice %arg2[%dma_wait3A_192, %dma_wait3A_193] : memref<10000x128xf32, #tpu.memory_space<hbm>> -> memref<32x128xf32, #tpu.memory_space<hbm>>
    tpu.wait_dma2 semaphore(%arg24 : memref<!tpu.dma_semaphore, #tpu.memory_space<semaphore_mem>>) src(%dma_wait3A_194 : memref<32x128xf32, #tpu.memory_space<hbm>>) dst(%arg16 : memref<32x128xf32, #tpu.memory_space<vmem>>)
    %dma_wait3A_195 = arith.constant 0 : i32
    %dma_wait3A_196 = arith.constant 0 : i32
    %dma_wait3A_197 = tpu.memref_slice %arg2[%dma_wait3A_195, %dma_wait3A_196] : memref<10000x128xf32, #tpu.memory_space<hbm>> -> memref<32x128xf32, #tpu.memory_space<hbm>>
    %dma_wait3A_198 = arith.constant 0 : i32
    %dma_wait3A_199 = arith.constant 0 : i32
    %dma_wait3A_200 = tpu.memref_slice %arg2[%dma_wait3A_198, %dma_wait3A_199] : memref<10000x128xf32, #tpu.memory_space<hbm>> -> memref<32x128xf32, #tpu.memory_space<hbm>>
    tpu.wait_dma2 semaphore(%arg25 : memref<!tpu.dma_semaphore, #tpu.memory_space<semaphore_mem>>) src(%dma_wait3A_200 : memref<32x128xf32, #tpu.memory_space<hbm>>) dst(%arg17 : memref<32x128xf32, #tpu.memory_space<vmem>>)
    %dma_wait3A_201 = arith.constant 0 : i32
    %dma_wait3A_202 = arith.constant 0 : i32
    %dma_wait3A_203 = tpu.memref_slice %arg3[%add3A, %dma_wait3A_201, %dma_wait3A_202] : memref<32x320x32xi32, #tpu.memory_space<hbm>> -> memref<1x8x32xi32, #tpu.memory_space<hbm>>
    %dma_wait3A_204 = tpu.memref_squeeze %dma_wait3A_203 : memref<1x8x32xi32, #tpu.memory_space<hbm>> -> memref<8x32xi32, #tpu.memory_space<hbm>>
    %dma_wait3A_205 = arith.constant 0 : i32
    %dma_wait3A_206 = arith.constant 0 : i32
    %dma_wait3A_207 = tpu.memref_slice %arg3[%add3A, %dma_wait3A_205, %dma_wait3A_206] : memref<32x320x32xi32, #tpu.memory_space<hbm>> -> memref<1x8x32xi32, #tpu.memory_space<hbm>>
    %dma_wait3A_208 = tpu.memref_squeeze %dma_wait3A_207 : memref<1x8x32xi32, #tpu.memory_space<hbm>> -> memref<8x32xi32, #tpu.memory_space<hbm>>
    tpu.wait_dma2 semaphore(%arg35 : memref<!tpu.dma_semaphore, #tpu.memory_space<semaphore_mem>>) src(%dma_wait3A_208 : memref<8x32xi32, #tpu.memory_space<hbm>>) dst(%arg7 : memref<8x32xi32, #tpu.memory_space<vmem>>)
    %dma_wait3A_209 = arith.constant 0 : i32
    %dma_wait3A_210 = arith.constant 0 : i32
    %dma_wait3A_211 = tpu.memref_slice %arg4[%add3A, %dma_wait3A_209, %dma_wait3A_210] : memref<32x320x32xi32, #tpu.memory_space<hbm>> -> memref<1x8x32xi32, #tpu.memory_space<hbm>>
    %dma_wait3A_212 = tpu.memref_squeeze %dma_wait3A_211 : memref<1x8x32xi32, #tpu.memory_space<hbm>> -> memref<8x32xi32, #tpu.memory_space<hbm>>
    %dma_wait3A_213 = arith.constant 0 : i32
    %dma_wait3A_214 = arith.constant 0 : i32
    %dma_wait3A_215 = tpu.memref_slice %arg4[%add3A, %dma_wait3A_213, %dma_wait3A_214] : memref<32x320x32xi32, #tpu.memory_space<hbm>> -> memref<1x8x32xi32, #tpu.memory_space<hbm>>
    %dma_wait3A_216 = tpu.memref_squeeze %dma_wait3A_215 : memref<1x8x32xi32, #tpu.memory_space<hbm>> -> memref<8x32xi32, #tpu.memory_space<hbm>>
    tpu.wait_dma2 semaphore(%arg35 : memref<!tpu.dma_semaphore, #tpu.memory_space<semaphore_mem>>) src(%dma_wait3A_216 : memref<8x32xi32, #tpu.memory_space<hbm>>) dst(%arg9 : memref<8x32xi32, #tpu.memory_space<vmem>>)
    %barrier3A_217 = arith.constant 0 : index
    tpu.barrier barrier_id(%barrier3A_217)
    "tpu.region"() ({
      %run_scoped3A = tpu.sem_alloc : memref<!tpu.dma_semaphore, #tpu.memory_space<semaphore_mem>>
      %dma_start3A_218 = arith.constant 0 : i32
      %dma_start3A_219 = tpu.memref_slice %arg5[%arg0, %mul3A_7, %dma_start3A_218] : memref<2x10112x128xf32, #tpu.memory_space<hbm>> -> memref<1x632x128xf32, #tpu.memory_space<hbm>>
      %dma_start3A_220 = tpu.memref_squeeze %dma_start3A_219 : memref<1x632x128xf32, #tpu.memory_space<hbm>> -> memref<632x128xf32, #tpu.memory_space<hbm>>
      %dma_start3A_221 = arith.constant 0 : i32
      %dma_start3A_222 = tpu.memref_slice %arg36[%mul3A_7, %dma_start3A_221] : memref<10112x128xf32, #tpu.memory_space<vmem_shared>> -> memref<632x128xf32, #tpu.memory_space<vmem_shared>>
      tpu.enqueue_dma source(%dma_start3A_222 : memref<632x128xf32, #tpu.memory_space<vmem_shared>>) target(%dma_start3A_220 : memref<632x128xf32, #tpu.memory_space<hbm>>) target_semaphore(%run_scoped3A : memref<!tpu.dma_semaphore, #tpu.memory_space<semaphore_mem>>)
      %dma_wait3A_223 = arith.constant 0 : i32
      %dma_wait3A_224 = tpu.memref_slice %arg5[%arg0, %mul3A_7, %dma_wait3A_223] : memref<2x10112x128xf32, #tpu.memory_space<hbm>> -> memref<1x632x128xf32, #tpu.memory_space<hbm>>
      %dma_wait3A_225 = tpu.memref_squeeze %dma_wait3A_224 : memref<1x632x128xf32, #tpu.memory_space<hbm>> -> memref<632x128xf32, #tpu.memory_space<hbm>>
      %dma_wait3A_226 = arith.constant 0 : i32
      %dma_wait3A_227 = tpu.memref_slice %arg36[%mul3A_7, %dma_wait3A_226] : memref<10112x128xf32, #tpu.memory_space<vmem_shared>> -> memref<632x128xf32, #tpu.memory_space<vmem_shared>>
      tpu.wait_dma2 semaphore(%run_scoped3A : memref<!tpu.dma_semaphore, #tpu.memory_space<semaphore_mem>>) src(%dma_wait3A_227 : memref<632x128xf32, #tpu.memory_space<vmem_shared>>) dst(%dma_wait3A_225 : memref<632x128xf32, #tpu.memory_space<hbm>>)
      tpu.yield
    }) : () -> ()
    return
  }
}

module attributes {stable_mosaic.version = 14 : i64} {
  func.func @_mlp_body(%arg0: i32, %arg1: memref<1000x128xf32, #tpu.memory_space<vmem>>, %arg2: memref<2x1000x128xf32, #tpu.memory_space<vmem>>, %arg3: memref<128x128xf32, #tpu.memory_space<vmem>>, %arg4: memref<1x128xf32, #tpu.memory_space<vmem>>, %arg5: memref<128x128xf32, #tpu.memory_space<vmem>>, %arg6: memref<1x128xf32, #tpu.memory_space<vmem>>, %arg7: memref<1000x128xf32, #tpu.memory_space<vmem>>) attributes {dimension_semantics = [#tpu.dimension_semantics<arbitrary>], iteration_bounds = array<i64: 10>, scalar_prefetch = 0 : i64, scratch_operands = 0 : i64, tpu.core_type = #tpu.core_type<tc>, window_params = [{transform_indices = @transform_0, window_bounds = array<i64: 1000, 128>}, {transform_indices = @transform_1, window_bounds = array<i64: 2, 1000, 128>}, {pipeline_mode = #tpu.pipeline_mode<synchronous>, transform_indices = @transform_2, window_bounds = array<i64: 128, 128>}, {pipeline_mode = #tpu.pipeline_mode<synchronous>, transform_indices = @transform_3, window_bounds = array<i64: 1, 128>}, {pipeline_mode = #tpu.pipeline_mode<synchronous>, transform_indices = @transform_4, window_bounds = array<i64: 128, 128>}, {pipeline_mode = #tpu.pipeline_mode<synchronous>, transform_indices = @transform_5, window_bounds = array<i64: 1, 128>}, {transform_indices = @transform_6, window_bounds = array<i64: 1000, 128>}]} {
    %get3A = arith.constant 0 : index
    %get3A_0 = arith.constant 0 : index
    %get3A_1 = vector.load %arg1[%get3A, %get3A_0] : memref<1000x128xf32, #tpu.memory_space<vmem>>, vector<1000x128xf32>
    %get3A_2 = arith.constant 0 : index
    %get3A_3 = arith.constant 0 : index
    %get3A_4 = arith.constant 0 : index
    %get3A_5 = vector.load %arg2[%get3A_2, %get3A_3, %get3A_4] : memref<2x1000x128xf32, #tpu.memory_space<vmem>>, vector<1x1000x128xf32>
    %get3A_6 = vector.shape_cast %get3A_5 : vector<1x1000x128xf32> to vector<1000x128xf32>
    %add3A = arith.addf %get3A_1, %get3A_6 : vector<1000x128xf32>
    %get3A_7 = arith.constant 1 : index
    %get3A_8 = arith.constant 0 : index
    %get3A_9 = arith.constant 0 : index
    %get3A_10 = vector.load %arg2[%get3A_7, %get3A_8, %get3A_9] : memref<2x1000x128xf32, #tpu.memory_space<vmem>>, vector<1x1000x128xf32>
    %get3A_11 = vector.shape_cast %get3A_10 : vector<1x1000x128xf32> to vector<1000x128xf32>
    %add3A_12 = arith.addf %add3A, %get3A_11 : vector<1000x128xf32>
    %get3A_13 = arith.constant 0 : index
    %get3A_14 = arith.constant 0 : index
    %get3A_15 = vector.load %arg3[%get3A_13, %get3A_14] : memref<128x128xf32, #tpu.memory_space<vmem>>, vector<128x128xf32>
    %dot_general3A = arith.constant dense<0.000000e+00> : vector<1000x128xf32>
    %dot_general3A_16 = tpu.matmul %add3A_12, %get3A_15, %dot_general3A {dimension_numbers = #tpu.dot_dimension_numbers<[1], [0], [0], [1], [0, 0, 1, 1], [], []>, transpose_lhs_hint = false} : vector<1000x128xf32>, vector<128x128xf32>, vector<1000x128xf32> -> vector<1000x128xf32>
    %get3A_17 = arith.constant 0 : index
    %get3A_18 = arith.constant 0 : index
    %get3A_19 = vector.load %arg4[%get3A_17, %get3A_18] : memref<1x128xf32, #tpu.memory_space<vmem>>, vector<1x128xf32>
    %add3A_20 = vector.broadcast %get3A_19 : vector<1x128xf32> to vector<1000x128xf32>
    %add3A_21 = arith.addf %dot_general3A_16, %add3A_20 : vector<1000x128xf32>
    %max3A = arith.constant 0.000000e+00 : f32
    %max3A_22 = vector.broadcast %max3A : f32 to vector<1000x128xf32>
    %max3A_23 = arith.maximumf %add3A_21, %max3A_22 : vector<1000x128xf32>
    %get3A_24 = arith.constant 0 : index
    %get3A_25 = arith.constant 0 : index
    %get3A_26 = vector.load %arg5[%get3A_24, %get3A_25] : memref<128x128xf32, #tpu.memory_space<vmem>>, vector<128x128xf32>
    %dot_general3A_27 = arith.constant dense<0.000000e+00> : vector<1000x128xf32>
    %dot_general3A_28 = tpu.matmul %max3A_23, %get3A_26, %dot_general3A_27 {dimension_numbers = #tpu.dot_dimension_numbers<[1], [0], [0], [1], [0, 0, 1, 1], [], []>, transpose_lhs_hint = false} : vector<1000x128xf32>, vector<128x128xf32>, vector<1000x128xf32> -> vector<1000x128xf32>
    %get3A_29 = arith.constant 0 : index
    %get3A_30 = arith.constant 0 : index
    %get3A_31 = vector.load %arg6[%get3A_29, %get3A_30] : memref<1x128xf32, #tpu.memory_space<vmem>>, vector<1x128xf32>
    %add3A_32 = vector.broadcast %get3A_31 : vector<1x128xf32> to vector<1000x128xf32>
    %add3A_33 = arith.addf %dot_general3A_28, %add3A_32 : vector<1000x128xf32>
    %swap3A = arith.constant 0 : index
    %swap3A_34 = arith.constant 0 : index
    %swap3A_35 = vector.load %arg7[%swap3A, %swap3A_34] : memref<1000x128xf32, #tpu.memory_space<vmem>>, vector<1000x128xf32>
    tpu.vector_store %arg7[%swap3A, %swap3A_34], %add3A_33 {strides = array<i32>} : memref<1000x128xf32, #tpu.memory_space<vmem>>, vector<1000x128xf32>,
    return
  }
  func.func @transform_0(%arg0: i32) -> (i32, i32) {
    %c0_i32 = arith.constant 0 : i32
    %c0_i32_0 = arith.constant 0 : i32
    return %arg0, %c0_i32 : i32, i32
  }
  func.func @transform_1(%arg0: i32) -> (i32, i32, i32) {
    %c0_i32 = arith.constant 0 : i32
    %c0_i32_0 = arith.constant 0 : i32
    %c0_i32_1 = arith.constant 0 : i32
    return %c0_i32, %arg0, %c0_i32_0 : i32, i32, i32
  }
  func.func @transform_2(%arg0: i32) -> (i32, i32) {
    %c0_i32 = arith.constant 0 : i32
    %c0_i32_0 = arith.constant 0 : i32
    %c0_i32_1 = arith.constant 0 : i32
    return %c0_i32, %c0_i32_0 : i32, i32
  }
  func.func @transform_3(%arg0: i32) -> (i32, i32) {
    %c0_i32 = arith.constant 0 : i32
    %c0_i32_0 = arith.constant 0 : i32
    %c0_i32_1 = arith.constant 0 : i32
    return %c0_i32, %c0_i32_0 : i32, i32
  }
  func.func @transform_4(%arg0: i32) -> (i32, i32) {
    %c0_i32 = arith.constant 0 : i32
    %c0_i32_0 = arith.constant 0 : i32
    %c0_i32_1 = arith.constant 0 : i32
    return %c0_i32, %c0_i32_0 : i32, i32
  }
  func.func @transform_5(%arg0: i32) -> (i32, i32) {
    %c0_i32 = arith.constant 0 : i32
    %c0_i32_0 = arith.constant 0 : i32
    %c0_i32_1 = arith.constant 0 : i32
    return %c0_i32, %c0_i32_0 : i32, i32
  }
  func.func @transform_6(%arg0: i32) -> (i32, i32) {
    %c0_i32 = arith.constant 0 : i32
    %c0_i32_0 = arith.constant 0 : i32
    return %arg0, %c0_i32 : i32, i32
  }
}

</mosaic_0001>

<sc_bundles>
// kernel: kernel.4.cloned.1.call-start
scs
__scs_entry_jumppad:
0x0: {  	(pc) =	sbr.rel $0x88, $3  }
0x1: {  	(tag) =	ssettag $0x0;
	lr =	simm.s32 $0x1  }
0x2: {  	[smem:$0x3F9B] =	sst lr;
	_ =	strace $0xD0000000  }
0x3: {  	_ = 	snop  }
0x4: {  	_ = 	snop  }
0x5: {  	_ = 	snop  }
0x6: {  	_ = 	snop  }
0x7: {  	_ = 	snop  }
__scs_overlays_trampoline_lowered:
0x8: {  	[smem:$0x3FAA] =	sst s0  }
0x9: {  	[smem:$0x3FAB] =	sst s1  }
0xa: {  	[smem:$0x3FAC] =	sst s2  }
0xb: {  	[smem:$0x3FAD] =	sst s3  }
0xc: {  	[smem:$0x3FAE] =	sst s4  }
0xd: {  	[smem:$0x3FAF] =	sst s5  }
0xe: {  	[smem:$0x3FB0] =	sst s6  }
0xf: {  	[smem:$0x3FB1] =	sst s7  }
0x10: {  	[smem:$0x3FB2] =	sst s8  }
0x11: {  	[smem:$0x3FB3] =	sst s9;
	s0 =	simm.s32 @!p0 $0x0  }
0x12: {  	s1 =	sld [smem:$0x3F99];
	s0 =	simm.s32 @p0 $0x1  }
0x13: {  	[smem:$0x3FB4] =	sst s0;
	s0 =	simm.s32 @!p1 $0x0  }
0x14: {  	s2 =	sld [smem:$0x3F98];
	s0 =	simm.s32 @p1 $0x1  }
0x15: {  	[smem:$0x3FB5] =	sst s0;
	s0 =	simm.s32 @!p2 $0x0  }
0x16: {  	s3 =	sld [smem:$0x3FDB];
	s0 =	simm.s32 @p2 $0x1  }
0x17: {  	s4 =	simm.s32 $0x1BF5;
	[smem:$0x3FB7] =	sst s0  }
0x18: {  	s0 =	sld [smem:$0x3F9A];
	_ =	swait.ge [sflag:s4], $0x0  }
0x19: {  	s7 =	sld [smem:$0x3F9B]  }
0x1a: {  	s8 =	sadd.s32 $0xFFFFE003, lr  }
0x1b: {  	s9 =	sadd.s32 $0xFFFFFEF7, lr;
	s5 =	simm.s32 $0xFFFFFFFF;
	p2 =	slt.u32 s8, $0xFFFFF086  }
0x1c: {  	p1 =	slt.u32 s9, $0xF7A;
	s5 =	simm.s32 @!p2 $0x0  }
0x1d: {  	s5 =	simm.s32 @p1 $0x1;
	p0 =	seq.s32 s7, s2  }
0x1e: {  	s7 =	smul.u32 @!p0 $0xF7A, s2;
	p2 =	seq.s32 @!p0 s5, $0x0  }
0x1f: {  	s9 =	smul.u32 $0xF7A, s1;
	s8 =	simm.s32 @!p0 $0x1BF5;
	p2 =	por !p2, p0  }
0x20: {  	[sflag:s8] =	ssyncset.s32 @!p0 $0xFFFFF086;
	s6 =	sadd.s32 @!p0 s3, s7;
	s7 =	simm.s32 @!p0 $0x108  }
0x21: {  	s3 =	sadd.s32 s3, s9;
	s6 =	sadd.s32 @!p0 $0x88, s6;
	s7 =	simm.s32 @p2 $0x1082  }
0x22: {  	[simem:s7], [sflag:s8] =	dma.local @!p0 [hbm:s6], $0xF7A  }
0x23: {  	s9 =	sor.u32 $0xD0000000, s2;
	s6 =	simm.s32 $0x108;
	_ =	swait.ge @!p0 [sflag:s8], $0x0  }
0x24: {  	s3 =	sadd.s32 $0x88, s3;
	s6 =	simm.s32 @!p1 $0x1082;
	[sflag:s4] =	ssyncset.s32 $0xFFFFF086  }
0x25: {  	[simem:s6], [sflag:s4] =	dma.local [hbm:s3], $0xF7A  }
0x26: {  	[smem:$0x3F9B] =	sst s1;
	(tag) =	ssettag s2;
	_ =	strace s9  }
0x27: {  	s1 =	sld [smem:$0x3FAB]  }
0x28: {  	s2 =	sld [smem:$0x3FAC]  }
0x29: {  	s4 =	sld [smem:$0x3FAE]  }
0x2a: {  	p0 =	seq.s32 s5, $0x0;
	s5 =	sld [smem:$0x3FAF]  }
0x2b: {  	s6 =	sld [smem:$0x3FB0]  }
0x2c: {  	s7 =	sld [smem:$0x3FB1]  }
0x2d: {  	s3 =	simm.s32 $0x108;
	s8 =	sld [smem:$0x3FB2]  }
0x2e: {  	s3 =	simm.s32 @!p0 $0x1082;
	s9 =	sld [smem:$0x3FB3]  }
0x2f: {  	lr =	sadd.s32 s0, s3;
	s0 =	sld [smem:$0x3FAA]  }
0x30: {  	s3 =	sld [smem:$0x3FAD]  }
0x31: {  	[smem:$0x3FB6] =	sst s10  }
0x32: {  	s10 =	sld [smem:$0x3FB4];
	_ =	sdelay $0x3  }
0x33: {  	p0 =	seq.s32 s10, $0x1;
	s10 =	sld [smem:$0x3FB6];
	_ =	sdelay $0x3  }
0x34: {  	[smem:$0x3FB6] =	sst s10  }
0x35: {  	s10 =	sld [smem:$0x3FB5];
	_ =	sdelay $0x3  }
0x36: {  	p1 =	seq.s32 s10, $0x1;
	s10 =	sld [smem:$0x3FB6];
	_ =	sdelay $0x3  }
0x37: {  	[smem:$0x3FB6] =	sst s10  }
0x38: {  	s10 =	sld [smem:$0x3FB7]  }
0x39: {  	_ = 	snop;
	(pc) =	sbr.ind lr, $3  }
0x3a: {  	_ = 	snop  }
0x3b: {  	_ = 	snop  }
0x3c: {  	p2 =	seq.s32 s10, $0x1;
	s10 =	sld [smem:$0x3FB6]  }
0x3d: {  	_ =	shalt  }
0x3e: {  	_ =	shalt  }
0x3f: {  	_ =	shalt  }
0x40: {  	_ =	shalt  }
0x41: {  	_ =	shalt  }
0x42: {  	_ =	shalt  }
0x43: {  	_ =	shalt  }
0x44: {  	_ =	shalt  }
0x45: {  	_ =	shalt  }
0x46: {  	_ =	shalt  }
0x47: {  	_ =	shalt  }
0x48: {  	_ =	shalt  }
0x49: {  	_ =	shalt  }
0x4a: {  	_ =	shalt  }
0x4b: {  	_ =	shalt  }
0x4c: {  	_ =	shalt  }
0x4d: {  	_ =	shalt  }
0x4e: {  	_ =	shalt  }
0x4f: {  	_ =	shalt  }
0x50: {  	_ =	shalt  }
0x51: {  	_ =	shalt  }
0x52: {  	_ =	shalt  }
0x53: {  	_ =	shalt  }
0x54: {  	_ =	shalt  }
0x55: {  	_ =	shalt  }
0x56: {  	_ =	shalt  }
0x57: {  	_ =	shalt  }
0x58: {  	_ =	shalt  }
0x59: {  	_ =	shalt  }
0x5a: {  	_ =	shalt  }
0x5b: {  	_ =	shalt  }
0x5c: {  	_ =	shalt  }
0x5d: {  	_ =	shalt  }
0x5e: {  	_ =	shalt  }
0x5f: {  	_ =	shalt  }
0x60: {  	_ =	shalt  }
0x61: {  	_ =	shalt  }
0x62: {  	_ =	shalt  }
0x63: {  	_ =	shalt  }
0x64: {  	_ =	shalt  }
0x65: {  	_ =	shalt  }
0x66: {  	_ =	shalt  }
0x67: {  	_ =	shalt  }
0x68: {  	_ =	shalt  }
0x69: {  	_ =	shalt  }
0x6a: {  	_ =	shalt  }
0x6b: {  	_ =	shalt  }
0x6c: {  	_ =	shalt  }
0x6d: {  	_ =	shalt  }
0x6e: {  	_ =	shalt  }
0x6f: {  	_ =	shalt  }
0x70: {  	_ =	shalt  }
0x71: {  	_ =	shalt  }
0x72: {  	_ =	shalt  }
0x73: {  	_ =	shalt  }
0x74: {  	_ =	shalt  }
0x75: {  	_ =	shalt  }
0x76: {  	_ =	shalt  }
0x77: {  	_ =	shalt  }
0x78: {  	_ =	shalt  }
0x79: {  	_ =	shalt  }
0x7a: {  	_ =	shalt  }
0x7b: {  	_ =	shalt  }
0x7c: {  	_ =	shalt  }
0x7d: {  	_ =	shalt  }
0x7e: {  	_ =	shalt  }
0x7f: {  	_ =	shalt  }
0x80: {  	_ =	shalt  }
0x81: {  	_ =	shalt  }
0x82: {  	_ =	shalt  }
0x83: {  	_ =	shalt  }
0x84: {  	_ =	shalt  }
0x85: {  	_ =	shalt  }
0x86: {  	_ =	shalt  }
0x87: {  	_ =	shalt  }
.Lfunc_end0:
.L_simem_size_0:
called_computation_lowered:
.L_overlay_start_0:
0x88: {  	s2 =	sld [smem:$0x3FD9]  }
0x89: {  	s3 =	sld [smem:$0x3FFE];
	_ =	sdelay $0x1  }
0x8a: {  	s1 =	srdreg.scid  }
0x8b: {  	s0 =	sand.u32 $0x1, s1  }
0x8c: {  	s17 =	sshll.u32 s0, $0xA;
	s2 =	sadd.s32 s3, s2  }
0x8d: {  	s2 =	sadd.s32 s2, s17  }
0x8e: {  	[smem:$0x3FC2] =	sst s2  }
0x8f: {  	_ = 	snop  }
0x90: {  	s2 =	sld [smem:$0x3FC9];
	(tm) =	ssettm $0x1  }
0x91: {  	s18 =	sld [smem:$0x3FFB];
	_ =	sdelay $0x3  }
0x92: {  	_ =	strace s18  }
0x93: {  	s3 =	sld [smem:$0x3FFC];
	_ =	sdelay $0x3  }
0x94: {  	_ =	strace s3  }
0x95: {  	s3 =	sld [smem:$0x3FFD];
	_ =	sdelay $0x3  }
0x96: {  	_ =	strace s3  }
0x97: {  	_ =	strace $0x8FFFFFFF  }
0x98: {  	s19 =	sld [smem:$0x3FDB];
	_ =	sdelay $0x1  }
0x99: {  	s4 =	simm.s32 $_scs_section_size  }
0x9a: {  	s5 =	simm.s32 $_size__tile_overlayer_lowered;
	s6 =	simm.s32 $_tile_overlayer_lowered  }
0x9b: {  	s22 =	simm.s32 $0x1BFF;
	s21 =	sshll.u32 s6, $0x1;
	s3 =	sadd.s32 s4, s19  }
0x9c: {  	s7 =	simm.s32 $0x0;
	s20 =	sshll.u32 s5, $0x1;
	s5 =	sadd.s32 s21, s3  }
0x9d: {  	[timem:s7], [sflag:s22] =	dma.local [hbm:s5], s20  }
0x9e: {  	_ =	swait.ge [sflag:s22], s20  }
0x9f: {  	s4 =	ssub.s32 $0x0, s20;
	[sflag:s22] =	ssyncset.done $0x0  }
0xa0: {  	[sflag:s22] =	ssyncadd.s32 s4;
	_ =	sdelay $0x1  }
0xa1: {  	s23 =	simm.s32 $0x1B8B  }
0xa2: {  	_ =	swait.ge [sflag:s23], $0x1  }
0xa3: {  	[sflag:s23] =	ssyncset.done $0x0  }
0xa4: {  	s25 =	simm.s32 $0x1B8E;
	s24 =	sld [smem:$0x3FFE];
	[sflag:s23] =	ssyncadd.s32 $0xFFFFFFFF  }
0xa5: {  	s26 =	simm.s32 $execute0_lowered;
	[smem:$0x3FD2] =	sst s25  }
0xa6: {  	s5 =	sshll.u32 s26, $0x1;
	_ =	strace $0x80000046;
	[dreg:$0x1] =	wrdreg $0xFFFFFFFF  }
0xa7: {  	s28 =	simm.s32 $_size_execute0_lowered;
	s3 =	sadd.s32 s3, s5;
	[dreg:$0x0] =	wrdreg $0x0  }
0xa8: {  	s5 =	sshll.u32 s28, $0x1;
	[dreg:$0x2] =	wrdreg s3  }
0xa9: {  	[dreg:$0x3] =	wrdreg s5  }
0xaa: {  	[dreg:$0x4] =	wrdreg $0xC0  }
0xab: {  	_ =	task [dreg:s7], $0x5FFFF  }
0xac: {  	[dreg:$0x1] =	wrdreg $0xFFFFFFFF  }
0xad: {  	[dreg:$0x0] =	wrdreg $0x60  }
0xae: {  	[dreg:$0x2] =	wrdreg s2  }
0xaf: {  	[dreg:$0x3] =	wrdreg s24  }
0xb0: {  	[dreg:$0x4] =	wrdreg $0x90000  }
0xb1: {  	[dreg:$0x5] =	wrdreg $0x9  }
0xb2: {  	_ =	task.clear_ibuf [dreg:s7], $0x6FFFF;
	_ =	strace $0x90000046  }
0xb3: {  	s29 =	simm.s32 $0x9;
	_ =	strace $0x80000048  }
0xb4: {  	_ =	swait.ge [sflag:s29], $0x1  }
0xb5: {  	[sflag:s29] =	ssyncadd.s32 $0xFFFFFFFF  }
0xb6: {  	_ =	strace $0x90000048  }
0xb7: {  	_ =	sfence  }
0xb8: {  	s30 =	sld [smem:$0x0];
	_ =	sdelay $0x2  }
0xb9: {  	s31 =	sshll.u32 s1, $0xD;
	s1 =	sshrl.u32 s1, $0x2  }
0xba: {  	s3 =	sand.u32 $0x4000, s31;
	s1 =	sadd.s32 s1, s30  }
0xbb: {  	s0 =	sor.u32 s3, s0;
	s1 =	sshll.u32 s1, $0x11  }
0xbc: {  	s0 =	sor.u32 s1, s0  }
0xbd: {  	s0 =	sadd.s32 $0x8F2B, s0  }
0xbe: {  	[sflag:s0] =	ssyncadd.remote.s32 $0x1  }
0xbf: {  	_ =	sfence.sel $0xFFFF  }
0xc0: {  	[dreg:$0x0] =	wrdreg $0xFFFFFFFF;
	(pc) =	sbr.abs _section_cstart, $3  }
0xc1: {  	[dreg:$0x1] =	wrdreg $0xFFFFFFFF  }
0xc2: {  	_ =	task.clear_ibuf [dreg:s7], $0x2FFFF;
	_ =	strace $0x9FFFFFFF  }
0xc3: {  	(tm) =	ssettm $0x7FFFFFFF  }
tec
execute0_lowered:
.L_overlay_start_1:
0x0: {  	(tag) =	ssettag $0x1  }
0x1: {  	s0 =	rddreg [dreg:$0x0]  }
0x2: {  	s1 =	rddreg [dreg:$0x1]  }
0x3: {  	s20 =	rddreg [dreg:$0x2];
	s4 =	simm.s32 $0x0  }
0x4: {  	s7 =	simm.s32 $0x80;
	[smem:$0x7FF] =	sst s4  }
0x5: {  	s24 =	simm.s32 $0xC80;
	_ =	strace $0x80000047;
	[dreg:$0x4] =	wrdreg s7  }
0x6: {  	s25 =	simm.s32 $0x100;
	[dreg:$0x5] =	wrdreg s24  }
0x7: {  	s28 =	simm.s32 $0xD00;
	[dreg:$0x6] =	wrdreg s25  }
0x8: {  	s30 =	simm.s32 $0x180;
	[dreg:$0x7] =	wrdreg s28  }
0x9: {  	s31 =	simm.s32 $0xD80;
	[dreg:$0x8] =	wrdreg s30  }
0xa: {  	s10 =	simm.s32 $0xE00;
	[dreg:$0x9] =	wrdreg s31  }
0xb: {  	s2 =	srdreg.scid;
	s12 =	simm.s32 $0x280;
	[dreg:$0xb] =	wrdreg s10  }
0xc: {  	s8 =	stileid.u32;
	s14 =	simm.s32 $0xE80;
	[dreg:$0xc] =	wrdreg s12  }
0xd: {  	s16 =	simm.s32 $0x300;
	s18 =	simm.s32 $0xF00;
	[dreg:$0xd] =	wrdreg s14  }
0xe: {  	s21 =	simm.s32 $0x380;
	s5 =	sand.u32 $0x1, s2;
	[dreg:$0xe] =	wrdreg s16  }
0xf: {  	s6 =	smul.u32 $0x13C00, s8;
	s3 =	sadd.s32 $0x1000, s1;
	[dreg:$0xf] =	wrdreg s18  }
0x10: {  	s9 =	sadd.s32 $0x29000, s1;
	s26 =	smul.u32 $0x4F000, s8;
	[dreg:$0x10] =	wrdreg s21  }
0x11: {  	s2 =	smul.u32 $0x13C000, s5;
	s22 =	ssub.s32 $0x2, s5;
	[dreg:$0x19] =	wrdreg s3  }
0x12: {  	s5 =	sshll.u32 s5, $0x4;
	s30 =	simm.s32 $0x500;
	[dreg:$0x1a] =	wrdreg s9  }
0x13: {  	s5 =	sor.u32 s8, s5;
	s8 =	simm.s32 $0x200;
	[dreg:$0x13] =	wrdreg s30  }
0x14: {  	s7 =	sshrl.u32 s26, $0x2;
	s26 =	simm.s32 $0x480;
	[dreg:$0xa] =	wrdreg s8  }
0x15: {  	[dreg:$0x12] =	wrdreg s26;
	s8 =	simm.s32 $0x600  }
0x16: {  	s24 =	sadd.s32 s7, s20;
	[dreg:$0x15] =	wrdreg s8  }
0x17: {  	s7 =	sadd.s32 $0x1000, s24;
	[dreg:$0x1d] =	wrdreg s24  }
0x18: {  	s11 =	sadd.s32 $0x2000, s24;
	[dreg:$0x1e] =	wrdreg s7  }
0x19: {  	s13 =	sadd.s32 $0x3000, s24;
	[dreg:$0x1f] =	wrdreg s11  }
0x1a: {  	s15 =	sadd.s32 $0x4000, s24;
	[smem:$0x7E7] =	sst s13  }
0x1b: {  	s17 =	sadd.s32 $0x5000, s24;
	[smem:$0x7E8] =	sst s15  }
0x1c: {  	s19 =	sadd.s32 $0x6000, s24;
	[smem:$0x7E9] =	sst s17  }
0x1d: {  	s25 =	sadd.s32 $0x8000, s24;
	[smem:$0x7EA] =	sst s19  }
0x1e: {  	s28 =	sadd.s32 $0x9000, s24;
	[smem:$0x7EC] =	sst s25  }
0x1f: {  	s31 =	sadd.s32 $0xA000, s24;
	[smem:$0x7ED] =	sst s28  }
0x20: {  	s10 =	sadd.s32 $0xB000, s24;
	[smem:$0x7EE] =	sst s31  }
0x21: {  	s2 =	sadd.s32 s6, s2;
	s21 =	sadd.s32 $0xC000, s24;
	[smem:$0x7EF] =	sst s10  }
0x22: {  	s29 =	smul.u32 $0xA000, s5;
	s26 =	sadd.s32 $0x10000, s24;
	[smem:$0x7F6] =	sst s21  }
0x23: {  	s2 =	sshrl.u32 s2, $0x3;
	s30 =	sadd.s32 $0x12000, s24;
	[smem:$0x7FA] =	sst s26  }
0x24: {  	s23 =	sshrl.u32 s22, $0x1;
	s1 =	sadd.s32 s2, s1;
	[smem:$0x7FC] =	sst s30  }
0x25: {  	s2 =	ssub.s32 s22, s23;
	s22 =	sadd.s32 $0x7000, s24;
	[dreg:$0x1b] =	wrdreg s29  }
0x26: {  	s23 =	simm.s32 $0xF80;
	[smem:$0x7EB] =	sst s22  }
0x27: {  	s7 =	simm.s32 $0x580;
	[dreg:$0x11] =	wrdreg s23  }
0x28: {  	s11 =	simm.s32 $0x680;
	[dreg:$0x14] =	wrdreg s7  }
0x29: {  	s13 =	simm.s32 $0x700;
	[dreg:$0x16] =	wrdreg s11  }
0x2a: {  	s15 =	simm.s32 $0x780;
	[dreg:$0x17] =	wrdreg s13  }
0x2b: {  	s25 =	sadd.s32 $0xF000, s24;
	[dreg:$0x18] =	wrdreg s15  }
0x2c: {  	s28 =	sadd.s32 $0x11000, s24;
	[smem:$0x7F9] =	sst s25  }
0x2d: {  	s12 =	sshrl.u32 s29, $0x3;
	s31 =	sadd.s32 $0x13000, s24;
	[smem:$0x7FB] =	sst s28  }
0x2e: {  	s14 =	sadd.s32 s3, s12;
	[smem:$0x7FD] =	sst s31  }
0x2f: {  	s16 =	sadd.s32 s9, s12;
	[smem:$0x7F0] =	sst s14  }
0x30: {  	s1 =	sadd.s32 $0x51000, s1;
	[smem:$0x7F1] =	sst s16  }
0x31: {  	s6 =	sor.u32 $0x80, s12;
	s19 =	smax.u32 s2, $0x1;
	[smem:$0x7F4] =	sst s1  }
0x32: {  	s22 =	sadd.s32 $0xD000, s24;
	s23 =	sadd.s32 $0xE000, s24;
	[smem:$0x7F5] =	sst s19  }
0x33: {  	s15 =	simm.s32 $0x20;
	s17 =	sadd.s32 s3, s6;
	[smem:$0x7F7] =	sst s22  }
0x34: {  	s18 =	sadd.s32 s9, s6;
	[smem:$0x7F8] =	sst s23;
	s22 =	simm.s32 $0x1000  }
0x35: {  	s1 =	simm.s32 $0x11;
	s19 =	simm.s32 $0x1;
	[smem:$0x7F2] =	sst s17  }
0x36: {  	v0 =	vimm.f32 $0.0e+00;
	[smem:$0x7F3] =	sst s18;
	s17 =	simm.s32 $0x13;
	s18 =	simm.s32 $0x0  }
.LBB2_1:
0x37: {  	[smem:$0x7E6] =	sst s18;
	s9 =	simm.s32 $0x0;
	s18 =	simm.s32 $0x200  }
.LBB2_2:
0x38: {  	p0 =	sne.s32 s18, $0x3E00;
	[tilespmem:s9+$0x1070] =	vst v0  }
0x39: {  	[tilespmem:s9+$0x1000] =	vst v0  }
0x3a: {  	[tilespmem:s9+$0x1010] =	vst v0  }
.Ltmp0:
0x3b: {  	[tilespmem:s9+$0x1020] =	vst v0;
	(pc) =	sbr.rel @p0 .LBB2_2-.Ltmp0, $4  }
0x3c: {  	[tilespmem:s9+$0x1030] =	vst v0  }
0x3d: {  	[tilespmem:s9+$0x1040] =	vst v0  }
0x3e: {  	[tilespmem:s9+$0x1050] =	vst v0  }
0x3f: {  	[tilespmem:s9+$0x1060] =	vst v0;
	s9 =	sshra.s32 s18, $0x2;
	s18 =	sadd.s32 $0x200, s18  }
0x40: {  	[tilespmem:s9+$0x1070] =	vst v0  }
0x41: {  	[tilespmem:s9+$0x1000] =	vst v0  }
0x42: {  	[tilespmem:s9+$0x1010] =	vst v0  }
0x43: {  	[tilespmem:s9+$0x1020] =	vst v0  }
0x44: {  	[tilespmem:s9+$0x1030] =	vst v0  }
0x45: {  	[tilespmem:s9+$0x1040] =	vst v0  }
0x46: {  	[tilespmem:s9+$0x1050] =	vst v0  }
0x47: {  	[tilespmem:s9+$0x1060] =	vst v0  }
0x48: {  	[spmem:s24] =	stream.linear.scatter [tilespmem:s22], [sflag:$0x13], $0x1000, $0x38;
	[tilespmem:$0x1CC00] =	vst v63  }
0x49: {  	_ =	swait.ge [sflag:s17], $0x1000  }
0x4a: {  	[sflag:s17] =	ssyncset.done $0x0  }
0x4b: {  	s14 =	rddreg [dreg:$0x1e];
	[sflag:s17] =	ssyncadd.s32 $0xFFFFF000  }
0x4c: {  	[spmem:s14] =	stream.linear.scatter [tilespmem:s22], [sflag:$0x13], $0x1000, $0x38;
	[tilespmem:$0x1CC00] =	vst v63  }
0x4d: {  	_ =	swait.ge [sflag:s17], $0x1000  }
0x4e: {  	[sflag:s17] =	ssyncset.done $0x0  }
0x4f: {  	s16 =	rddreg [dreg:$0x1f];
	[sflag:s17] =	ssyncadd.s32 $0xFFFFF000  }
0x50: {  	[spmem:s16] =	stream.linear.scatter [tilespmem:s22], [sflag:$0x13], $0x1000, $0x38;
	[tilespmem:$0x1CC00] =	vst v63  }
0x51: {  	_ =	swait.ge [sflag:s17], $0x1000  }
0x52: {  	s18 =	sld [smem:$0x7E7]  }
0x53: {  	[sflag:s17] =	ssyncset.done $0x0  }
0x54: {  	[sflag:s17] =	ssyncadd.s32 $0xFFFFF000  }
0x55: {  	[spmem:s18] =	stream.linear.scatter [tilespmem:s22], [sflag:$0x13], $0x1000, $0x38;
	[tilespmem:$0x1CC00] =	vst v63  }
0x56: {  	_ =	swait.ge [sflag:s17], $0x1000  }
0x57: {  	s21 =	sld [smem:$0x7E8]  }
0x58: {  	[sflag:s17] =	ssyncset.done $0x0  }
0x59: {  	[sflag:s17] =	ssyncadd.s32 $0xFFFFF000  }
0x5a: {  	[spmem:s21] =	stream.linear.scatter [tilespmem:s22], [sflag:$0x13], $0x1000, $0x38;
	[tilespmem:$0x1CC00] =	vst v63  }
0x5b: {  	_ =	swait.ge [sflag:s17], $0x1000  }
0x5c: {  	s23 =	sld [smem:$0x7E9]  }
0x5d: {  	[sflag:s17] =	ssyncset.done $0x0  }
0x5e: {  	[sflag:s17] =	ssyncadd.s32 $0xFFFFF000  }
0x5f: {  	[spmem:s23] =	stream.linear.scatter [tilespmem:s22], [sflag:$0x13], $0x1000, $0x38;
	[tilespmem:$0x1CC00] =	vst v63  }
0x60: {  	_ =	swait.ge [sflag:s17], $0x1000  }
0x61: {  	s24 =	sld [smem:$0x7EA]  }
0x62: {  	[sflag:s17] =	ssyncset.done $0x0  }
0x63: {  	[sflag:s17] =	ssyncadd.s32 $0xFFFFF000  }
0x64: {  	[spmem:s24] =	stream.linear.scatter [tilespmem:s22], [sflag:$0x13], $0x1000, $0x38;
	[tilespmem:$0x1CC00] =	vst v63  }
0x65: {  	_ =	swait.ge [sflag:s17], $0x1000  }
0x66: {  	s25 =	sld [smem:$0x7EB]  }
0x67: {  	[sflag:s17] =	ssyncset.done $0x0  }
0x68: {  	[sflag:s17] =	ssyncadd.s32 $0xFFFFF000  }
0x69: {  	[spmem:s25] =	stream.linear.scatter [tilespmem:s22], [sflag:$0x13], $0x1000, $0x38;
	[tilespmem:$0x1CC00] =	vst v63  }
0x6a: {  	_ =	swait.ge [sflag:s17], $0x1000  }
0x6b: {  	s26 =	sld [smem:$0x7EC]  }
0x6c: {  	[sflag:s17] =	ssyncset.done $0x0  }
0x6d: {  	[sflag:s17] =	ssyncadd.s32 $0xFFFFF000  }
0x6e: {  	[spmem:s26] =	stream.linear.scatter [tilespmem:s22], [sflag:$0x13], $0x1000, $0x38;
	[tilespmem:$0x1CC00] =	vst v63  }
0x6f: {  	_ =	swait.ge [sflag:s17], $0x1000  }
0x70: {  	s28 =	sld [smem:$0x7ED]  }
0x71: {  	[sflag:s17] =	ssyncset.done $0x0  }
0x72: {  	[sflag:s17] =	ssyncadd.s32 $0xFFFFF000  }
0x73: {  	[spmem:s28] =	stream.linear.scatter [tilespmem:s22], [sflag:$0x13], $0x1000, $0x38;
	[tilespmem:$0x1CC00] =	vst v63  }
0x74: {  	_ =	swait.ge [sflag:s17], $0x1000  }
0x75: {  	s30 =	sld [smem:$0x7EE]  }
0x76: {  	[sflag:s17] =	ssyncset.done $0x0  }
0x77: {  	[sflag:s17] =	ssyncadd.s32 $0xFFFFF000  }
0x78: {  	[spmem:s30] =	stream.linear.scatter [tilespmem:s22], [sflag:$0x13], $0x1000, $0x38;
	[tilespmem:$0x1CC00] =	vst v63  }
0x79: {  	_ =	swait.ge [sflag:s17], $0x1000  }
0x7a: {  	s31 =	sld [smem:$0x7EF]  }
0x7b: {  	[sflag:s17] =	ssyncset.done $0x0  }
0x7c: {  	[sflag:s17] =	ssyncadd.s32 $0xFFFFF000  }
0x7d: {  	[spmem:s31] =	stream.linear.scatter [tilespmem:s22], [sflag:$0x13], $0x1000, $0x38;
	[tilespmem:$0x1CC00] =	vst v63  }
0x7e: {  	_ =	swait.ge [sflag:s17], $0x1000  }
0x7f: {  	s2 =	sld [smem:$0x7F6]  }
0x80: {  	[sflag:s17] =	ssyncset.done $0x0  }
0x81: {  	[sflag:s17] =	ssyncadd.s32 $0xFFFFF000  }
0x82: {  	[spmem:s2] =	stream.linear.scatter [tilespmem:s22], [sflag:$0x13], $0x1000, $0x38;
	[tilespmem:$0x1CC00] =	vst v63  }
0x83: {  	_ =	swait.ge [sflag:s17], $0x1000  }
0x84: {  	s3 =	sld [smem:$0x7F7]  }
0x85: {  	[sflag:s17] =	ssyncset.done $0x0  }
0x86: {  	[sflag:s17] =	ssyncadd.s32 $0xFFFFF000  }
0x87: {  	[spmem:s3] =	stream.linear.scatter [tilespmem:s22], [sflag:$0x13], $0x1000, $0x38;
	[tilespmem:$0x1CC00] =	vst v63  }
0x88: {  	_ =	swait.ge [sflag:s17], $0x1000  }
0x89: {  	s5 =	sld [smem:$0x7F8]  }
0x8a: {  	[sflag:s17] =	ssyncset.done $0x0  }
0x8b: {  	[sflag:s17] =	ssyncadd.s32 $0xFFFFF000  }
0x8c: {  	[spmem:s5] =	stream.linear.scatter [tilespmem:s22], [sflag:$0x13], $0x1000, $0x38;
	[tilespmem:$0x1CC00] =	vst v63  }
0x8d: {  	_ =	swait.ge [sflag:s17], $0x1000  }
0x8e: {  	s6 =	sld [smem:$0x7F9]  }
0x8f: {  	[sflag:s17] =	ssyncset.done $0x0  }
0x90: {  	[sflag:s17] =	ssyncadd.s32 $0xFFFFF000  }
0x91: {  	[spmem:s6] =	stream.linear.scatter [tilespmem:s22], [sflag:$0x13], $0x1000, $0x38;
	[tilespmem:$0x1CC00] =	vst v63  }
0x92: {  	_ =	swait.ge [sflag:s17], $0x1000  }
0x93: {  	s7 =	sld [smem:$0x7FA]  }
0x94: {  	[sflag:s17] =	ssyncset.done $0x0  }
0x95: {  	[sflag:s17] =	ssyncadd.s32 $0xFFFFF000  }
0x96: {  	[spmem:s7] =	stream.linear.scatter [tilespmem:s22], [sflag:$0x13], $0x1000, $0x38;
	[tilespmem:$0x1CC00] =	vst v63  }
0x97: {  	_ =	swait.ge [sflag:s17], $0x1000  }
0x98: {  	s8 =	sld [smem:$0x7FB]  }
0x99: {  	[sflag:s17] =	ssyncset.done $0x0  }
0x9a: {  	[sflag:s17] =	ssyncadd.s32 $0xFFFFF000  }
0x9b: {  	[spmem:s8] =	stream.linear.scatter [tilespmem:s22], [sflag:$0x13], $0x1000, $0x38;
	[tilespmem:$0x1CC00] =	vst v63  }
0x9c: {  	_ =	swait.ge [sflag:s17], $0x1000  }
0x9d: {  	s10 =	sld [smem:$0x7FC]  }
0x9e: {  	[sflag:s17] =	ssyncset.done $0x0  }
0x9f: {  	[sflag:s17] =	ssyncadd.s32 $0xFFFFF000  }
0xa0: {  	[spmem:s10] =	stream.linear.scatter [tilespmem:s22], [sflag:$0x13], $0x1000, $0x38;
	[tilespmem:$0x1CC00] =	vst v63  }
0xa1: {  	_ =	swait.ge [sflag:s17], $0x1000  }
0xa2: {  	s11 =	sld [smem:$0x7FD]  }
0xa3: {  	[sflag:s17] =	ssyncset.done $0x0  }
0xa4: {  	[sflag:s17] =	ssyncadd.s32 $0xFFFFF000  }
0xa5: {  	[spmem:s11] =	stream.linear.scatter [tilespmem:s22], [sflag:$0x13], $0xC00, $0x38;
	[tilespmem:$0x1CC00] =	vst v63  }
0xa6: {  	_ =	swait.ge [sflag:s17], $0xC00  }
0xa7: {  	[sflag:s17] =	ssyncset.done $0x0  }
0xa8: {  	[sflag:s17] =	ssyncadd.s32 $0xFFFFF400  }
0xa9: {  	[bflag:$0x0] =	sbarrier.arrive $0xFFFF  }
0xaa: {  	s12 =	sld [smem:$0x7F0];
	_ =	sdelay $0x1  }
0xab: {  	s13 =	sld [smem:$0x7F1]  }
0xac: {  	[tilespmem:s4], [sflag:$0x11] =	stream.linear.gather [hbm4b:s12+s4], $0x400, $0x38;
	[tilespmem:$0x1CC00] =	vst v63  }
0xad: {  	s3 =	simm.s32 $0x800;
	s14 =	sld [smem:$0x7F2]  }
0xae: {  	[tilespmem:s3], [sflag:$0x11] =	stream.linear.gather [hbm4b:s13+s4], $0x400, $0x38;
	[tilespmem:$0x1CC00] =	vst v63  }
0xaf: {  	s2 =	simm.s32 $0x400;
	s16 =	sld [smem:$0x7F3]  }
0xb0: {  	[tilespmem:s2], [sflag:$0x12] =	stream.linear.gather [hbm4b:s14+s4], $0x400, $0x38;
	[tilespmem:$0x1CC00] =	vst v63  }
0xb1: {  	s17 =	simm.s32 $0xC00  }
0xb2: {  	[tilespmem:s17], [sflag:$0x12] =	stream.linear.gather [hbm4b:s16+s4], $0x400, $0x38;
	[tilespmem:$0x1CC00] =	vst v63  }
0xb3: {  	_ =	swait.ge [sflag:s1], $0x400  }
0xb4: {  	[sflag:s1] =	ssyncset.done $0x0  }
0xb5: {  	[sflag:s1] =	ssyncadd.s32 $0xFFFFFC00  }
0xb6: {  	_ =	swait.ge [sflag:s1], $0x400  }
0xb7: {  	[sflag:s1] =	ssyncset.done $0x0  }
0xb8: {  	[sflag:s1] =	ssyncadd.s32 $0xFFFFFC00  }
0xb9: {  	[tilespmem:s22], [sflag:$0x1] =	stream.indirect.gather [hbm4b:s0+s15], $0x80, s3, s15, $0xb8;
	[tilespmem:$0x1CC00] =	vst v63  }
0xba: {  	s18 =	simm.s32 $0x880;
	s24 =	simm.s32 $0x2000  }
0xbb: {  	[tilespmem:s24], [sflag:$0x2] =	stream.indirect.gather [hbm4b:s0+s15], $0x80, s18, s15, $0xb8;
	[tilespmem:$0x1CC00] =	vst v63  }
0xbc: {  	s21 =	simm.s32 $0x900;
	s31 =	simm.s32 $0x3000  }
0xbd: {  	[tilespmem:s31], [sflag:$0x3] =	stream.indirect.gather [hbm4b:s0+s15], $0x80, s21, s15, $0xb8;
	[tilespmem:$0x1CC00] =	vst v63  }
0xbe: {  	s23 =	simm.s32 $0x980;
	s26 =	simm.s32 $0x4000  }
0xbf: {  	[tilespmem:s26], [sflag:$0x4] =	stream.indirect.gather [hbm4b:s0+s15], $0x80, s23, s15, $0xb8;
	[tilespmem:$0x1CC00] =	vst v63  }
0xc0: {  	s28 =	simm.s32 $0xA00;
	s30 =	simm.s32 $0x5000  }
0xc1: {  	[tilespmem:s30], [sflag:$0x5] =	stream.indirect.gather [hbm4b:s0+s15], $0x80, s28, s15, $0xb8;
	[tilespmem:$0x1CC00] =	vst v63  }
0xc2: {  	s5 =	simm.s32 $0x6000;
	s4 =	simm.s32 $0xA80  }
0xc3: {  	[tilespmem:s5], [sflag:$0x6] =	stream.indirect.gather [hbm4b:s0+s15], $0x80, s4, s15, $0xb8;
	[tilespmem:$0x1CC00] =	vst v63  }
0xc4: {  	s6 =	simm.s32 $0xB00;
	s7 =	simm.s32 $0x7000  }
0xc5: {  	[tilespmem:s7], [sflag:$0x7] =	stream.indirect.gather [hbm4b:s0+s15], $0x80, s6, s15, $0xb8;
	[tilespmem:$0x1CC00] =	vst v63  }
0xc6: {  	s9 =	simm.s32 $0x8000;
	s8 =	simm.s32 $0xB80  }
0xc7: {  	[tilespmem:s9], [sflag:$0x8] =	stream.indirect.gather [hbm4b:s0+s15], $0x80, s8, s15, $0xb8;
	[tilespmem:$0x1CC00] =	vst v63  }
0xc8: {  	_ =	swait.ge [sflag:s19], $0x1000  }
0xc9: {  	[sflag:s19] =	ssyncset.done $0x0  }
0xca: {  	s25 =	simm.s32 $0x0;
	s28 =	simm.s32 $0x9;
	[sflag:s19] =	ssyncadd.s32 $0xFFFFF000  }
0xcb: {  	[spmem:s20] =	stream.indirect.scatter.add.f32 [tilespmem:s22], [sflag:$0x9], $0x80, s25, s15, $0xb8;
	[tilespmem:$0x1CC00] =	vst v63  }
0xcc: {  	_ =	swait.ge [sflag:s28], $0x1000  }
0xcd: {  	[sflag:s28] =	ssyncset.done $0x0  }
0xce: {  	s10 =	simm.s32 $0x12;
	[sflag:s28] =	ssyncadd.s32 $0xFFFFF000  }
0xcf: {  	_ =	swait.ge [sflag:s10], $0x400  }
0xd0: {  	[sflag:s10] =	ssyncset.done $0x0  }
0xd1: {  	[sflag:s10] =	ssyncadd.s32 $0xFFFFFC00  }
0xd2: {  	_ =	swait.ge [sflag:s10], $0x400  }
0xd3: {  	[sflag:s10] =	ssyncset.done $0x0  }
0xd4: {  	s23 =	simm.s32 $0x2;
	[sflag:s10] =	ssyncadd.s32 $0xFFFFFC00  }
0xd5: {  	[tilespmem:s22], [sflag:$0x1] =	stream.indirect.gather [hbm4b:s0+s15], $0x80, s17, s15, $0xb8;
	[tilespmem:$0x1CC00] =	vst v63  }
0xd6: {  	_ =	swait.ge [sflag:s23], $0x1000  }
0xd7: {  	[sflag:s23] =	ssyncset.done $0x0  }
0xd8: {  	s25 =	simm.s32 $0xA;
	s11 =	rddreg [dreg:$0x4];
	[sflag:s23] =	ssyncadd.s32 $0xFFFFF000  }
0xd9: {  	[spmem:s20] =	stream.indirect.scatter.add.f32 [tilespmem:s24], [sflag:$0xA], $0x80, s11, s15, $0xb8;
	[tilespmem:$0x1CC00] =	vst v63  }
0xda: {  	_ =	swait.ge [sflag:s25], $0x1000  }
0xdb: {  	[sflag:s25] =	ssyncset.done $0x0  }
0xdc: {  	s21 =	simm.s32 $0x3;
	s12 =	rddreg [dreg:$0x5];
	[sflag:s25] =	ssyncadd.s32 $0xFFFFF000  }
0xdd: {  	[tilespmem:s24], [sflag:$0x2] =	stream.indirect.gather [hbm4b:s0+s15], $0x80, s12, s15, $0xb8;
	[tilespmem:$0x1CC00] =	vst v63  }
0xde: {  	_ =	swait.ge [sflag:s21], $0x1000  }
0xdf: {  	[sflag:s21] =	ssyncset.done $0x0  }
0xe0: {  	s30 =	simm.s32 $0xB;
	s13 =	rddreg [dreg:$0x6];
	[sflag:s21] =	ssyncadd.s32 $0xFFFFF000  }
0xe1: {  	[spmem:s20] =	stream.indirect.scatter.add.f32 [tilespmem:s31], [sflag:$0xB], $0x80, s13, s15, $0xb8;
	[tilespmem:$0x1CC00] =	vst v63  }
0xe2: {  	_ =	swait.ge [sflag:s30], $0x1000  }
0xe3: {  	[sflag:s30] =	ssyncset.done $0x0  }
0xe4: {  	s14 =	rddreg [dreg:$0x7];
	[sflag:s30] =	ssyncadd.s32 $0xFFFFF000  }
0xe5: {  	[tilespmem:s31], [sflag:$0x3] =	stream.indirect.gather [hbm4b:s0+s15], $0x80, s14, s15, $0xb8;
	[tilespmem:$0x1CC00] =	vst v63  }
0xe6: {  	s14 =	simm.s32 $0x4  }
0xe7: {  	_ =	swait.ge [sflag:s14], $0x1000  }
0xe8: {  	s18 =	simm.s32 $0x4000;
	[sflag:s14] =	ssyncset.done $0x0  }
0xe9: {  	s12 =	simm.s32 $0xC;
	s16 =	rddreg [dreg:$0x8];
	[sflag:s14] =	ssyncadd.s32 $0xFFFFF000  }
0xea: {  	[spmem:s20] =	stream.indirect.scatter.add.f32 [tilespmem:s18], [sflag:$0xC], $0x80, s16, s15, $0xb8;
	[tilespmem:$0x1CC00] =	vst v63  }
0xeb: {  	_ =	swait.ge [sflag:s12], $0x1000  }
0xec: {  	[sflag:s12] =	ssyncset.done $0x0  }
0xed: {  	s13 =	simm.s32 $0x5;
	s26 =	rddreg [dreg:$0x9];
	[sflag:s12] =	ssyncadd.s32 $0xFFFFF000  }
0xee: {  	[tilespmem:s18], [sflag:$0x4] =	stream.indirect.gather [hbm4b:s0+s15], $0x80, s26, s15, $0xb8;
	[tilespmem:$0x1CC00] =	vst v63  }
0xef: {  	_ =	swait.ge [sflag:s13], $0x1000  }
0xf0: {  	s4 =	simm.s32 $0x5000;
	[sflag:s13] =	ssyncset.done $0x0  }
0xf1: {  	s10 =	simm.s32 $0xD;
	s3 =	rddreg [dreg:$0xa];
	[sflag:s13] =	ssyncadd.s32 $0xFFFFF000  }
0xf2: {  	[spmem:s20] =	stream.indirect.scatter.add.f32 [tilespmem:s4], [sflag:$0xD], $0x80, s3, s15, $0xb8;
	[tilespmem:$0x1CC00] =	vst v63  }
0xf3: {  	_ =	swait.ge [sflag:s10], $0x1000  }
0xf4: {  	[sflag:s10] =	ssyncset.done $0x0  }
0xf5: {  	s11 =	simm.s32 $0x6;
	s5 =	rddreg [dreg:$0xb];
	[sflag:s10] =	ssyncadd.s32 $0xFFFFF000  }
0xf6: {  	[tilespmem:s4], [sflag:$0x5] =	stream.indirect.gather [hbm4b:s0+s15], $0x80, s5, s15, $0xb8;
	[tilespmem:$0x1CC00] =	vst v63  }
0xf7: {  	_ =	swait.ge [sflag:s11], $0x1000  }
0xf8: {  	[sflag:s11] =	ssyncset.done $0x0  }
0xf9: {  	s8 =	simm.s32 $0x6000;
	s6 =	rddreg [dreg:$0xc];
	[sflag:s11] =	ssyncadd.s32 $0xFFFFF000  }
0xfa: {  	[spmem:s20] =	stream.indirect.scatter.add.f32 [tilespmem:s8], [sflag:$0xE], $0x80, s6, s15, $0xb8;
	[tilespmem:$0x1CC00] =	vst v63  }
0xfb: {  	s6 =	simm.s32 $0xE  }
0xfc: {  	_ =	swait.ge [sflag:s6], $0x1000  }
0xfd: {  	s7 =	smov.u32 s0;
	[sflag:s6] =	ssyncset.done $0x0  }
0xfe: {  	s5 =	simm.s32 $0x7;
	s16 =	rddreg [dreg:$0xd];
	[sflag:s6] =	ssyncadd.s32 $0xFFFFF000  }
0xff: {  	[tilespmem:s8], [sflag:$0x6] =	stream.indirect.gather [hbm4b:s7+s15], $0x80, s16, s15, $0xb8;
	[tilespmem:$0x1CC00] =	vst v63  }
0x100: {  	_ =	swait.ge [sflag:s5], $0x1000  }
0x101: {  	[sflag:s5] =	ssyncset.done $0x0  }
0x102: {  	s26 =	simm.s32 $0x7000;
	s18 =	rddreg [dreg:$0xe];
	[sflag:s5] =	ssyncadd.s32 $0xFFFFF000  }
0x103: {  	[spmem:s20] =	stream.indirect.scatter.add.f32 [tilespmem:s26], [sflag:$0xF], $0x80, s18, s15, $0xb8;
	[tilespmem:$0x1CC00] =	vst v63  }
0x104: {  	s3 =	smov.u32 s20;
	s20 =	simm.s32 $0xF  }
0x105: {  	_ =	swait.ge [sflag:s20], $0x1000  }
0x106: {  	[sflag:s20] =	ssyncset.done $0x0  }
0x107: {  	s8 =	simm.s32 $0x8;
	s2 =	rddreg [dreg:$0xf];
	[sflag:s20] =	ssyncadd.s32 $0xFFFFF000  }
0x108: {  	[tilespmem:s26], [sflag:$0x7] =	stream.indirect.gather [hbm4b:s7+s15], $0x80, s2, s15, $0xb8;
	[tilespmem:$0x1CC00] =	vst v63  }
0x109: {  	s18 =	simm.s32 $0x10;
	_ =	swait.ge [sflag:s8], $0x1000  }
0x10a: {  	s16 =	simm.s32 $0x10;
	s18 =	smin.u32 s18, $0x138;
	[sflag:s8] =	ssyncset.done $0x0  }
0x10b: {  	s2 =	simm.s32 $0x8000;
	s4 =	rddreg [dreg:$0x10];
	[sflag:s8] =	ssyncadd.s32 $0xFFFFF000  }
0x10c: {  	[spmem:s3] =	stream.indirect.scatter.add.f32 [tilespmem:s2], [sflag:$0x10], $0x80, s4, s15, $0xb8;
	[tilespmem:$0x1CC00] =	vst v63  }
0x10d: {  	s18 =	sshll.u32 s18, $0x7;
	_ =	swait.ge [sflag:s16], $0x1000  }
0x10e: {  	s18 =	sadd.s32 s29, s18;
	[sflag:s16] =	ssyncset.done $0x0  }
0x10f: {  	s9 =	sshrl.u32 s18, $0x3;
	[sflag:s16] =	ssyncadd.s32 $0xFFFFF000;
	s16 =	rddreg [dreg:$0x19]  }
0x110: {  	s0 =	simm.s32 $0x0;
	s26 =	sadd.s32 s16, s9  }
0x111: {  	[tilespmem:s0], [sflag:$0x11] =	stream.linear.gather [hbm4b:s26+s0], $0x400, $0x38;
	[tilespmem:$0x1CC00] =	vst v63  }
0x112: {  	s26 =	rddreg [dreg:$0x1a]  }
0x113: {  	s4 =	simm.s32 $0x800;
	s9 =	sadd.s32 s26, s9  }
0x114: {  	[tilespmem:s4], [sflag:$0x11] =	stream.linear.gather [hbm4b:s9+s0], $0x400, $0x38;
	[tilespmem:$0x1CC00] =	vst v63  }
0x115: {  	s18 =	rddreg [dreg:$0x11]  }
0x116: {  	[tilespmem:s2], [sflag:$0x8] =	stream.indirect.gather [hbm4b:s7+s15], $0x80, s18, s15, $0xb8;
	[tilespmem:$0x1CC00] =	vst v63  }
0x117: {  	_ =	swait.ge [sflag:s19], $0x1000  }
0x118: {  	[sflag:s19] =	ssyncset.done $0x0  }
0x119: {  	s2 =	simm.s32 $0x400;
	[sflag:s19] =	ssyncadd.s32 $0xFFFFF000  }
0x11a: {  	[spmem:s3] =	stream.indirect.scatter.add.f32 [tilespmem:s22], [sflag:$0x9], $0x80, s2, s15, $0xb8;
	[tilespmem:$0x1CC00] =	vst v63  }
0x11b: {  	_ =	swait.ge [sflag:s28], $0x1000  }
0x11c: {  	[sflag:s28] =	ssyncset.done $0x0  }
0x11d: {  	[sflag:s28] =	ssyncadd.s32 $0xFFFFF000  }
0x11e: {  	_ =	swait.ge [sflag:s1], $0x400  }
0x11f: {  	[sflag:s1] =	ssyncset.done $0x0  }
0x120: {  	[sflag:s1] =	ssyncadd.s32 $0xFFFFFC00  }
0x121: {  	_ =	swait.ge [sflag:s1], $0x400  }
0x122: {  	[sflag:s1] =	ssyncset.done $0x0  }
0x123: {  	[sflag:s1] =	ssyncadd.s32 $0xFFFFFC00  }
0x124: {  	[tilespmem:s22], [sflag:$0x1] =	stream.indirect.gather [hbm4b:s7+s15], $0x80, s4, s15, $0xb8;
	[tilespmem:$0x1CC00] =	vst v63  }
0x125: {  	_ =	swait.ge [sflag:s23], $0x1000  }
0x126: {  	[sflag:s23] =	ssyncset.done $0x0  }
0x127: {  	s4 =	rddreg [dreg:$0x12];
	[sflag:s23] =	ssyncadd.s32 $0xFFFFF000  }
0x128: {  	[spmem:s3] =	stream.indirect.scatter.add.f32 [tilespmem:s24], [sflag:$0xA], $0x80, s4, s15, $0xb8;
	[tilespmem:$0x1CC00] =	vst v63  }
0x129: {  	_ =	swait.ge [sflag:s25], $0x1000  }
0x12a: {  	[sflag:s25] =	ssyncset.done $0x0  }
0x12b: {  	s18 =	simm.s32 $0x880;
	[sflag:s25] =	ssyncadd.s32 $0xFFFFF000  }
0x12c: {  	[tilespmem:s24], [sflag:$0x2] =	stream.indirect.gather [hbm4b:s7+s15], $0x80, s18, s15, $0xb8;
	[tilespmem:$0x1CC00] =	vst v63  }
0x12d: {  	_ =	swait.ge [sflag:s21], $0x1000  }
0x12e: {  	[sflag:s21] =	ssyncset.done $0x0  }
0x12f: {  	s23 =	rddreg [dreg:$0x13];
	[sflag:s21] =	ssyncadd.s32 $0xFFFFF000  }
0x130: {  	[spmem:s3] =	stream.indirect.scatter.add.f32 [tilespmem:s31], [sflag:$0xB], $0x80, s23, s15, $0xb8;
	[tilespmem:$0x1CC00] =	vst v63  }
0x131: {  	_ =	swait.ge [sflag:s30], $0x1000  }
0x132: {  	[sflag:s30] =	ssyncset.done $0x0  }
0x133: {  	s25 =	simm.s32 $0x900;
	[sflag:s30] =	ssyncadd.s32 $0xFFFFF000  }
0x134: {  	[tilespmem:s31], [sflag:$0x3] =	stream.indirect.gather [hbm4b:s7+s15], $0x80, s25, s15, $0xb8;
	[tilespmem:$0x1CC00] =	vst v63  }
0x135: {  	_ =	swait.ge [sflag:s14], $0x1000  }
0x136: {  	[sflag:s14] =	ssyncset.done $0x0  }
0x137: {  	s30 =	simm.s32 $0x4000;
	s28 =	rddreg [dreg:$0x14];
	[sflag:s14] =	ssyncadd.s32 $0xFFFFF000  }
0x138: {  	[spmem:s3] =	stream.indirect.scatter.add.f32 [tilespmem:s30], [sflag:$0xC], $0x80, s28, s15, $0xb8;
	[tilespmem:$0x1CC00] =	vst v63  }
0x139: {  	_ =	swait.ge [sflag:s12], $0x1000  }
0x13a: {  	[sflag:s12] =	ssyncset.done $0x0  }
0x13b: {  	s31 =	simm.s32 $0x980;
	[sflag:s12] =	ssyncadd.s32 $0xFFFFF000  }
0x13c: {  	[tilespmem:s30], [sflag:$0x4] =	stream.indirect.gather [hbm4b:s7+s15], $0x80, s31, s15, $0xb8;
	[tilespmem:$0x1CC00] =	vst v63  }
0x13d: {  	_ =	swait.ge [sflag:s13], $0x1000  }
0x13e: {  	[sflag:s13] =	ssyncset.done $0x0  }
0x13f: {  	s4 =	simm.s32 $0x5000;
	s2 =	rddreg [dreg:$0x15];
	[sflag:s13] =	ssyncadd.s32 $0xFFFFF000  }
0x140: {  	[spmem:s3] =	stream.indirect.scatter.add.f32 [tilespmem:s4], [sflag:$0xD], $0x80, s2, s15, $0xb8;
	[tilespmem:$0x1CC00] =	vst v63  }
0x141: {  	_ =	swait.ge [sflag:s10], $0x1000  }
0x142: {  	[sflag:s10] =	ssyncset.done $0x0  }
0x143: {  	s9 =	simm.s32 $0xA00;
	[sflag:s10] =	ssyncadd.s32 $0xFFFFF000  }
0x144: {  	[tilespmem:s4], [sflag:$0x5] =	stream.indirect.gather [hbm4b:s7+s15], $0x80, s9, s15, $0xb8;
	[tilespmem:$0x1CC00] =	vst v63  }
0x145: {  	_ =	swait.ge [sflag:s11], $0x1000  }
0x146: {  	[sflag:s11] =	ssyncset.done $0x0  }
0x147: {  	s10 =	rddreg [dreg:$0x16];
	[sflag:s11] =	ssyncadd.s32 $0xFFFFF000;
	s11 =	simm.s32 $0x6000  }
0x148: {  	[spmem:s3] =	stream.indirect.scatter.add.f32 [tilespmem:s11], [sflag:$0xE], $0x80, s10, s15, $0xb8;
	[tilespmem:$0x1CC00] =	vst v63  }
0x149: {  	_ =	swait.ge [sflag:s6], $0x1000  }
0x14a: {  	[sflag:s6] =	ssyncset.done $0x0  }
0x14b: {  	s12 =	simm.s32 $0xA80;
	[sflag:s6] =	ssyncadd.s32 $0xFFFFF000  }
0x14c: {  	[tilespmem:s11], [sflag:$0x6] =	stream.indirect.gather [hbm4b:s7+s15], $0x80, s12, s15, $0xb8;
	[tilespmem:$0x1CC00] =	vst v63  }
0x14d: {  	_ =	swait.ge [sflag:s5], $0x1000  }
0x14e: {  	[sflag:s5] =	ssyncset.done $0x0  }
0x14f: {  	s14 =	simm.s32 $0x7000;
	s13 =	rddreg [dreg:$0x17];
	[sflag:s5] =	ssyncadd.s32 $0xFFFFF000  }
0x150: {  	[spmem:s3] =	stream.indirect.scatter.add.f32 [tilespmem:s14], [sflag:$0xF], $0x80, s13, s15, $0xb8;
	[tilespmem:$0x1CC00] =	vst v63  }
0x151: {  	_ =	swait.ge [sflag:s20], $0x1000  }
0x152: {  	[sflag:s20] =	ssyncset.done $0x0  }
0x153: {  	s18 =	simm.s32 $0xB00;
	[sflag:s20] =	ssyncadd.s32 $0xFFFFF000  }
0x154: {  	[tilespmem:s14], [sflag:$0x7] =	stream.indirect.gather [hbm4b:s7+s15], $0x80, s18, s15, $0xb8;
	[tilespmem:$0x1CC00] =	vst v63  }
0x155: {  	s21 =	simm.s32 $0x18;
	s25 =	simm.s32 $0x8000;
	_ =	swait.ge [sflag:s8], $0x1000  }
0x156: {  	s28 =	simm.s32 $0x10;
	s9 =	smin.u32 s21, $0x138;
	[sflag:s8] =	ssyncset.done $0x0  }
0x157: {  	s9 =	sshll.u32 s9, $0x7;
	s23 =	rddreg [dreg:$0x18];
	[sflag:s8] =	ssyncadd.s32 $0xFFFFF000  }
0x158: {  	[spmem:s3] =	stream.indirect.scatter.add.f32 [tilespmem:s25], [sflag:$0x10], $0x80, s23, s15, $0xb8;
	[tilespmem:$0x1CC00] =	vst v63  }
0x159: {  	s0 =	smov.u32 s7;
	s9 =	sadd.s32 s29, s9;
	_ =	swait.ge [sflag:s28], $0x1000  }
0x15a: {  	s30 =	simm.s32 $0x0;
	s9 =	sshrl.u32 s9, $0x3;
	[sflag:s28] =	ssyncset.done $0x0  }
0x15b: {  	s31 =	simm.s32 $0x400;
	s29 =	sadd.s32 s16, s9;
	[sflag:s28] =	ssyncadd.s32 $0xFFFFF000  }
0x15c: {  	[tilespmem:s31], [sflag:$0x12] =	stream.linear.gather [hbm4b:s29+s30], $0x400, $0x38;
	[tilespmem:$0x1CC00] =	vst v63  }
0x15d: {  	s9 =	sadd.s32 s26, s9;
	s20 =	smov.u32 s3;
	s18 =	simm.s32 $0x28  }
0x15e: {  	[tilespmem:s17], [sflag:$0x12] =	stream.linear.gather [hbm4b:s9+s30], $0x400, $0x38;
	[tilespmem:$0x1CC00] =	vst v63  }
.LBB2_4:
0x15f: {  	s10 =	smov.u32 s18  }
0x160: {  	s4 =	simm.s32 $0xB80;
	s1 =	simm.s32 $0x8000;
	[dreg:$0x1c] =	wrdreg s10  }
0x161: {  	[tilespmem:s1], [sflag:$0x8] =	stream.indirect.gather [hbm4b:s0+s15], $0x80, s4, s15, $0xb8;
	[tilespmem:$0x1CC00] =	vst v63  }
0x162: {  	_ =	swait.ge [sflag:s19], $0x1000  }
0x163: {  	[sflag:s19] =	ssyncset.done $0x0  }
0x164: {  	s29 =	simm.s32 $0x0;
	s28 =	simm.s32 $0x9;
	[sflag:s19] =	ssyncadd.s32 $0xFFFFF000  }
0x165: {  	[spmem:s20] =	stream.indirect.scatter.add.f32 [tilespmem:s22], [sflag:$0x9], $0x80, s29, s15, $0xb8;
	[tilespmem:$0x1CC00] =	vst v63  }
0x166: {  	_ =	swait.ge [sflag:s28], $0x1000  }
0x167: {  	[sflag:s28] =	ssyncset.done $0x0  }
0x168: {  	s30 =	simm.s32 $0x12;
	[sflag:s28] =	ssyncadd.s32 $0xFFFFF000  }
0x169: {  	_ =	swait.ge [sflag:s30], $0x400  }
0x16a: {  	[sflag:s30] =	ssyncset.done $0x0  }
0x16b: {  	[sflag:s30] =	ssyncadd.s32 $0xFFFFFC00  }
0x16c: {  	_ =	swait.ge [sflag:s30], $0x400  }
0x16d: {  	[sflag:s30] =	ssyncset.done $0x0  }
0x16e: {  	s23 =	simm.s32 $0x2;
	[sflag:s30] =	ssyncadd.s32 $0xFFFFFC00  }
0x16f: {  	[tilespmem:s22], [sflag:$0x1] =	stream.indirect.gather [hbm4b:s0+s15], $0x80, s17, s15, $0xb8;
	[tilespmem:$0x1CC00] =	vst v63  }
0x170: {  	_ =	swait.ge [sflag:s23], $0x1000  }
0x171: {  	[sflag:s23] =	ssyncset.done $0x0  }
0x172: {  	s25 =	simm.s32 $0xA;
	s1 =	rddreg [dreg:$0x4];
	[sflag:s23] =	ssyncadd.s32 $0xFFFFF000  }
0x173: {  	[spmem:s20] =	stream.indirect.scatter.add.f32 [tilespmem:s24], [sflag:$0xA], $0x80, s1, s15, $0xb8;
	[tilespmem:$0x1CC00] =	vst v63  }
0x174: {  	_ =	swait.ge [sflag:s25], $0x1000  }
0x175: {  	[sflag:s25] =	ssyncset.done $0x0  }
0x176: {  	s21 =	simm.s32 $0x3;
	s2 =	rddreg [dreg:$0x5];
	[sflag:s25] =	ssyncadd.s32 $0xFFFFF000  }
0x177: {  	[tilespmem:s24], [sflag:$0x2] =	stream.indirect.gather [hbm4b:s0+s15], $0x80, s2, s15, $0xb8;
	[tilespmem:$0x1CC00] =	vst v63  }
0x178: {  	_ =	swait.ge [sflag:s21], $0x1000  }
0x179: {  	s5 =	simm.s32 $0x3000;
	[sflag:s21] =	ssyncset.done $0x0  }
0x17a: {  	s30 =	simm.s32 $0xB;
	s4 =	rddreg [dreg:$0x6];
	[sflag:s21] =	ssyncadd.s32 $0xFFFFF000  }
0x17b: {  	[spmem:s20] =	stream.indirect.scatter.add.f32 [tilespmem:s5], [sflag:$0xB], $0x80, s4, s15, $0xb8;
	[tilespmem:$0x1CC00] =	vst v63  }
0x17c: {  	_ =	swait.ge [sflag:s30], $0x1000  }
0x17d: {  	s6 =	simm.s32 $0x3000;
	[sflag:s30] =	ssyncset.done $0x0  }
0x17e: {  	s11 =	simm.s32 $0x4;
	s8 =	rddreg [dreg:$0x7];
	[sflag:s30] =	ssyncadd.s32 $0xFFFFF000  }
0x17f: {  	[tilespmem:s6], [sflag:$0x3] =	stream.indirect.gather [hbm4b:s0+s15], $0x80, s8, s15, $0xb8;
	[tilespmem:$0x1CC00] =	vst v63  }
0x180: {  	_ =	swait.ge [sflag:s11], $0x1000  }
0x181: {  	[sflag:s11] =	ssyncset.done $0x0  }
0x182: {  	s12 =	simm.s32 $0x4000;
	s9 =	rddreg [dreg:$0x8];
	[sflag:s11] =	ssyncadd.s32 $0xFFFFF000  }
0x183: {  	[spmem:s20] =	stream.indirect.scatter.add.f32 [tilespmem:s12], [sflag:$0xC], $0x80, s9, s15, $0xb8;
	[tilespmem:$0x1CC00] =	vst v63  }
0x184: {  	s12 =	simm.s32 $0xC  }
0x185: {  	_ =	swait.ge [sflag:s12], $0x1000  }
0x186: {  	[sflag:s12] =	ssyncset.done $0x0  }
0x187: {  	s13 =	simm.s32 $0x4000;
	s14 =	rddreg [dreg:$0x9];
	[sflag:s12] =	ssyncadd.s32 $0xFFFFF000  }
0x188: {  	[tilespmem:s13], [sflag:$0x4] =	stream.indirect.gather [hbm4b:s0+s15], $0x80, s14, s15, $0xb8;
	[tilespmem:$0x1CC00] =	vst v63  }
0x189: {  	s13 =	simm.s32 $0x5  }
0x18a: {  	_ =	swait.ge [sflag:s13], $0x1000  }
0x18b: {  	s22 =	simm.s32 $0x5000;
	[sflag:s13] =	ssyncset.done $0x0  }
0x18c: {  	s0 =	simm.s32 $0xD;
	s16 =	rddreg [dreg:$0xa];
	[sflag:s13] =	ssyncadd.s32 $0xFFFFF000  }
0x18d: {  	[spmem:s20] =	stream.indirect.scatter.add.f32 [tilespmem:s22], [sflag:$0xD], $0x80, s16, s15, $0xb8;
	[tilespmem:$0x1CC00] =	vst v63  }
0x18e: {  	_ =	swait.ge [sflag:s0], $0x1000  }
0x18f: {  	s24 =	simm.s32 $0x5000;
	[sflag:s0] =	ssyncset.done $0x0  }
0x190: {  	s8 =	simm.s32 $0x6;
	s26 =	rddreg [dreg:$0xb];
	[sflag:s0] =	ssyncadd.s32 $0xFFFFF000  }
0x191: {  	[tilespmem:s24], [sflag:$0x5] =	stream.indirect.gather [hbm4b:s7+s15], $0x80, s26, s15, $0xb8;
	[tilespmem:$0x1CC00] =	vst v63  }
0x192: {  	_ =	swait.ge [sflag:s8], $0x1000  }
0x193: {  	s6 =	simm.s32 $0xE;
	[sflag:s8] =	ssyncset.done $0x0  }
0x194: {  	s9 =	simm.s32 $0x6000;
	s29 =	rddreg [dreg:$0xc];
	[sflag:s8] =	ssyncadd.s32 $0xFFFFF000  }
0x195: {  	[spmem:s20] =	stream.indirect.scatter.add.f32 [tilespmem:s9], [sflag:$0xE], $0x80, s29, s15, $0xb8;
	[tilespmem:$0x1CC00] =	vst v63  }
0x196: {  	_ =	swait.ge [sflag:s6], $0x1000  }
0x197: {  	[sflag:s6] =	ssyncset.done $0x0  }
0x198: {  	s5 =	simm.s32 $0x7;
	s1 =	rddreg [dreg:$0xd];
	[sflag:s6] =	ssyncadd.s32 $0xFFFFF000  }
0x199: {  	[tilespmem:s9], [sflag:$0x6] =	stream.indirect.gather [hbm4b:s7+s15], $0x80, s1, s15, $0xb8;
	[tilespmem:$0x1CC00] =	vst v63  }
0x19a: {  	_ =	swait.ge [sflag:s5], $0x1000  }
0x19b: {  	[sflag:s5] =	ssyncset.done $0x0  }
0x19c: {  	s16 =	simm.s32 $0x7000;
	s2 =	rddreg [dreg:$0xe];
	[sflag:s5] =	ssyncadd.s32 $0xFFFFF000  }
0x19d: {  	[spmem:s20] =	stream.indirect.scatter.add.f32 [tilespmem:s16], [sflag:$0xF], $0x80, s2, s15, $0xb8;
	[tilespmem:$0x1CC00] =	vst v63  }
0x19e: {  	s2 =	simm.s32 $0xF  }
0x19f: {  	_ =	swait.ge [sflag:s2], $0x1000  }
0x1a0: {  	[sflag:s2] =	ssyncset.done $0x0  }
0x1a1: {  	s1 =	simm.s32 $0x8;
	s4 =	rddreg [dreg:$0xf];
	[sflag:s2] =	ssyncadd.s32 $0xFFFFF000  }
0x1a2: {  	[tilespmem:s16], [sflag:$0x7] =	stream.indirect.gather [hbm4b:s7+s15], $0x80, s4, s15, $0xb8;
	[tilespmem:$0x1CC00] =	vst v63  }
0x1a3: {  	_ =	swait.ge [sflag:s1], $0x1000  }
0x1a4: {  	s31 =	simm.s32 $0x10;
	s22 =	sadd.s32 $0xFFFFFFF8, s10;
	[sflag:s1] =	ssyncset.done $0x0  }
0x1a5: {  	s29 =	simm.s32 $0x8000;
	s14 =	rddreg [dreg:$0x10];
	[sflag:s1] =	ssyncadd.s32 $0xFFFFF000  }
0x1a6: {  	[spmem:s3] =	stream.indirect.scatter.add.f32 [tilespmem:s29], [sflag:$0x10], $0x80, s14, s15, $0xb8;
	[tilespmem:$0x1CC00] =	vst v63  }
0x1a7: {  	s20 =	smin.u32 s22, $0x138;
	s26 =	rddreg [dreg:$0x1a];
	_ =	swait.ge [sflag:s31], $0x1000  }
0x1a8: {  	s20 =	sshll.u32 s20, $0x7;
	s10 =	rddreg [dreg:$0x1b]  }
0x1a9: {  	[sflag:s31] =	ssyncset.done $0x0;
	s24 =	sadd.s32 s10, s20  }
0x1aa: {  	[sflag:s31] =	ssyncadd.s32 $0xFFFFF000;
	s31 =	rddreg [dreg:$0x19];
	s17 =	sshrl.u32 s24, $0x3  }
0x1ab: {  	s14 =	simm.s32 $0x0;
	s4 =	sadd.s32 s31, s17  }
0x1ac: {  	[tilespmem:s14], [sflag:$0x11] =	stream.linear.gather [hbm4b:s4+s14], $0x400, $0x38;
	[tilespmem:$0x1CC00] =	vst v63  }
0x1ad: {  	s17 =	sadd.s32 s26, s17;
	s4 =	simm.s32 $0x800  }
0x1ae: {  	[tilespmem:s4], [sflag:$0x11] =	stream.linear.gather [hbm4b:s17+s14], $0x400, $0x38;
	[tilespmem:$0x1CC00] =	vst v63  }
0x1af: {  	s20 =	rddreg [dreg:$0x11]  }
0x1b0: {  	[tilespmem:s29], [sflag:$0x8] =	stream.indirect.gather [hbm4b:s7+s15], $0x80, s20, s15, $0xb8;
	[tilespmem:$0x1CC00] =	vst v63  }
0x1b1: {  	_ =	swait.ge [sflag:s19], $0x1000  }
0x1b2: {  	[sflag:s19] =	ssyncset.done $0x0  }
0x1b3: {  	s22 =	simm.s32 $0x1000;
	s14 =	simm.s32 $0x400;
	[sflag:s19] =	ssyncadd.s32 $0xFFFFF000  }
0x1b4: {  	[spmem:s3] =	stream.indirect.scatter.add.f32 [tilespmem:s22], [sflag:$0x9], $0x80, s14, s15, $0xb8;
	[tilespmem:$0x1CC00] =	vst v63  }
0x1b5: {  	_ =	swait.ge [sflag:s28], $0x1000  }
0x1b6: {  	[sflag:s28] =	ssyncset.done $0x0  }
0x1b7: {  	[sflag:s28] =	ssyncadd.s32 $0xFFFFF000;
	s28 =	simm.s32 $0x11  }
0x1b8: {  	_ =	swait.ge [sflag:s28], $0x400  }
0x1b9: {  	[sflag:s28] =	ssyncset.done $0x0  }
0x1ba: {  	[sflag:s28] =	ssyncadd.s32 $0xFFFFFC00  }
0x1bb: {  	_ =	swait.ge [sflag:s28], $0x400  }
0x1bc: {  	[sflag:s28] =	ssyncset.done $0x0  }
0x1bd: {  	[sflag:s28] =	ssyncadd.s32 $0xFFFFFC00  }
0x1be: {  	[tilespmem:s22], [sflag:$0x1] =	stream.indirect.gather [hbm4b:s7+s15], $0x80, s4, s15, $0xb8;
	[tilespmem:$0x1CC00] =	vst v63  }
0x1bf: {  	_ =	swait.ge [sflag:s23], $0x1000  }
0x1c0: {  	[sflag:s23] =	ssyncset.done $0x0  }
0x1c1: {  	s24 =	simm.s32 $0x2000;
	s4 =	rddreg [dreg:$0x12];
	[sflag:s23] =	ssyncadd.s32 $0xFFFFF000  }
0x1c2: {  	[spmem:s3] =	stream.indirect.scatter.add.f32 [tilespmem:s24], [sflag:$0xA], $0x80, s4, s15, $0xb8;
	[tilespmem:$0x1CC00] =	vst v63  }
0x1c3: {  	_ =	swait.ge [sflag:s25], $0x1000  }
0x1c4: {  	[sflag:s25] =	ssyncset.done $0x0  }
0x1c5: {  	s17 =	simm.s32 $0x880;
	[sflag:s25] =	ssyncadd.s32 $0xFFFFF000  }
0x1c6: {  	[tilespmem:s24], [sflag:$0x2] =	stream.indirect.gather [hbm4b:s7+s15], $0x80, s17, s15, $0xb8;
	[tilespmem:$0x1CC00] =	vst v63  }
0x1c7: {  	_ =	swait.ge [sflag:s21], $0x1000  }
0x1c8: {  	[sflag:s21] =	ssyncset.done $0x0  }
0x1c9: {  	s20 =	simm.s32 $0x3000;
	s19 =	rddreg [dreg:$0x13];
	[sflag:s21] =	ssyncadd.s32 $0xFFFFF000  }
0x1ca: {  	[spmem:s3] =	stream.indirect.scatter.add.f32 [tilespmem:s20], [sflag:$0xB], $0x80, s19, s15, $0xb8;
	[tilespmem:$0x1CC00] =	vst v63  }
0x1cb: {  	_ =	swait.ge [sflag:s30], $0x1000  }
0x1cc: {  	[sflag:s30] =	ssyncset.done $0x0  }
0x1cd: {  	s21 =	simm.s32 $0x900;
	[sflag:s30] =	ssyncadd.s32 $0xFFFFF000  }
0x1ce: {  	[tilespmem:s20], [sflag:$0x3] =	stream.indirect.gather [hbm4b:s7+s15], $0x80, s21, s15, $0xb8;
	[tilespmem:$0x1CC00] =	vst v63  }
0x1cf: {  	_ =	swait.ge [sflag:s11], $0x1000  }
0x1d0: {  	[sflag:s11] =	ssyncset.done $0x0  }
0x1d1: {  	s25 =	simm.s32 $0x4000;
	s23 =	rddreg [dreg:$0x14];
	[sflag:s11] =	ssyncadd.s32 $0xFFFFF000  }
0x1d2: {  	[spmem:s3] =	stream.indirect.scatter.add.f32 [tilespmem:s25], [sflag:$0xC], $0x80, s23, s15, $0xb8;
	[tilespmem:$0x1CC00] =	vst v63  }
0x1d3: {  	_ =	swait.ge [sflag:s12], $0x1000  }
0x1d4: {  	[sflag:s12] =	ssyncset.done $0x0  }
0x1d5: {  	s28 =	simm.s32 $0x980;
	[sflag:s12] =	ssyncadd.s32 $0xFFFFF000  }
0x1d6: {  	[tilespmem:s25], [sflag:$0x4] =	stream.indirect.gather [hbm4b:s7+s15], $0x80, s28, s15, $0xb8;
	[tilespmem:$0x1CC00] =	vst v63  }
0x1d7: {  	_ =	swait.ge [sflag:s13], $0x1000  }
0x1d8: {  	[sflag:s13] =	ssyncset.done $0x0  }
0x1d9: {  	s4 =	simm.s32 $0x5000;
	s30 =	rddreg [dreg:$0x15];
	[sflag:s13] =	ssyncadd.s32 $0xFFFFF000  }
0x1da: {  	[spmem:s3] =	stream.indirect.scatter.add.f32 [tilespmem:s4], [sflag:$0xD], $0x80, s30, s15, $0xb8;
	[tilespmem:$0x1CC00] =	vst v63  }
0x1db: {  	_ =	swait.ge [sflag:s0], $0x1000  }
0x1dc: {  	[sflag:s0] =	ssyncset.done $0x0  }
0x1dd: {  	s12 =	simm.s32 $0xA00;
	[sflag:s0] =	ssyncadd.s32 $0xFFFFF000  }
0x1de: {  	[tilespmem:s4], [sflag:$0x5] =	stream.indirect.gather [hbm4b:s7+s15], $0x80, s12, s15, $0xb8;
	[tilespmem:$0x1CC00] =	vst v63  }
0x1df: {  	_ =	swait.ge [sflag:s8], $0x1000  }
0x1e0: {  	[sflag:s8] =	ssyncset.done $0x0  }
0x1e1: {  	s13 =	rddreg [dreg:$0x16];
	[sflag:s8] =	ssyncadd.s32 $0xFFFFF000  }
0x1e2: {  	[spmem:s3] =	stream.indirect.scatter.add.f32 [tilespmem:s9], [sflag:$0xE], $0x80, s13, s15, $0xb8;
	[tilespmem:$0x1CC00] =	vst v63  }
0x1e3: {  	_ =	swait.ge [sflag:s6], $0x1000  }
0x1e4: {  	[sflag:s6] =	ssyncset.done $0x0  }
0x1e5: {  	s19 =	simm.s32 $0xA80;
	[sflag:s6] =	ssyncadd.s32 $0xFFFFF000  }
0x1e6: {  	[tilespmem:s9], [sflag:$0x6] =	stream.indirect.gather [hbm4b:s7+s15], $0x80, s19, s15, $0xb8;
	[tilespmem:$0x1CC00] =	vst v63  }
0x1e7: {  	_ =	swait.ge [sflag:s5], $0x1000  }
0x1e8: {  	[sflag:s5] =	ssyncset.done $0x0  }
0x1e9: {  	s20 =	rddreg [dreg:$0x17];
	[sflag:s5] =	ssyncadd.s32 $0xFFFFF000  }
0x1ea: {  	[spmem:s3] =	stream.indirect.scatter.add.f32 [tilespmem:s16], [sflag:$0xF], $0x80, s20, s15, $0xb8;
	[tilespmem:$0x1CC00] =	vst v63  }
0x1eb: {  	_ =	swait.ge [sflag:s2], $0x1000  }
0x1ec: {  	p0 =	sne.s32 s18, $0x148;
	[sflag:s2] =	ssyncset.done $0x0  }
0x1ed: {  	s18 =	sadd.s32 $0x10, s18;
	s21 =	simm.s32 $0xB00;
	[sflag:s2] =	ssyncadd.s32 $0xFFFFF000  }
0x1ee: {  	[tilespmem:s16], [sflag:$0x7] =	stream.indirect.gather [hbm4b:s7+s15], $0x80, s21, s15, $0xb8;
	[tilespmem:$0x1CC00] =	vst v63  }
0x1ef: {  	s31 =	smov.u32 s31;
	s29 =	simm.s32 $0x8000;
	_ =	swait.ge [sflag:s1], $0x1000  }
0x1f0: {  	s17 =	simm.s32 $0xC00;
	[sflag:s1] =	ssyncset.done $0x0;
	s25 =	rddreg [dreg:$0x1c]  }
0x1f1: {  	s23 =	rddreg [dreg:$0x18];
	[sflag:s1] =	ssyncadd.s32 $0xFFFFF000;
	s28 =	smin.u32 s25, $0x138  }
0x1f2: {  	[spmem:s3] =	stream.indirect.scatter.add.f32 [tilespmem:s29], [sflag:$0x10], $0x80, s23, s15, $0xb8;
	[tilespmem:$0x1CC00] =	vst v63  }
0x1f3: {  	s0 =	smov.u32 s7;
	s9 =	sshll.u32 s28, $0x7;
	s29 =	simm.s32 $0x10  }
0x1f4: {  	s4 =	simm.s32 $0x8000;
	_ =	swait.ge [sflag:s29], $0x1000;
	s9 =	sadd.s32 s10, s9  }
.Ltmp1:
0x1f5: {  	[sflag:s29] =	ssyncset.done $0x0;
	s9 =	sshrl.u32 s9, $0x3;
	(pc) =	sbr.rel @p0 .LBB2_4-.Ltmp1, $4  }
0x1f6: {  	[sflag:s29] =	ssyncadd.s32 $0xFFFFF000;
	s30 =	sadd.s32 s31, s9;
	s31 =	simm.s32 $0x0  }
0x1f7: {  	[tilespmem:s14], [sflag:$0x12] =	stream.linear.gather [hbm4b:s30+s31], $0x400, $0x38;
	[tilespmem:$0x1CC00] =	vst v63  }
0x1f8: {  	s19 =	simm.s32 $0x1;
	s20 =	smov.u32 s3;
	s9 =	sadd.s32 s26, s9  }
0x1f9: {  	[tilespmem:s17], [sflag:$0x12] =	stream.linear.gather [hbm4b:s9+s31], $0x400, $0x38;
	[tilespmem:$0x1CC00] =	vst v63  }
0x1fa: {  	s1 =	simm.s32 $0xB80  }
0x1fb: {  	[tilespmem:s4], [sflag:$0x8] =	stream.indirect.gather [hbm4b:s0+s15], $0x80, s1, s15, $0xb8;
	[tilespmem:$0x1CC00] =	vst v63  }
0x1fc: {  	_ =	swait.ge [sflag:s19], $0x1000  }
0x1fd: {  	[sflag:s19] =	ssyncset.done $0x0  }
0x1fe: {  	s17 =	simm.s32 $0x2;
	[sflag:s19] =	ssyncadd.s32 $0xFFFFF000  }
0x1ff: {  	_ =	swait.ge [sflag:s17], $0x1000  }
0x200: {  	[sflag:s17] =	ssyncset.done $0x0  }
0x201: {  	s18 =	simm.s32 $0x3;
	[sflag:s17] =	ssyncadd.s32 $0xFFFFF000  }
0x202: {  	_ =	swait.ge [sflag:s18], $0x1000  }
0x203: {  	[sflag:s18] =	ssyncset.done $0x0  }
0x204: {  	s21 =	simm.s32 $0x4;
	[sflag:s18] =	ssyncadd.s32 $0xFFFFF000  }
0x205: {  	_ =	swait.ge [sflag:s21], $0x1000  }
0x206: {  	[sflag:s21] =	ssyncset.done $0x0  }
0x207: {  	s23 =	simm.s32 $0x5;
	[sflag:s21] =	ssyncadd.s32 $0xFFFFF000  }
0x208: {  	_ =	swait.ge [sflag:s23], $0x1000  }
0x209: {  	[sflag:s23] =	ssyncset.done $0x0  }
0x20a: {  	s24 =	simm.s32 $0x6;
	[sflag:s23] =	ssyncadd.s32 $0xFFFFF000  }
0x20b: {  	_ =	swait.ge [sflag:s24], $0x1000  }
0x20c: {  	[sflag:s24] =	ssyncset.done $0x0  }
0x20d: {  	s25 =	simm.s32 $0x7;
	[sflag:s24] =	ssyncadd.s32 $0xFFFFF000  }
0x20e: {  	_ =	swait.ge [sflag:s25], $0x1000  }
0x20f: {  	[sflag:s25] =	ssyncset.done $0x0  }
0x210: {  	s26 =	simm.s32 $0x8;
	[sflag:s25] =	ssyncadd.s32 $0xFFFFF000  }
0x211: {  	_ =	swait.ge [sflag:s26], $0x1000  }
0x212: {  	[sflag:s26] =	ssyncset.done $0x0  }
0x213: {  	s28 =	simm.s32 $0x12;
	[sflag:s26] =	ssyncadd.s32 $0xFFFFF000  }
0x214: {  	_ =	swait.ge [sflag:s28], $0x400  }
0x215: {  	[sflag:s28] =	ssyncset.done $0x0  }
0x216: {  	[sflag:s28] =	ssyncadd.s32 $0xFFFFFC00  }
0x217: {  	_ =	swait.ge [sflag:s28], $0x400  }
0x218: {  	[sflag:s28] =	ssyncset.done $0x0  }
0x219: {  	[sflag:s28] =	ssyncadd.s32 $0xFFFFFC00  }
0x21a: {  	[bflag:$0x0] =	sbarrier.arrive $0xFFFF  }
0x21b: {  	s9 =	stileid.u32;
	s18 =	sld [smem:$0x7F4]  }
0x21c: {  	s9 =	sshll.u32 s9, $0x6;
	s24 =	rddreg [dreg:$0x1d]  }
0x21d: {  	s9 =	sor.u32 $0x1C13, s9;
	s17 =	sshrl.u32 s24, $0x3  }
0x21e: {  	[hbm:s18], [sflag:s9] =	dma.local [spmem:s17], $0x2780  }
0x21f: {  	s17 =	simm.s32 $0x13  }
0x220: {  	_ =	swait.ge [sflag:s17], $0x2780  }
0x221: {  	s30 =	sld [smem:$0x7E6]  }
0x222: {  	s31 =	sld [smem:$0x7F5];
	_ =	sdelay $0x1  }
0x223: {  	s18 =	sadd.s32 $0x1, s30  }
0x224: {  	p0 =	sne.s32 s18, s31  }
.Ltmp2:
0x225: {  	_ = 	snop;
	(pc) =	sbr.rel @p0 .LBB2_1-.Ltmp2, $3  }
0x226: {  	_ =	sdelay $0x1  }
0x227: {  	s4 =	simm.s32 $0x0;
	[sflag:s17] =	ssyncset.done $0x0  }
0x228: {  	s1 =	simm.s32 $0x11;
	s29 =	rddreg [dreg:$0x1b];
	[sflag:s17] =	ssyncadd.s32 $0xFFFFD880  }
0x229: {  	_ =	sfence.sel $0x180000  }
0x22a: {  	[bflag:$0x0] =	sbarrier.arrive $0xFFFF  }
0x22b: {  	_ =	strace $0x90000047  }
0x22c: {  	s0 =	stileid.u32;
	[bflag:$0x2] =	sbarrier.arrive $0xFFFF  }
0x22d: {  	p0 =	sne.s32 s0, $0x0;
	s0 =	rddreg [dreg:$0x3]  }
0x22e: {  	s0 =	sadd.s32 @!p0 $0x100000, s0  }
0x22f: {  	[sflag:s0] =	ssyncadd.tile.s32 @!p0 $0x1;
	_ =	shalt  }
.Lfunc_end2:
_tile_overlayer_lowered:
.L_overlay_start_2:
0x230: {  	(tag) =	ssettag $0x2  }
0x231: {  	s0 =	rddreg [dreg:$0x0];
	s2 =	stileid.u32  }
0x232: {  	s1 =	rddreg [dreg:$0x1];
	p0 =	sne.s32 s2, $0x0  }
0x233: {  	s3 =	rddreg [dreg:$0x2];
	[bflag:$0x3] =	sbarrier.arrive $0xFFFF;
	s2 =	simm.s32 @!p0 $0x1C13  }
0x234: {  	[timem:s3], [sflag:s2] =	dma.local @!p0 [hbm:s0], s1  }
0x235: {  	s0 =	simm.s32 @!p0 $0x13  }
0x236: {  	_ =	swait.ge @!p0 [sflag:s0], s1  }
0x237: {  	s1 =	ssub.s32 @!p0 $0x0, s1;
	[sflag:s0] =	ssyncset.done @!p0 $0x0  }
0x238: {  	[sflag:s0] =	ssyncadd.s32 @!p0 s1  }
0x239: {  	[bflag:$0x3] =	sbarrier.arrive $0xFFFF  }
0x23a: {  	_ =	shalt  }

</sc_bundles>
